<compile_context>
chip_gen: v7x
topology: tpu7x:2x2x1
jax: 0.10.2.dev20260603
libtpu: 0.0.44.dev20260713+nightly
codegen_flags: <defaults>
</compile_context>

<pallas_src>
import functools

import jax
import jax.numpy as jnp
from jax import lax
from jax.experimental import pallas as pl
from jax.experimental.pallas import tpu as pltpu
from jax.experimental.pallas import tpu_sc as plsc

N = 10000
D = 128
E = 320000
NC = 2
NS = 16
NW = NC * NS
BLK = 120
NBW = 166
TBLK = 80
EPW = NBW * BLK
TBASE = EPW * NW
RPT = 624
TAIL = N - RPT * NS
TAIL0 = RPT * NS


def _mm_body(x_ref, w_ref, o_ref):
    o_ref[...] = jnp.dot(x_ref[...], w_ref[0],
                         preferred_element_type=jnp.float32)


def _combine_body(p0_ref, p1_ref, b_ref, o_ref):
    o_ref[...] = jnp.maximum(p0_ref[...] + p1_ref[...] + b_ref[...], 0.0)


def _sc_segment_sum(pre, srcc, dstc, zeros):
    mesh = plsc.VectorSubcoreMesh(core_axis_name="c", subcore_axis_name="s")

    @functools.partial(
        pl.kernel,
        mesh=mesh,
        out_type=[jax.ShapeDtypeStruct((N, D), jnp.float32)] * 2,
        scratch_types=[
            pltpu.VMEM_SHARED((N, D), jnp.float32),
            pltpu.VMEM((6, BLK), jnp.int32),
            pltpu.VMEM((6, BLK), jnp.int32),
            pltpu.VMEM((BLK, D), jnp.float32),
            pltpu.VMEM((BLK, D), jnp.float32),
            pltpu.VMEM((BLK, D), jnp.float32),
            pltpu.VMEM((TBLK,), jnp.int32),
            pltpu.VMEM((TBLK,), jnp.int32),
        ] + [pltpu.SemaphoreType.DMA] * 13,
    )
    def k(pre_hbm, src_hbm, dst_hbm, z_hbm, out0_hbm, out1_hbm,
          acc, idx_s, idx_d, r0, r1, r2, tis, tid, *sems):
        c = lax.axis_index("c")
        s = lax.axis_index("s")
        wid = c * NS + s
        row0 = s * RPT
        base = wid * EPW
        sis = sems[0:6]
        sgs = sems[6:9]
        sss = sems[9:12]
        sts = sems[12]
        rows = (r0, r1, r2)

        def start_idx(j, v):
            pltpu.async_copy(src_hbm.at[pl.ds(base + j * BLK, BLK)],
                             idx_s.at[v], sis[v])
            pltpu.async_copy(dst_hbm.at[pl.ds(base + j * BLK, BLK)],
                             idx_d.at[v], sis[v])

        def wait_idx(v):
            pltpu.make_async_copy(src_hbm.at[pl.ds(0, BLK)],
                                  idx_s.at[v], sis[v]).wait()
            pltpu.make_async_copy(dst_hbm.at[pl.ds(0, BLK)],
                                  idx_d.at[v], sis[v]).wait()

        def start_gather(u, v):
            pltpu.async_copy(pre_hbm.at[idx_s.at[v]], rows[u], sgs[u])

        def wait_gather(u, v):
            pltpu.make_async_copy(pre_hbm.at[idx_s.at[v]], rows[u],
                                  sgs[u]).wait()

        def wait_scatter(u, v):
            pltpu.make_async_copy(rows[u], acc.at[idx_d.at[v]],
                                  sss[u]).wait()

        pltpu.async_copy(src_hbm.at[pl.ds(TBASE + wid * TBLK, TBLK)], tis, sts)
        pltpu.async_copy(dst_hbm.at[pl.ds(TBASE + wid * TBLK, TBLK)], tid, sts)
        for v in range(4):
            start_idx(v, v)
        wait_idx(0)
        start_gather(0, 0)
        wait_idx(1)
        start_gather(1, 1)

        pltpu.sync_copy(z_hbm.at[pl.ds(row0, RPT)], acc.at[pl.ds(row0, RPT)])

        @pl.when(s == NS - 1)
        def _():
            pltpu.sync_copy(z_hbm.at[pl.ds(TAIL0, TAIL)],
                            acc.at[pl.ds(TAIL0, TAIL)])

        plsc.subcore_barrier()

        def sub(j, t, first, do_idx, do_gather):
            u, v = t % 3, t % 6
            un = up = (t + 2) % 3
            vg, vp = (t + 2) % 6, (t + 4) % 6
            wait_gather(u, v)
            pltpu.async_copy(rows[u], acc.at[idx_d.at[v]], sss[u], add=True)
            if not first:
                wait_scatter(up, vp)
            if do_idx:
                start_idx(j + 4, vp)
            if do_gather:
                wait_idx(vg)
                start_gather(un, vg)

        for j in range(6):
            sub(j, j, j == 0, True, True)

        def body(k6, carry):
            j6 = 6 + k6 * 6
            for t in range(6):
                sub(j6 + t, t, False, True, True)
            return carry

        lax.fori_loop(0, (NBW - 10) // 6, body, 0)
        jp = NBW - 4
        for i in range(4):
            j = jp + i
            sub(j, j % 6, False, False, i < 2)
        wait_scatter((NBW - 1) % 3, (NBW - 1) % 6)
        pltpu.make_async_copy(src_hbm.at[pl.ds(0, TBLK)], tis, sts).wait()
        pltpu.make_async_copy(dst_hbm.at[pl.ds(0, TBLK)], tid, sts).wait()
        pltpu.async_copy(pre_hbm.at[tis], r2.at[pl.ds(0, TBLK)], sts).wait()
        pltpu.sync_copy(r2.at[pl.ds(0, TBLK)], acc.at[tid], add=True)

        plsc.subcore_barrier()

        @pl.when(c == 0)
        def _():
            pltpu.sync_copy(acc.at[pl.ds(row0, RPT)], out0_hbm.at[pl.ds(row0, RPT)])

            @pl.when(s == NS - 1)
            def _():
                pltpu.sync_copy(acc.at[pl.ds(TAIL0, TAIL)],
                                out0_hbm.at[pl.ds(TAIL0, TAIL)])

        @pl.when(c == 1)
        def _():
            pltpu.sync_copy(acc.at[pl.ds(row0, RPT)], out1_hbm.at[pl.ds(row0, RPT)])

            @pl.when(s == NS - 1)
            def _():
                pltpu.sync_copy(acc.at[pl.ds(TAIL0, TAIL)],
                                out1_hbm.at[pl.ds(TAIL0, TAIL)])

    return k(pre, srcc, dstc, zeros)


def kernel(x, edge_index0, edge_index1, W0, W1, b):
    src0 = edge_index0[0].astype(jnp.int32)
    dst0 = edge_index0[1].astype(jnp.int32)
    src1 = edge_index1[0].astype(jnp.int32)
    dst1 = edge_index1[1].astype(jnp.int32)
    srcc = jnp.concatenate([src0, src1 + N])
    dstc = jnp.concatenate([dst0, dst1])
    wcat = jnp.stack([W0, W1])
    pre = pl.pallas_call(
        _mm_body,
        grid=(10,),
        in_specs=[pl.BlockSpec((2000, D), lambda i: (i % 5, 0)),
                  pl.BlockSpec((1, D, D), lambda i: (i // 5, 0, 0))],
        out_specs=pl.BlockSpec((2000, D), lambda i: (i, 0)),
        out_shape=jax.ShapeDtypeStruct((2 * N, D), jnp.float32),
    )(x, wcat)
    zeros = jnp.zeros((N, D), jnp.float32)
    part0, part1 = _sc_segment_sum(pre, srcc, dstc, zeros)
    b2 = jnp.reshape(b, (1, D))
    out = pl.pallas_call(
        _combine_body,
        grid=(5,),
        in_specs=[pl.BlockSpec((2000, D), lambda i: (i, 0)),
                  pl.BlockSpec((2000, D), lambda i: (i, 0)),
                  pl.BlockSpec((1, D), lambda i: (0, 0))],
        out_specs=pl.BlockSpec((2000, D), lambda i: (i, 0)),
        out_shape=jax.ShapeDtypeStruct((N, D), jnp.float32),
    )(part0, part1, b2)
    return out

# --- scband reference (transcript-rebuilt; emitter-appended) ---
"""Pipeline reference for scband-hmgconvolution-10711648436917 (READ-ONLY COPY).

The authoritative reference and input builder live on the scoring server;
editing this copy changes nothing except your own understanding.
"""

import jax, jax.numpy as jnp
import numpy as np

N = 10000
D_IN = 128
D_OUT = 128
E = 320000


def glorot(key, shape):
    init_range = np.sqrt(6.0 / (shape[0] + shape[1]))
    return jax.random.uniform(key, shape, dtype=jnp.float32, minval=-init_range, maxval=init_range)


def setup_inputs(seed: int = 0) -> dict:
    key = jax.random.key(seed)
    k1, k2, k3, k4, k5 = jax.random.split(key, 5)
    x = jax.random.normal(k1, (N, D_IN), dtype=jnp.float32)
    edge_index0 = jax.random.randint(k2, (2, E), 0, N, dtype=jnp.int64)
    edge_index1 = jax.random.randint(k3, (2, E), 0, N, dtype=jnp.int64)
    W0 = glorot(k4, (D_IN, D_OUT))
    W1 = glorot(k5, (D_IN, D_OUT))
    b = jnp.zeros((D_OUT,), dtype=jnp.float32)
    return {"x": x, "edge_index0": edge_index0, "edge_index1": edge_index1, "W0": W0, "W1": W1, "b": b}


def _spmm_binary(edge_index, dense):
    # support = A @ dense where A is binary sparse adjacency given by edge_index
    # row i of output = sum over edges (src, dst=i) of dense[src]
    src = edge_index[0]
    dst = edge_index[1]
    msgs = jnp.take(dense, src, axis=0)
    return jax.ops.segment_sum(msgs, dst, num_segments=N)


def reference(x, edge_index0, edge_index1, W0, W1, b):
    # HMGConvolution forward: multi_weight=True, adj_power=1, reweight_adj=False,
    # dropout disabled (dropout=False -> self.dropout=0.0), use_attention=False,
    # residual=False, bias=True, act=relu.
    # support_i = A_i @ (x @ W_i); output = relu(sum_i support_i + bias)
    pre_sup0 = jnp.dot(x, W0)
    sup0 = _spmm_binary(edge_index0, pre_sup0)
    pre_sup1 = jnp.dot(x, W1)
    sup1 = _spmm_binary(edge_index1, pre_sup1)
    output = sup0 + sup1
    output = output + b
    return jax.nn.relu(output)

if __name__ == "__main__":
    import jax
    _d = setup_inputs()
    print(jax.jit(kernel)(*tuple(_d.values())))

</pallas_src>

<mosaic_0001>
#map = affine_map<(d0, d1) -> (0, 0)>
#map1 = affine_map<(d0, d1) -> (0)>
module attributes {stable_mosaic.version = 14 : i64} {
  func.func @k(%arg0: i32, %arg1: i32, %arg2: memref<20000x128xf32, #tpu.memory_space<hbm>>, %arg3: memref<640000xi32, #tpu.memory_space<hbm>>, %arg4: memref<640000xi32, #tpu.memory_space<hbm>>, %arg5: memref<10000x128xf32, #tpu.memory_space<hbm>>, %arg6: memref<10000x128xf32, #tpu.memory_space<hbm>>, %arg7: memref<10000x128xf32, #tpu.memory_space<hbm>>, %arg8: memref<10000x128xf32, #tpu.memory_space<vmem_shared>>, %arg9: memref<6x120xi32, #tpu.memory_space<vmem>>, %arg10: memref<6x120xi32, #tpu.memory_space<vmem>>, %arg11: memref<120x128xf32, #tpu.memory_space<vmem>>, %arg12: memref<120x128xf32, #tpu.memory_space<vmem>>, %arg13: memref<120x128xf32, #tpu.memory_space<vmem>>, %arg14: memref<80xi32, #tpu.memory_space<vmem>>, %arg15: memref<80xi32, #tpu.memory_space<vmem>>, %arg16: memref<!tpu.dma_semaphore, #tpu.memory_space<semaphore_mem>>, %arg17: memref<!tpu.dma_semaphore, #tpu.memory_space<semaphore_mem>>, %arg18: memref<!tpu.dma_semaphore, #tpu.memory_space<semaphore_mem>>, %arg19: memref<!tpu.dma_semaphore, #tpu.memory_space<semaphore_mem>>, %arg20: memref<!tpu.dma_semaphore, #tpu.memory_space<semaphore_mem>>, %arg21: memref<!tpu.dma_semaphore, #tpu.memory_space<semaphore_mem>>, %arg22: memref<!tpu.dma_semaphore, #tpu.memory_space<semaphore_mem>>, %arg23: memref<!tpu.dma_semaphore, #tpu.memory_space<semaphore_mem>>, %arg24: memref<!tpu.dma_semaphore, #tpu.memory_space<semaphore_mem>>, %arg25: memref<!tpu.dma_semaphore, #tpu.memory_space<semaphore_mem>>, %arg26: memref<!tpu.dma_semaphore, #tpu.memory_space<semaphore_mem>>, %arg27: memref<!tpu.dma_semaphore, #tpu.memory_space<semaphore_mem>>, %arg28: memref<!tpu.dma_semaphore, #tpu.memory_space<semaphore_mem>>) attributes {dimension_semantics = [#tpu.dimension_semantics<core_parallel>, #tpu.dimension_semantics<subcore_parallel>], iteration_bounds = array<i64: 2, 16>, scalar_prefetch = 0 : i64, scratch_operands = 21 : i64, tpu.core_type = #tpu.core_type<sc_vector_subcore>, window_params = [{transform_indices = #map}, {transform_indices = #map1}, {transform_indices = #map1}, {transform_indices = #map}, {transform_indices = #map}, {transform_indices = #map}]} {
    %mul3A = arith.constant 16 : i32
    %mul3A_0 = arith.muli %arg0, %mul3A : i32
    %add3A = arith.addi %mul3A_0, %arg1 : i32
    %mul3A_1 = arith.constant 624 : i32
    %mul3A_2 = arith.muli %arg1, %mul3A_1 : i32
    %mul3A_3 = arith.constant 19920 : i32
    %mul3A_4 = arith.muli %add3A, %mul3A_3 : i32
    %mul3A_5 = arith.constant 80 : i32
    %mul3A_6 = arith.muli %add3A, %mul3A_5 : i32
    %add3A_7 = arith.constant 637440 : i32
    %add3A_8 = arith.addi %add3A_7, %mul3A_6 : i32
    %dma_start3A = tpu.memref_slice %arg3[%add3A_8] : memref<640000xi32, #tpu.memory_space<hbm>> -> memref<80xi32, #tpu.memory_space<hbm>>
    %dma_start3A_9 = tpu.memref_slice %arg3[%add3A_8] : memref<640000xi32, #tpu.memory_space<hbm>> -> memref<80xi32, #tpu.memory_space<hbm>>
    tpu.enqueue_dma source(%dma_start3A_9 : memref<80xi32, #tpu.memory_space<hbm>>) target(%arg14 : memref<80xi32, #tpu.memory_space<vmem>>) target_semaphore(%arg28 : memref<!tpu.dma_semaphore, #tpu.memory_space<semaphore_mem>>)
    %mul3A_10 = arith.constant 80 : i32
    %mul3A_11 = arith.muli %add3A, %mul3A_10 : i32
    %add3A_12 = arith.constant 637440 : i32
    %add3A_13 = arith.addi %add3A_12, %mul3A_11 : i32
    %dma_start3A_14 = tpu.memref_slice %arg4[%add3A_13] : memref<640000xi32, #tpu.memory_space<hbm>> -> memref<80xi32, #tpu.memory_space<hbm>>
    %dma_start3A_15 = tpu.memref_slice %arg4[%add3A_13] : memref<640000xi32, #tpu.memory_space<hbm>> -> memref<80xi32, #tpu.memory_space<hbm>>
    tpu.enqueue_dma source(%dma_start3A_15 : memref<80xi32, #tpu.memory_space<hbm>>) target(%arg15 : memref<80xi32, #tpu.memory_space<vmem>>) target_semaphore(%arg28 : memref<!tpu.dma_semaphore, #tpu.memory_space<semaphore_mem>>)
    %add3A_16 = arith.constant 0 : i32
    %add3A_17 = arith.addi %mul3A_4, %add3A_16 : i32
    %dma_start3A_18 = arith.constant 0 : i32
    %dma_start3A_19 = arith.constant 0 : i32
    %dma_start3A_20 = tpu.memref_slice %arg9[%dma_start3A_18, %dma_start3A_19] : memref<6x120xi32, #tpu.memory_space<vmem>> -> memref<1x120xi32, #tpu.memory_space<vmem>>
    %dma_start3A_21 = tpu.memref_squeeze %dma_start3A_20 : memref<1x120xi32, #tpu.memory_space<vmem>> -> memref<120xi32, #tpu.memory_space<vmem>>
    %dma_start3A_22 = tpu.memref_slice %arg3[%add3A_17] : memref<640000xi32, #tpu.memory_space<hbm>> -> memref<120xi32, #tpu.memory_space<hbm>>
    %dma_start3A_23 = arith.constant 0 : i32
    %dma_start3A_24 = tpu.memref_slice %arg9[%dma_start3A_18, %dma_start3A_23] : memref<6x120xi32, #tpu.memory_space<vmem>> -> memref<1x120xi32, #tpu.memory_space<vmem>>
    %dma_start3A_25 = tpu.memref_squeeze %dma_start3A_24 : memref<1x120xi32, #tpu.memory_space<vmem>> -> memref<120xi32, #tpu.memory_space<vmem>>
    %dma_start3A_26 = tpu.memref_slice %arg3[%add3A_17] : memref<640000xi32, #tpu.memory_space<hbm>> -> memref<120xi32, #tpu.memory_space<hbm>>
    tpu.enqueue_dma source(%dma_start3A_26 : memref<120xi32, #tpu.memory_space<hbm>>) target(%dma_start3A_25 : memref<120xi32, #tpu.memory_space<vmem>>) target_semaphore(%arg16 : memref<!tpu.dma_semaphore, #tpu.memory_space<semaphore_mem>>)
    %add3A_27 = arith.constant 0 : i32
    %add3A_28 = arith.addi %mul3A_4, %add3A_27 : i32
    %dma_start3A_29 = arith.constant 0 : i32
    %dma_start3A_30 = arith.constant 0 : i32
    %dma_start3A_31 = tpu.memref_slice %arg10[%dma_start3A_29, %dma_start3A_30] : memref<6x120xi32, #tpu.memory_space<vmem>> -> memref<1x120xi32, #tpu.memory_space<vmem>>
    %dma_start3A_32 = tpu.memref_squeeze %dma_start3A_31 : memref<1x120xi32, #tpu.memory_space<vmem>> -> memref<120xi32, #tpu.memory_space<vmem>>
    %dma_start3A_33 = tpu.memref_slice %arg4[%add3A_28] : memref<640000xi32, #tpu.memory_space<hbm>> -> memref<120xi32, #tpu.memory_space<hbm>>
    %dma_start3A_34 = arith.constant 0 : i32
    %dma_start3A_35 = tpu.memref_slice %arg10[%dma_start3A_29, %dma_start3A_34] : memref<6x120xi32, #tpu.memory_space<vmem>> -> memref<1x120xi32, #tpu.memory_space<vmem>>
    %dma_start3A_36 = tpu.memref_squeeze %dma_start3A_35 : memref<1x120xi32, #tpu.memory_space<vmem>> -> memref<120xi32, #tpu.memory_space<vmem>>
    %dma_start3A_37 = tpu.memref_slice %arg4[%add3A_28] : memref<640000xi32, #tpu.memory_space<hbm>> -> memref<120xi32, #tpu.memory_space<hbm>>
    tpu.enqueue_dma source(%dma_start3A_37 : memref<120xi32, #tpu.memory_space<hbm>>) target(%dma_start3A_36 : memref<120xi32, #tpu.memory_space<vmem>>) target_semaphore(%arg16 : memref<!tpu.dma_semaphore, #tpu.memory_space<semaphore_mem>>)
    %add3A_38 = arith.constant 120 : i32
    %add3A_39 = arith.addi %mul3A_4, %add3A_38 : i32
    %dma_start3A_40 = arith.constant 1 : i32
    %dma_start3A_41 = arith.constant 0 : i32
    %dma_start3A_42 = tpu.memref_slice %arg9[%dma_start3A_40, %dma_start3A_41] : memref<6x120xi32, #tpu.memory_space<vmem>> -> memref<1x120xi32, #tpu.memory_space<vmem>>
    %dma_start3A_43 = tpu.memref_squeeze %dma_start3A_42 : memref<1x120xi32, #tpu.memory_space<vmem>> -> memref<120xi32, #tpu.memory_space<vmem>>
    %dma_start3A_44 = tpu.memref_slice %arg3[%add3A_39] : memref<640000xi32, #tpu.memory_space<hbm>> -> memref<120xi32, #tpu.memory_space<hbm>>
    %dma_start3A_45 = arith.constant 0 : i32
    %dma_start3A_46 = tpu.memref_slice %arg9[%dma_start3A_40, %dma_start3A_45] : memref<6x120xi32, #tpu.memory_space<vmem>> -> memref<1x120xi32, #tpu.memory_space<vmem>>
    %dma_start3A_47 = tpu.memref_squeeze %dma_start3A_46 : memref<1x120xi32, #tpu.memory_space<vmem>> -> memref<120xi32, #tpu.memory_space<vmem>>
    %dma_start3A_48 = tpu.memref_slice %arg3[%add3A_39] : memref<640000xi32, #tpu.memory_space<hbm>> -> memref<120xi32, #tpu.memory_space<hbm>>
    tpu.enqueue_dma source(%dma_start3A_48 : memref<120xi32, #tpu.memory_space<hbm>>) target(%dma_start3A_47 : memref<120xi32, #tpu.memory_space<vmem>>) target_semaphore(%arg17 : memref<!tpu.dma_semaphore, #tpu.memory_space<semaphore_mem>>)
    %add3A_49 = arith.constant 120 : i32
    %add3A_50 = arith.addi %mul3A_4, %add3A_49 : i32
    %dma_start3A_51 = arith.constant 1 : i32
    %dma_start3A_52 = arith.constant 0 : i32
    %dma_start3A_53 = tpu.memref_slice %arg10[%dma_start3A_51, %dma_start3A_52] : memref<6x120xi32, #tpu.memory_space<vmem>> -> memref<1x120xi32, #tpu.memory_space<vmem>>
    %dma_start3A_54 = tpu.memref_squeeze %dma_start3A_53 : memref<1x120xi32, #tpu.memory_space<vmem>> -> memref<120xi32, #tpu.memory_space<vmem>>
    %dma_start3A_55 = tpu.memref_slice %arg4[%add3A_50] : memref<640000xi32, #tpu.memory_space<hbm>> -> memref<120xi32, #tpu.memory_space<hbm>>
    %dma_start3A_56 = arith.constant 0 : i32
    %dma_start3A_57 = tpu.memref_slice %arg10[%dma_start3A_51, %dma_start3A_56] : memref<6x120xi32, #tpu.memory_space<vmem>> -> memref<1x120xi32, #tpu.memory_space<vmem>>
    %dma_start3A_58 = tpu.memref_squeeze %dma_start3A_57 : memref<1x120xi32, #tpu.memory_space<vmem>> -> memref<120xi32, #tpu.memory_space<vmem>>
    %dma_start3A_59 = tpu.memref_slice %arg4[%add3A_50] : memref<640000xi32, #tpu.memory_space<hbm>> -> memref<120xi32, #tpu.memory_space<hbm>>
    tpu.enqueue_dma source(%dma_start3A_59 : memref<120xi32, #tpu.memory_space<hbm>>) target(%dma_start3A_58 : memref<120xi32, #tpu.memory_space<vmem>>) target_semaphore(%arg17 : memref<!tpu.dma_semaphore, #tpu.memory_space<semaphore_mem>>)
    %add3A_60 = arith.constant 240 : i32
    %add3A_61 = arith.addi %mul3A_4, %add3A_60 : i32
    %dma_start3A_62 = arith.constant 2 : i32
    %dma_start3A_63 = arith.constant 0 : i32
    %dma_start3A_64 = tpu.memref_slice %arg9[%dma_start3A_62, %dma_start3A_63] : memref<6x120xi32, #tpu.memory_space<vmem>> -> memref<1x120xi32, #tpu.memory_space<vmem>>
    %dma_start3A_65 = tpu.memref_squeeze %dma_start3A_64 : memref<1x120xi32, #tpu.memory_space<vmem>> -> memref<120xi32, #tpu.memory_space<vmem>>
    %dma_start3A_66 = tpu.memref_slice %arg3[%add3A_61] : memref<640000xi32, #tpu.memory_space<hbm>> -> memref<120xi32, #tpu.memory_space<hbm>>
    %dma_start3A_67 = arith.constant 0 : i32
    %dma_start3A_68 = tpu.memref_slice %arg9[%dma_start3A_62, %dma_start3A_67] : memref<6x120xi32, #tpu.memory_space<vmem>> -> memref<1x120xi32, #tpu.memory_space<vmem>>
    %dma_start3A_69 = tpu.memref_squeeze %dma_start3A_68 : memref<1x120xi32, #tpu.memory_space<vmem>> -> memref<120xi32, #tpu.memory_space<vmem>>
    %dma_start3A_70 = tpu.memref_slice %arg3[%add3A_61] : memref<640000xi32, #tpu.memory_space<hbm>> -> memref<120xi32, #tpu.memory_space<hbm>>
    tpu.enqueue_dma source(%dma_start3A_70 : memref<120xi32, #tpu.memory_space<hbm>>) target(%dma_start3A_69 : memref<120xi32, #tpu.memory_space<vmem>>) target_semaphore(%arg18 : memref<!tpu.dma_semaphore, #tpu.memory_space<semaphore_mem>>)
    %add3A_71 = arith.constant 240 : i32
    %add3A_72 = arith.addi %mul3A_4, %add3A_71 : i32
    %dma_start3A_73 = arith.constant 2 : i32
    %dma_start3A_74 = arith.constant 0 : i32
    %dma_start3A_75 = tpu.memref_slice %arg10[%dma_start3A_73, %dma_start3A_74] : memref<6x120xi32, #tpu.memory_space<vmem>> -> memref<1x120xi32, #tpu.memory_space<vmem>>
    %dma_start3A_76 = tpu.memref_squeeze %dma_start3A_75 : memref<1x120xi32, #tpu.memory_space<vmem>> -> memref<120xi32, #tpu.memory_space<vmem>>
    %dma_start3A_77 = tpu.memref_slice %arg4[%add3A_72] : memref<640000xi32, #tpu.memory_space<hbm>> -> memref<120xi32, #tpu.memory_space<hbm>>
    %dma_start3A_78 = arith.constant 0 : i32
    %dma_start3A_79 = tpu.memref_slice %arg10[%dma_start3A_73, %dma_start3A_78] : memref<6x120xi32, #tpu.memory_space<vmem>> -> memref<1x120xi32, #tpu.memory_space<vmem>>
    %dma_start3A_80 = tpu.memref_squeeze %dma_start3A_79 : memref<1x120xi32, #tpu.memory_space<vmem>> -> memref<120xi32, #tpu.memory_space<vmem>>
    %dma_start3A_81 = tpu.memref_slice %arg4[%add3A_72] : memref<640000xi32, #tpu.memory_space<hbm>> -> memref<120xi32, #tpu.memory_space<hbm>>
    tpu.enqueue_dma source(%dma_start3A_81 : memref<120xi32, #tpu.memory_space<hbm>>) target(%dma_start3A_80 : memref<120xi32, #tpu.memory_space<vmem>>) target_semaphore(%arg18 : memref<!tpu.dma_semaphore, #tpu.memory_space<semaphore_mem>>)
    %add3A_82 = arith.constant 360 : i32
    %add3A_83 = arith.addi %mul3A_4, %add3A_82 : i32
    %dma_start3A_84 = arith.constant 3 : i32
    %dma_start3A_85 = arith.constant 0 : i32
    %dma_start3A_86 = tpu.memref_slice %arg9[%dma_start3A_84, %dma_start3A_85] : memref<6x120xi32, #tpu.memory_space<vmem>> -> memref<1x120xi32, #tpu.memory_space<vmem>>
    %dma_start3A_87 = tpu.memref_squeeze %dma_start3A_86 : memref<1x120xi32, #tpu.memory_space<vmem>> -> memref<120xi32, #tpu.memory_space<vmem>>
    %dma_start3A_88 = tpu.memref_slice %arg3[%add3A_83] : memref<640000xi32, #tpu.memory_space<hbm>> -> memref<120xi32, #tpu.memory_space<hbm>>
    %dma_start3A_89 = arith.constant 0 : i32
    %dma_start3A_90 = tpu.memref_slice %arg9[%dma_start3A_84, %dma_start3A_89] : memref<6x120xi32, #tpu.memory_space<vmem>> -> memref<1x120xi32, #tpu.memory_space<vmem>>
    %dma_start3A_91 = tpu.memref_squeeze %dma_start3A_90 : memref<1x120xi32, #tpu.memory_space<vmem>> -> memref<120xi32, #tpu.memory_space<vmem>>
    %dma_start3A_92 = tpu.memref_slice %arg3[%add3A_83] : memref<640000xi32, #tpu.memory_space<hbm>> -> memref<120xi32, #tpu.memory_space<hbm>>
    tpu.enqueue_dma source(%dma_start3A_92 : memref<120xi32, #tpu.memory_space<hbm>>) target(%dma_start3A_91 : memref<120xi32, #tpu.memory_space<vmem>>) target_semaphore(%arg19 : memref<!tpu.dma_semaphore, #tpu.memory_space<semaphore_mem>>)
    %add3A_93 = arith.constant 360 : i32
    %add3A_94 = arith.addi %mul3A_4, %add3A_93 : i32
    %dma_start3A_95 = arith.constant 3 : i32
    %dma_start3A_96 = arith.constant 0 : i32
    %dma_start3A_97 = tpu.memref_slice %arg10[%dma_start3A_95, %dma_start3A_96] : memref<6x120xi32, #tpu.memory_space<vmem>> -> memref<1x120xi32, #tpu.memory_space<vmem>>
    %dma_start3A_98 = tpu.memref_squeeze %dma_start3A_97 : memref<1x120xi32, #tpu.memory_space<vmem>> -> memref<120xi32, #tpu.memory_space<vmem>>
    %dma_start3A_99 = tpu.memref_slice %arg4[%add3A_94] : memref<640000xi32, #tpu.memory_space<hbm>> -> memref<120xi32, #tpu.memory_space<hbm>>
    %dma_start3A_100 = arith.constant 0 : i32
    %dma_start3A_101 = tpu.memref_slice %arg10[%dma_start3A_95, %dma_start3A_100] : memref<6x120xi32, #tpu.memory_space<vmem>> -> memref<1x120xi32, #tpu.memory_space<vmem>>
    %dma_start3A_102 = tpu.memref_squeeze %dma_start3A_101 : memref<1x120xi32, #tpu.memory_space<vmem>> -> memref<120xi32, #tpu.memory_space<vmem>>
    %dma_start3A_103 = tpu.memref_slice %arg4[%add3A_94] : memref<640000xi32, #tpu.memory_space<hbm>> -> memref<120xi32, #tpu.memory_space<hbm>>
    tpu.enqueue_dma source(%dma_start3A_103 : memref<120xi32, #tpu.memory_space<hbm>>) target(%dma_start3A_102 : memref<120xi32, #tpu.memory_space<vmem>>) target_semaphore(%arg19 : memref<!tpu.dma_semaphore, #tpu.memory_space<semaphore_mem>>)
    %dma_wait3A = arith.constant 0 : i32
    %dma_wait3A_104 = arith.constant 0 : i32
    %dma_wait3A_105 = tpu.memref_slice %arg9[%dma_wait3A, %dma_wait3A_104] : memref<6x120xi32, #tpu.memory_space<vmem>> -> memref<1x120xi32, #tpu.memory_space<vmem>>
    %dma_wait3A_106 = tpu.memref_squeeze %dma_wait3A_105 : memref<1x120xi32, #tpu.memory_space<vmem>> -> memref<120xi32, #tpu.memory_space<vmem>>
    %dma_wait3A_107 = arith.constant 0 : i32
    %dma_wait3A_108 = tpu.memref_slice %arg3[%dma_wait3A_107] : memref<640000xi32, #tpu.memory_space<hbm>> -> memref<120xi32, #tpu.memory_space<hbm>>
    %dma_wait3A_109 = arith.constant 0 : i32
    %dma_wait3A_110 = tpu.memref_slice %arg9[%dma_wait3A, %dma_wait3A_109] : memref<6x120xi32, #tpu.memory_space<vmem>> -> memref<1x120xi32, #tpu.memory_space<vmem>>
    %dma_wait3A_111 = tpu.memref_squeeze %dma_wait3A_110 : memref<1x120xi32, #tpu.memory_space<vmem>> -> memref<120xi32, #tpu.memory_space<vmem>>
    %dma_wait3A_112 = arith.constant 0 : i32
    %dma_wait3A_113 = tpu.memref_slice %arg3[%dma_wait3A_112] : memref<640000xi32, #tpu.memory_space<hbm>> -> memref<120xi32, #tpu.memory_space<hbm>>
    tpu.wait_dma2 semaphore(%arg16 : memref<!tpu.dma_semaphore, #tpu.memory_space<semaphore_mem>>) src(%dma_wait3A_113 : memref<120xi32, #tpu.memory_space<hbm>>) dst(%dma_wait3A_111 : memref<120xi32, #tpu.memory_space<vmem>>)
    %dma_wait3A_114 = arith.constant 0 : i32
    %dma_wait3A_115 = arith.constant 0 : i32
    %dma_wait3A_116 = tpu.memref_slice %arg10[%dma_wait3A_114, %dma_wait3A_115] : memref<6x120xi32, #tpu.memory_space<vmem>> -> memref<1x120xi32, #tpu.memory_space<vmem>>
    %dma_wait3A_117 = tpu.memref_squeeze %dma_wait3A_116 : memref<1x120xi32, #tpu.memory_space<vmem>> -> memref<120xi32, #tpu.memory_space<vmem>>
    %dma_wait3A_118 = arith.constant 0 : i32
    %dma_wait3A_119 = tpu.memref_slice %arg4[%dma_wait3A_118] : memref<640000xi32, #tpu.memory_space<hbm>> -> memref<120xi32, #tpu.memory_space<hbm>>
    %dma_wait3A_120 = arith.constant 0 : i32
    %dma_wait3A_121 = tpu.memref_slice %arg10[%dma_wait3A_114, %dma_wait3A_120] : memref<6x120xi32, #tpu.memory_space<vmem>> -> memref<1x120xi32, #tpu.memory_space<vmem>>
    %dma_wait3A_122 = tpu.memref_squeeze %dma_wait3A_121 : memref<1x120xi32, #tpu.memory_space<vmem>> -> memref<120xi32, #tpu.memory_space<vmem>>
    %dma_wait3A_123 = arith.constant 0 : i32
    %dma_wait3A_124 = tpu.memref_slice %arg4[%dma_wait3A_123] : memref<640000xi32, #tpu.memory_space<hbm>> -> memref<120xi32, #tpu.memory_space<hbm>>
    tpu.wait_dma2 semaphore(%arg16 : memref<!tpu.dma_semaphore, #tpu.memory_space<semaphore_mem>>) src(%dma_wait3A_124 : memref<120xi32, #tpu.memory_space<hbm>>) dst(%dma_wait3A_122 : memref<120xi32, #tpu.memory_space<vmem>>)
    %dma_start3A_125 = arith.constant 0 : i32
    %dma_start3A_126 = arith.constant 0 : i32
    %dma_start3A_127 = tpu.memref_slice %arg9[%dma_start3A_125, %dma_start3A_126] : memref<6x120xi32, #tpu.memory_space<vmem>> -> memref<1x120xi32, #tpu.memory_space<vmem>>
    %dma_start3A_128 = tpu.memref_squeeze %dma_start3A_127 : memref<1x120xi32, #tpu.memory_space<vmem>> -> memref<120xi32, #tpu.memory_space<vmem>>
    %dma_start3A_129 = arith.constant 0 : i32
    %dma_start3A_130 = arith.constant 0 : i32
    %dma_start3A_131 = tpu.memref_slice %arg2[%dma_start3A_129, %dma_start3A_130] : memref<20000x128xf32, #tpu.memory_space<hbm>> -> memref<20000x128xf32, #tpu.memory_space<hbm>>
    tpu.enqueue_indirect_dma source(%dma_start3A_131 : memref<20000x128xf32, #tpu.memory_space<hbm>>) target(%arg11 : memref<120x128xf32, #tpu.memory_space<vmem>>) offsets(%dma_start3A_128 : memref<120xi32, #tpu.memory_space<vmem>>) semaphore(%arg22 : memref<!tpu.dma_semaphore, #tpu.memory_space<semaphore_mem>>)
    %dma_wait3A_132 = arith.constant 1 : i32
    %dma_wait3A_133 = arith.constant 0 : i32
    %dma_wait3A_134 = tpu.memref_slice %arg9[%dma_wait3A_132, %dma_wait3A_133] : memref<6x120xi32, #tpu.memory_space<vmem>> -> memref<1x120xi32, #tpu.memory_space<vmem>>
    %dma_wait3A_135 = tpu.memref_squeeze %dma_wait3A_134 : memref<1x120xi32, #tpu.memory_space<vmem>> -> memref<120xi32, #tpu.memory_space<vmem>>
    %dma_wait3A_136 = arith.constant 0 : i32
    %dma_wait3A_137 = tpu.memref_slice %arg3[%dma_wait3A_136] : memref<640000xi32, #tpu.memory_space<hbm>> -> memref<120xi32, #tpu.memory_space<hbm>>
    %dma_wait3A_138 = arith.constant 0 : i32
    %dma_wait3A_139 = tpu.memref_slice %arg9[%dma_wait3A_132, %dma_wait3A_138] : memref<6x120xi32, #tpu.memory_space<vmem>> -> memref<1x120xi32, #tpu.memory_space<vmem>>
    %dma_wait3A_140 = tpu.memref_squeeze %dma_wait3A_139 : memref<1x120xi32, #tpu.memory_space<vmem>> -> memref<120xi32, #tpu.memory_space<vmem>>
    %dma_wait3A_141 = arith.constant 0 : i32
    %dma_wait3A_142 = tpu.memref_slice %arg3[%dma_wait3A_141] : memref<640000xi32, #tpu.memory_space<hbm>> -> memref<120xi32, #tpu.memory_space<hbm>>
    tpu.wait_dma2 semaphore(%arg17 : memref<!tpu.dma_semaphore, #tpu.memory_space<semaphore_mem>>) src(%dma_wait3A_142 : memref<120xi32, #tpu.memory_space<hbm>>) dst(%dma_wait3A_140 : memref<120xi32, #tpu.memory_space<vmem>>)
    %dma_wait3A_143 = arith.constant 1 : i32
    %dma_wait3A_144 = arith.constant 0 : i32
    %dma_wait3A_145 = tpu.memref_slice %arg10[%dma_wait3A_143, %dma_wait3A_144] : memref<6x120xi32, #tpu.memory_space<vmem>> -> memref<1x120xi32, #tpu.memory_space<vmem>>
    %dma_wait3A_146 = tpu.memref_squeeze %dma_wait3A_145 : memref<1x120xi32, #tpu.memory_space<vmem>> -> memref<120xi32, #tpu.memory_space<vmem>>
    %dma_wait3A_147 = arith.constant 0 : i32
    %dma_wait3A_148 = tpu.memref_slice %arg4[%dma_wait3A_147] : memref<640000xi32, #tpu.memory_space<hbm>> -> memref<120xi32, #tpu.memory_space<hbm>>
    %dma_wait3A_149 = arith.constant 0 : i32
    %dma_wait3A_150 = tpu.memref_slice %arg10[%dma_wait3A_143, %dma_wait3A_149] : memref<6x120xi32, #tpu.memory_space<vmem>> -> memref<1x120xi32, #tpu.memory_space<vmem>>
    %dma_wait3A_151 = tpu.memref_squeeze %dma_wait3A_150 : memref<1x120xi32, #tpu.memory_space<vmem>> -> memref<120xi32, #tpu.memory_space<vmem>>
    %dma_wait3A_152 = arith.constant 0 : i32
    %dma_wait3A_153 = tpu.memref_slice %arg4[%dma_wait3A_152] : memref<640000xi32, #tpu.memory_space<hbm>> -> memref<120xi32, #tpu.memory_space<hbm>>
    tpu.wait_dma2 semaphore(%arg17 : memref<!tpu.dma_semaphore, #tpu.memory_space<semaphore_mem>>) src(%dma_wait3A_153 : memref<120xi32, #tpu.memory_space<hbm>>) dst(%dma_wait3A_151 : memref<120xi32, #tpu.memory_space<vmem>>)
    %dma_start3A_154 = arith.constant 1 : i32
    %dma_start3A_155 = arith.constant 0 : i32
    %dma_start3A_156 = tpu.memref_slice %arg9[%dma_start3A_154, %dma_start3A_155] : memref<6x120xi32, #tpu.memory_space<vmem>> -> memref<1x120xi32, #tpu.memory_space<vmem>>
    %dma_start3A_157 = tpu.memref_squeeze %dma_start3A_156 : memref<1x120xi32, #tpu.memory_space<vmem>> -> memref<120xi32, #tpu.memory_space<vmem>>
    %dma_start3A_158 = arith.constant 0 : i32
    %dma_start3A_159 = arith.constant 0 : i32
    %dma_start3A_160 = tpu.memref_slice %arg2[%dma_start3A_158, %dma_start3A_159] : memref<20000x128xf32, #tpu.memory_space<hbm>> -> memref<20000x128xf32, #tpu.memory_space<hbm>>
    tpu.enqueue_indirect_dma source(%dma_start3A_160 : memref<20000x128xf32, #tpu.memory_space<hbm>>) target(%arg12 : memref<120x128xf32, #tpu.memory_space<vmem>>) offsets(%dma_start3A_157 : memref<120xi32, #tpu.memory_space<vmem>>) semaphore(%arg23 : memref<!tpu.dma_semaphore, #tpu.memory_space<semaphore_mem>>)
    "tpu.region"() ({
      %run_scoped3A = tpu.sem_alloc : memref<!tpu.dma_semaphore, #tpu.memory_space<semaphore_mem>>
      %dma_start3A_773 = arith.constant 0 : i32
      %dma_start3A_774 = tpu.memref_slice %arg8[%mul3A_2, %dma_start3A_773] : memref<10000x128xf32, #tpu.memory_space<vmem_shared>> -> memref<624x128xf32, #tpu.memory_space<vmem_shared>>
      %dma_start3A_775 = arith.constant 0 : i32
      %dma_start3A_776 = tpu.memref_slice %arg5[%mul3A_2, %dma_start3A_775] : memref<10000x128xf32, #tpu.memory_space<hbm>> -> memref<624x128xf32, #tpu.memory_space<hbm>>
      tpu.enqueue_dma source(%dma_start3A_776 : memref<624x128xf32, #tpu.memory_space<hbm>>) target(%dma_start3A_774 : memref<624x128xf32, #tpu.memory_space<vmem_shared>>) target_semaphore(%run_scoped3A : memref<!tpu.dma_semaphore, #tpu.memory_space<semaphore_mem>>)
      %dma_wait3A_777 = arith.constant 0 : i32
      %dma_wait3A_778 = tpu.memref_slice %arg8[%mul3A_2, %dma_wait3A_777] : memref<10000x128xf32, #tpu.memory_space<vmem_shared>> -> memref<624x128xf32, #tpu.memory_space<vmem_shared>>
      %dma_wait3A_779 = arith.constant 0 : i32
      %dma_wait3A_780 = tpu.memref_slice %arg5[%mul3A_2, %dma_wait3A_779] : memref<10000x128xf32, #tpu.memory_space<hbm>> -> memref<624x128xf32, #tpu.memory_space<hbm>>
      tpu.wait_dma2 semaphore(%run_scoped3A : memref<!tpu.dma_semaphore, #tpu.memory_space<semaphore_mem>>) src(%dma_wait3A_780 : memref<624x128xf32, #tpu.memory_space<hbm>>) dst(%dma_wait3A_778 : memref<624x128xf32, #tpu.memory_space<vmem_shared>>)
      tpu.yield
    }) : () -> ()
    %eq3A = arith.constant 15 : i32
    %eq3A_161 = arith.cmpi eq, %arg1, %eq3A : i32
    %convert_element_type3A = arith.extui %eq3A_161 : i1 to i32
    %cond3A = arith.constant 0 : i32
    %cond3A_162 = arith.cmpi ne, %convert_element_type3A, %cond3A : i32
    scf.if %cond3A_162 {
      "tpu.region"() ({
        %run_scoped3A = tpu.sem_alloc : memref<!tpu.dma_semaphore, #tpu.memory_space<semaphore_mem>>
        %dma_start3A_773 = arith.constant 9984 : i32
        %dma_start3A_774 = arith.constant 0 : i32
        %dma_start3A_775 = tpu.memref_slice %arg8[%dma_start3A_773, %dma_start3A_774] : memref<10000x128xf32, #tpu.memory_space<vmem_shared>> -> memref<16x128xf32, #tpu.memory_space<vmem_shared>>
        %dma_start3A_776 = arith.constant 9984 : i32
        %dma_start3A_777 = arith.constant 0 : i32
        %dma_start3A_778 = tpu.memref_slice %arg5[%dma_start3A_776, %dma_start3A_777] : memref<10000x128xf32, #tpu.memory_space<hbm>> -> memref<16x128xf32, #tpu.memory_space<hbm>>
        tpu.enqueue_dma source(%dma_start3A_778 : memref<16x128xf32, #tpu.memory_space<hbm>>) target(%dma_start3A_775 : memref<16x128xf32, #tpu.memory_space<vmem_shared>>) target_semaphore(%run_scoped3A : memref<!tpu.dma_semaphore, #tpu.memory_space<semaphore_mem>>)
        %dma_wait3A_779 = arith.constant 9984 : i32
        %dma_wait3A_780 = arith.constant 0 : i32
        %dma_wait3A_781 = tpu.memref_slice %arg8[%dma_wait3A_779, %dma_wait3A_780] : memref<10000x128xf32, #tpu.memory_space<vmem_shared>> -> memref<16x128xf32, #tpu.memory_space<vmem_shared>>
        %dma_wait3A_782 = arith.constant 9984 : i32
        %dma_wait3A_783 = arith.constant 0 : i32
        %dma_wait3A_784 = tpu.memref_slice %arg5[%dma_wait3A_782, %dma_wait3A_783] : memref<10000x128xf32, #tpu.memory_space<hbm>> -> memref<16x128xf32, #tpu.memory_space<hbm>>
        tpu.wait_dma2 semaphore(%run_scoped3A : memref<!tpu.dma_semaphore, #tpu.memory_space<semaphore_mem>>) src(%dma_wait3A_784 : memref<16x128xf32, #tpu.memory_space<hbm>>) dst(%dma_wait3A_781 : memref<16x128xf32, #tpu.memory_space<vmem_shared>>)
        tpu.yield
      }) : () -> ()
    } else {
    }
    %barrier3A = arith.constant 0 : index
    tpu.barrier barrier_id(%barrier3A)
    %dma_wait3A_163 = arith.constant 0 : i32
    %dma_wait3A_164 = arith.constant 0 : i32
    %dma_wait3A_165 = tpu.memref_slice %arg9[%dma_wait3A_163, %dma_wait3A_164] : memref<6x120xi32, #tpu.memory_space<vmem>> -> memref<1x120xi32, #tpu.memory_space<vmem>>
    %dma_wait3A_166 = tpu.memref_squeeze %dma_wait3A_165 : memref<1x120xi32, #tpu.memory_space<vmem>> -> memref<120xi32, #tpu.memory_space<vmem>>
    %dma_wait3A_167 = arith.constant 0 : i32
    %dma_wait3A_168 = arith.constant 0 : i32
    %dma_wait3A_169 = tpu.memref_slice %arg2[%dma_wait3A_167, %dma_wait3A_168] : memref<20000x128xf32, #tpu.memory_space<hbm>> -> memref<20000x128xf32, #tpu.memory_space<hbm>>
    tpu.wait_indirect_dma semaphore(%arg22 : memref<!tpu.dma_semaphore, #tpu.memory_space<semaphore_mem>>) src(%dma_wait3A_169 : memref<20000x128xf32, #tpu.memory_space<hbm>>) dst(%arg11 : memref<120x128xf32, #tpu.memory_space<vmem>>)
    %dma_start3A_170 = arith.constant 0 : i32
    %dma_start3A_171 = arith.constant 0 : i32
    %dma_start3A_172 = tpu.memref_slice %arg10[%dma_start3A_170, %dma_start3A_171] : memref<6x120xi32, #tpu.memory_space<vmem>> -> memref<1x120xi32, #tpu.memory_space<vmem>>
    %dma_start3A_173 = tpu.memref_squeeze %dma_start3A_172 : memref<1x120xi32, #tpu.memory_space<vmem>> -> memref<120xi32, #tpu.memory_space<vmem>>
    %dma_start3A_174 = arith.constant 0 : i32
    %dma_start3A_175 = arith.constant 0 : i32
    %dma_start3A_176 = tpu.memref_slice %arg8[%dma_start3A_174, %dma_start3A_175] : memref<10000x128xf32, #tpu.memory_space<vmem_shared>> -> memref<10000x128xf32, #tpu.memory_space<vmem_shared>>
    tpu.enqueue_indirect_dma source(%arg11 : memref<120x128xf32, #tpu.memory_space<vmem>>) target(%dma_start3A_176 : memref<10000x128xf32, #tpu.memory_space<vmem_shared>>) offsets(%dma_start3A_173 : memref<120xi32, #tpu.memory_space<vmem>>) semaphore(%arg25 : memref<!tpu.dma_semaphore, #tpu.memory_space<semaphore_mem>>) {add = true}
    %add3A_177 = arith.constant 480 : i32
    %add3A_178 = arith.addi %mul3A_4, %add3A_177 : i32
    %dma_start3A_179 = arith.constant 4 : i32
    %dma_start3A_180 = arith.constant 0 : i32
    %dma_start3A_181 = tpu.memref_slice %arg9[%dma_start3A_179, %dma_start3A_180] : memref<6x120xi32, #tpu.memory_space<vmem>> -> memref<1x120xi32, #tpu.memory_space<vmem>>
    %dma_start3A_182 = tpu.memref_squeeze %dma_start3A_181 : memref<1x120xi32, #tpu.memory_space<vmem>> -> memref<120xi32, #tpu.memory_space<vmem>>
    %dma_start3A_183 = tpu.memref_slice %arg3[%add3A_178] : memref<640000xi32, #tpu.memory_space<hbm>> -> memref<120xi32, #tpu.memory_space<hbm>>
    %dma_start3A_184 = arith.constant 0 : i32
    %dma_start3A_185 = tpu.memref_slice %arg9[%dma_start3A_179, %dma_start3A_184] : memref<6x120xi32, #tpu.memory_space<vmem>> -> memref<1x120xi32, #tpu.memory_space<vmem>>
    %dma_start3A_186 = tpu.memref_squeeze %dma_start3A_185 : memref<1x120xi32, #tpu.memory_space<vmem>> -> memref<120xi32, #tpu.memory_space<vmem>>
    %dma_start3A_187 = tpu.memref_slice %arg3[%add3A_178] : memref<640000xi32, #tpu.memory_space<hbm>> -> memref<120xi32, #tpu.memory_space<hbm>>
    tpu.enqueue_dma source(%dma_start3A_187 : memref<120xi32, #tpu.memory_space<hbm>>) target(%dma_start3A_186 : memref<120xi32, #tpu.memory_space<vmem>>) target_semaphore(%arg20 : memref<!tpu.dma_semaphore, #tpu.memory_space<semaphore_mem>>)
    %add3A_188 = arith.constant 480 : i32
    %add3A_189 = arith.addi %mul3A_4, %add3A_188 : i32
    %dma_start3A_190 = arith.constant 4 : i32
    %dma_start3A_191 = arith.constant 0 : i32
    %dma_start3A_192 = tpu.memref_slice %arg10[%dma_start3A_190, %dma_start3A_191] : memref<6x120xi32, #tpu.memory_space<vmem>> -> memref<1x120xi32, #tpu.memory_space<vmem>>
    %dma_start3A_193 = tpu.memref_squeeze %dma_start3A_192 : memref<1x120xi32, #tpu.memory_space<vmem>> -> memref<120xi32, #tpu.memory_space<vmem>>
    %dma_start3A_194 = tpu.memref_slice %arg4[%add3A_189] : memref<640000xi32, #tpu.memory_space<hbm>> -> memref<120xi32, #tpu.memory_space<hbm>>
    %dma_start3A_195 = arith.constant 0 : i32
    %dma_start3A_196 = tpu.memref_slice %arg10[%dma_start3A_190, %dma_start3A_195] : memref<6x120xi32, #tpu.memory_space<vmem>> -> memref<1x120xi32, #tpu.memory_space<vmem>>
    %dma_start3A_197 = tpu.memref_squeeze %dma_start3A_196 : memref<1x120xi32, #tpu.memory_space<vmem>> -> memref<120xi32, #tpu.memory_space<vmem>>
    %dma_start3A_198 = tpu.memref_slice %arg4[%add3A_189] : memref<640000xi32, #tpu.memory_space<hbm>> -> memref<120xi32, #tpu.memory_space<hbm>>
    tpu.enqueue_dma source(%dma_start3A_198 : memref<120xi32, #tpu.memory_space<hbm>>) target(%dma_start3A_197 : memref<120xi32, #tpu.memory_space<vmem>>) target_semaphore(%arg20 : memref<!tpu.dma_semaphore, #tpu.memory_space<semaphore_mem>>)
    %dma_wait3A_199 = arith.constant 2 : i32
    %dma_wait3A_200 = arith.constant 0 : i32
    %dma_wait3A_201 = tpu.memref_slice %arg9[%dma_wait3A_199, %dma_wait3A_200] : memref<6x120xi32, #tpu.memory_space<vmem>> -> memref<1x120xi32, #tpu.memory_space<vmem>>
    %dma_wait3A_202 = tpu.memref_squeeze %dma_wait3A_201 : memref<1x120xi32, #tpu.memory_space<vmem>> -> memref<120xi32, #tpu.memory_space<vmem>>
    %dma_wait3A_203 = arith.constant 0 : i32
    %dma_wait3A_204 = tpu.memref_slice %arg3[%dma_wait3A_203] : memref<640000xi32, #tpu.memory_space<hbm>> -> memref<120xi32, #tpu.memory_space<hbm>>
    %dma_wait3A_205 = arith.constant 0 : i32
    %dma_wait3A_206 = tpu.memref_slice %arg9[%dma_wait3A_199, %dma_wait3A_205] : memref<6x120xi32, #tpu.memory_space<vmem>> -> memref<1x120xi32, #tpu.memory_space<vmem>>
    %dma_wait3A_207 = tpu.memref_squeeze %dma_wait3A_206 : memref<1x120xi32, #tpu.memory_space<vmem>> -> memref<120xi32, #tpu.memory_space<vmem>>
    %dma_wait3A_208 = arith.constant 0 : i32
    %dma_wait3A_209 = tpu.memref_slice %arg3[%dma_wait3A_208] : memref<640000xi32, #tpu.memory_space<hbm>> -> memref<120xi32, #tpu.memory_space<hbm>>
    tpu.wait_dma2 semaphore(%arg18 : memref<!tpu.dma_semaphore, #tpu.memory_space<semaphore_mem>>) src(%dma_wait3A_209 : memref<120xi32, #tpu.memory_space<hbm>>) dst(%dma_wait3A_207 : memref<120xi32, #tpu.memory_space<vmem>>)
    %dma_wait3A_210 = arith.constant 2 : i32
    %dma_wait3A_211 = arith.constant 0 : i32
    %dma_wait3A_212 = tpu.memref_slice %arg10[%dma_wait3A_210, %dma_wait3A_211] : memref<6x120xi32, #tpu.memory_space<vmem>> -> memref<1x120xi32, #tpu.memory_space<vmem>>
    %dma_wait3A_213 = tpu.memref_squeeze %dma_wait3A_212 : memref<1x120xi32, #tpu.memory_space<vmem>> -> memref<120xi32, #tpu.memory_space<vmem>>
    %dma_wait3A_214 = arith.constant 0 : i32
    %dma_wait3A_215 = tpu.memref_slice %arg4[%dma_wait3A_214] : memref<640000xi32, #tpu.memory_space<hbm>> -> memref<120xi32, #tpu.memory_space<hbm>>
    %dma_wait3A_216 = arith.constant 0 : i32
    %dma_wait3A_217 = tpu.memref_slice %arg10[%dma_wait3A_210, %dma_wait3A_216] : memref<6x120xi32, #tpu.memory_space<vmem>> -> memref<1x120xi32, #tpu.memory_space<vmem>>
    %dma_wait3A_218 = tpu.memref_squeeze %dma_wait3A_217 : memref<1x120xi32, #tpu.memory_space<vmem>> -> memref<120xi32, #tpu.memory_space<vmem>>
    %dma_wait3A_219 = arith.constant 0 : i32
    %dma_wait3A_220 = tpu.memref_slice %arg4[%dma_wait3A_219] : memref<640000xi32, #tpu.memory_space<hbm>> -> memref<120xi32, #tpu.memory_space<hbm>>
    tpu.wait_dma2 semaphore(%arg18 : memref<!tpu.dma_semaphore, #tpu.memory_space<semaphore_mem>>) src(%dma_wait3A_220 : memref<120xi32, #tpu.memory_space<hbm>>) dst(%dma_wait3A_218 : memref<120xi32, #tpu.memory_space<vmem>>)
    %dma_start3A_221 = arith.constant 2 : i32
    %dma_start3A_222 = arith.constant 0 : i32
    %dma_start3A_223 = tpu.memref_slice %arg9[%dma_start3A_221, %dma_start3A_222] : memref<6x120xi32, #tpu.memory_space<vmem>> -> memref<1x120xi32, #tpu.memory_space<vmem>>
    %dma_start3A_224 = tpu.memref_squeeze %dma_start3A_223 : memref<1x120xi32, #tpu.memory_space<vmem>> -> memref<120xi32, #tpu.memory_space<vmem>>
    %dma_start3A_225 = arith.constant 0 : i32
    %dma_start3A_226 = arith.constant 0 : i32
    %dma_start3A_227 = tpu.memref_slice %arg2[%dma_start3A_225, %dma_start3A_226] : memref<20000x128xf32, #tpu.memory_space<hbm>> -> memref<20000x128xf32, #tpu.memory_space<hbm>>
    tpu.enqueue_indirect_dma source(%dma_start3A_227 : memref<20000x128xf32, #tpu.memory_space<hbm>>) target(%arg13 : memref<120x128xf32, #tpu.memory_space<vmem>>) offsets(%dma_start3A_224 : memref<120xi32, #tpu.memory_space<vmem>>) semaphore(%arg24 : memref<!tpu.dma_semaphore, #tpu.memory_space<semaphore_mem>>)
    %dma_wait3A_228 = arith.constant 1 : i32
    %dma_wait3A_229 = arith.constant 0 : i32
    %dma_wait3A_230 = tpu.memref_slice %arg9[%dma_wait3A_228, %dma_wait3A_229] : memref<6x120xi32, #tpu.memory_space<vmem>> -> memref<1x120xi32, #tpu.memory_space<vmem>>
    %dma_wait3A_231 = tpu.memref_squeeze %dma_wait3A_230 : memref<1x120xi32, #tpu.memory_space<vmem>> -> memref<120xi32, #tpu.memory_space<vmem>>
    %dma_wait3A_232 = arith.constant 0 : i32
    %dma_wait3A_233 = arith.constant 0 : i32
    %dma_wait3A_234 = tpu.memref_slice %arg2[%dma_wait3A_232, %dma_wait3A_233] : memref<20000x128xf32, #tpu.memory_space<hbm>> -> memref<20000x128xf32, #tpu.memory_space<hbm>>
    tpu.wait_indirect_dma semaphore(%arg23 : memref<!tpu.dma_semaphore, #tpu.memory_space<semaphore_mem>>) src(%dma_wait3A_234 : memref<20000x128xf32, #tpu.memory_space<hbm>>) dst(%arg12 : memref<120x128xf32, #tpu.memory_space<vmem>>)
    %dma_start3A_235 = arith.constant 1 : i32
    %dma_start3A_236 = arith.constant 0 : i32
    %dma_start3A_237 = tpu.memref_slice %arg10[%dma_start3A_235, %dma_start3A_236] : memref<6x120xi32, #tpu.memory_space<vmem>> -> memref<1x120xi32, #tpu.memory_space<vmem>>
    %dma_start3A_238 = tpu.memref_squeeze %dma_start3A_237 : memref<1x120xi32, #tpu.memory_space<vmem>> -> memref<120xi32, #tpu.memory_space<vmem>>
    %dma_start3A_239 = arith.constant 0 : i32
    %dma_start3A_240 = arith.constant 0 : i32
    %dma_start3A_241 = tpu.memref_slice %arg8[%dma_start3A_239, %dma_start3A_240] : memref<10000x128xf32, #tpu.memory_space<vmem_shared>> -> memref<10000x128xf32, #tpu.memory_space<vmem_shared>>
    tpu.enqueue_indirect_dma source(%arg12 : memref<120x128xf32, #tpu.memory_space<vmem>>) target(%dma_start3A_241 : memref<10000x128xf32, #tpu.memory_space<vmem_shared>>) offsets(%dma_start3A_238 : memref<120xi32, #tpu.memory_space<vmem>>) semaphore(%arg26 : memref<!tpu.dma_semaphore, #tpu.memory_space<semaphore_mem>>) {add = true}
    %dma_wait3A_242 = arith.constant 5 : i32
    %dma_wait3A_243 = arith.constant 0 : i32
    %dma_wait3A_244 = tpu.memref_slice %arg10[%dma_wait3A_242, %dma_wait3A_243] : memref<6x120xi32, #tpu.memory_space<vmem>> -> memref<1x120xi32, #tpu.memory_space<vmem>>
    %dma_wait3A_245 = tpu.memref_squeeze %dma_wait3A_244 : memref<1x120xi32, #tpu.memory_space<vmem>> -> memref<120xi32, #tpu.memory_space<vmem>>
    %dma_wait3A_246 = arith.constant 0 : i32
    %dma_wait3A_247 = arith.constant 0 : i32
    %dma_wait3A_248 = tpu.memref_slice %arg8[%dma_wait3A_246, %dma_wait3A_247] : memref<10000x128xf32, #tpu.memory_space<vmem_shared>> -> memref<10000x128xf32, #tpu.memory_space<vmem_shared>>
    tpu.wait_indirect_dma semaphore(%arg25 : memref<!tpu.dma_semaphore, #tpu.memory_space<semaphore_mem>>) src(%arg11 : memref<120x128xf32, #tpu.memory_space<vmem>>) dst(%dma_wait3A_248 : memref<10000x128xf32, #tpu.memory_space<vmem_shared>>)
    %add3A_249 = arith.constant 600 : i32
    %add3A_250 = arith.addi %mul3A_4, %add3A_249 : i32
    %dma_start3A_251 = arith.constant 5 : i32
    %dma_start3A_252 = arith.constant 0 : i32
    %dma_start3A_253 = tpu.memref_slice %arg9[%dma_start3A_251, %dma_start3A_252] : memref<6x120xi32, #tpu.memory_space<vmem>> -> memref<1x120xi32, #tpu.memory_space<vmem>>
    %dma_start3A_254 = tpu.memref_squeeze %dma_start3A_253 : memref<1x120xi32, #tpu.memory_space<vmem>> -> memref<120xi32, #tpu.memory_space<vmem>>
    %dma_start3A_255 = tpu.memref_slice %arg3[%add3A_250] : memref<640000xi32, #tpu.memory_space<hbm>> -> memref<120xi32, #tpu.memory_space<hbm>>
    %dma_start3A_256 = arith.constant 0 : i32
    %dma_start3A_257 = tpu.memref_slice %arg9[%dma_start3A_251, %dma_start3A_256] : memref<6x120xi32, #tpu.memory_space<vmem>> -> memref<1x120xi32, #tpu.memory_space<vmem>>
    %dma_start3A_258 = tpu.memref_squeeze %dma_start3A_257 : memref<1x120xi32, #tpu.memory_space<vmem>> -> memref<120xi32, #tpu.memory_space<vmem>>
    %dma_start3A_259 = tpu.memref_slice %arg3[%add3A_250] : memref<640000xi32, #tpu.memory_space<hbm>> -> memref<120xi32, #tpu.memory_space<hbm>>
    tpu.enqueue_dma source(%dma_start3A_259 : memref<120xi32, #tpu.memory_space<hbm>>) target(%dma_start3A_258 : memref<120xi32, #tpu.memory_space<vmem>>) target_semaphore(%arg21 : memref<!tpu.dma_semaphore, #tpu.memory_space<semaphore_mem>>)
    %add3A_260 = arith.constant 600 : i32
    %add3A_261 = arith.addi %mul3A_4, %add3A_260 : i32
    %dma_start3A_262 = arith.constant 5 : i32
    %dma_start3A_263 = arith.constant 0 : i32
    %dma_start3A_264 = tpu.memref_slice %arg10[%dma_start3A_262, %dma_start3A_263] : memref<6x120xi32, #tpu.memory_space<vmem>> -> memref<1x120xi32, #tpu.memory_space<vmem>>
    %dma_start3A_265 = tpu.memref_squeeze %dma_start3A_264 : memref<1x120xi32, #tpu.memory_space<vmem>> -> memref<120xi32, #tpu.memory_space<vmem>>
    %dma_start3A_266 = tpu.memref_slice %arg4[%add3A_261] : memref<640000xi32, #tpu.memory_space<hbm>> -> memref<120xi32, #tpu.memory_space<hbm>>
    %dma_start3A_267 = arith.constant 0 : i32
    %dma_start3A_268 = tpu.memref_slice %arg10[%dma_start3A_262, %dma_start3A_267] : memref<6x120xi32, #tpu.memory_space<vmem>> -> memref<1x120xi32, #tpu.memory_space<vmem>>
    %dma_start3A_269 = tpu.memref_squeeze %dma_start3A_268 : memref<1x120xi32, #tpu.memory_space<vmem>> -> memref<120xi32, #tpu.memory_space<vmem>>
    %dma_start3A_270 = tpu.memref_slice %arg4[%add3A_261] : memref<640000xi32, #tpu.memory_space<hbm>> -> memref<120xi32, #tpu.memory_space<hbm>>
    tpu.enqueue_dma source(%dma_start3A_270 : memref<120xi32, #tpu.memory_space<hbm>>) target(%dma_start3A_269 : memref<120xi32, #tpu.memory_space<vmem>>) target_semaphore(%arg21 : memref<!tpu.dma_semaphore, #tpu.memory_space<semaphore_mem>>)
    %dma_wait3A_271 = arith.constant 3 : i32
    %dma_wait3A_272 = arith.constant 0 : i32
    %dma_wait3A_273 = tpu.memref_slice %arg9[%dma_wait3A_271, %dma_wait3A_272] : memref<6x120xi32, #tpu.memory_space<vmem>> -> memref<1x120xi32, #tpu.memory_space<vmem>>
    %dma_wait3A_274 = tpu.memref_squeeze %dma_wait3A_273 : memref<1x120xi32, #tpu.memory_space<vmem>> -> memref<120xi32, #tpu.memory_space<vmem>>
    %dma_wait3A_275 = arith.constant 0 : i32
    %dma_wait3A_276 = tpu.memref_slice %arg3[%dma_wait3A_275] : memref<640000xi32, #tpu.memory_space<hbm>> -> memref<120xi32, #tpu.memory_space<hbm>>
    %dma_wait3A_277 = arith.constant 0 : i32
    %dma_wait3A_278 = tpu.memref_slice %arg9[%dma_wait3A_271, %dma_wait3A_277] : memref<6x120xi32, #tpu.memory_space<vmem>> -> memref<1x120xi32, #tpu.memory_space<vmem>>
    %dma_wait3A_279 = tpu.memref_squeeze %dma_wait3A_278 : memref<1x120xi32, #tpu.memory_space<vmem>> -> memref<120xi32, #tpu.memory_space<vmem>>
    %dma_wait3A_280 = arith.constant 0 : i32
    %dma_wait3A_281 = tpu.memref_slice %arg3[%dma_wait3A_280] : memref<640000xi32, #tpu.memory_space<hbm>> -> memref<120xi32, #tpu.memory_space<hbm>>
    tpu.wait_dma2 semaphore(%arg19 : memref<!tpu.dma_semaphore, #tpu.memory_space<semaphore_mem>>) src(%dma_wait3A_281 : memref<120xi32, #tpu.memory_space<hbm>>) dst(%dma_wait3A_279 : memref<120xi32, #tpu.memory_space<vmem>>)
    %dma_wait3A_282 = arith.constant 3 : i32
    %dma_wait3A_283 = arith.constant 0 : i32
    %dma_wait3A_284 = tpu.memref_slice %arg10[%dma_wait3A_282, %dma_wait3A_283] : memref<6x120xi32, #tpu.memory_space<vmem>> -> memref<1x120xi32, #tpu.memory_space<vmem>>
    %dma_wait3A_285 = tpu.memref_squeeze %dma_wait3A_284 : memref<1x120xi32, #tpu.memory_space<vmem>> -> memref<120xi32, #tpu.memory_space<vmem>>
    %dma_wait3A_286 = arith.constant 0 : i32
    %dma_wait3A_287 = tpu.memref_slice %arg4[%dma_wait3A_286] : memref<640000xi32, #tpu.memory_space<hbm>> -> memref<120xi32, #tpu.memory_space<hbm>>
    %dma_wait3A_288 = arith.constant 0 : i32
    %dma_wait3A_289 = tpu.memref_slice %arg10[%dma_wait3A_282, %dma_wait3A_288] : memref<6x120xi32, #tpu.memory_space<vmem>> -> memref<1x120xi32, #tpu.memory_space<vmem>>
    %dma_wait3A_290 = tpu.memref_squeeze %dma_wait3A_289 : memref<1x120xi32, #tpu.memory_space<vmem>> -> memref<120xi32, #tpu.memory_space<vmem>>
    %dma_wait3A_291 = arith.constant 0 : i32
    %dma_wait3A_292 = tpu.memref_slice %arg4[%dma_wait3A_291] : memref<640000xi32, #tpu.memory_space<hbm>> -> memref<120xi32, #tpu.memory_space<hbm>>
    tpu.wait_dma2 semaphore(%arg19 : memref<!tpu.dma_semaphore, #tpu.memory_space<semaphore_mem>>) src(%dma_wait3A_292 : memref<120xi32, #tpu.memory_space<hbm>>) dst(%dma_wait3A_290 : memref<120xi32, #tpu.memory_space<vmem>>)
    %dma_start3A_293 = arith.constant 3 : i32
    %dma_start3A_294 = arith.constant 0 : i32
    %dma_start3A_295 = tpu.memref_slice %arg9[%dma_start3A_293, %dma_start3A_294] : memref<6x120xi32, #tpu.memory_space<vmem>> -> memref<1x120xi32, #tpu.memory_space<vmem>>
    %dma_start3A_296 = tpu.memref_squeeze %dma_start3A_295 : memref<1x120xi32, #tpu.memory_space<vmem>> -> memref<120xi32, #tpu.memory_space<vmem>>
    %dma_start3A_297 = arith.constant 0 : i32
    %dma_start3A_298 = arith.constant 0 : i32
    %dma_start3A_299 = tpu.memref_slice %arg2[%dma_start3A_297, %dma_start3A_298] : memref<20000x128xf32, #tpu.memory_space<hbm>> -> memref<20000x128xf32, #tpu.memory_space<hbm>>
    tpu.enqueue_indirect_dma source(%dma_start3A_299 : memref<20000x128xf32, #tpu.memory_space<hbm>>) target(%arg11 : memref<120x128xf32, #tpu.memory_space<vmem>>) offsets(%dma_start3A_296 : memref<120xi32, #tpu.memory_space<vmem>>) semaphore(%arg22 : memref<!tpu.dma_semaphore, #tpu.memory_space<semaphore_mem>>)
    %dma_wait3A_300 = arith.constant 2 : i32
    %dma_wait3A_301 = arith.constant 0 : i32
    %dma_wait3A_302 = tpu.memref_slice %arg9[%dma_wait3A_300, %dma_wait3A_301] : memref<6x120xi32, #tpu.memory_space<vmem>> -> memref<1x120xi32, #tpu.memory_space<vmem>>
    %dma_wait3A_303 = tpu.memref_squeeze %dma_wait3A_302 : memref<1x120xi32, #tpu.memory_space<vmem>> -> memref<120xi32, #tpu.memory_space<vmem>>
    %dma_wait3A_304 = arith.constant 0 : i32
    %dma_wait3A_305 = arith.constant 0 : i32
    %dma_wait3A_306 = tpu.memref_slice %arg2[%dma_wait3A_304, %dma_wait3A_305] : memref<20000x128xf32, #tpu.memory_space<hbm>> -> memref<20000x128xf32, #tpu.memory_space<hbm>>
    tpu.wait_indirect_dma semaphore(%arg24 : memref<!tpu.dma_semaphore, #tpu.memory_space<semaphore_mem>>) src(%dma_wait3A_306 : memref<20000x128xf32, #tpu.memory_space<hbm>>) dst(%arg13 : memref<120x128xf32, #tpu.memory_space<vmem>>)
    %dma_start3A_307 = arith.constant 2 : i32
    %dma_start3A_308 = arith.constant 0 : i32
    %dma_start3A_309 = tpu.memref_slice %arg10[%dma_start3A_307, %dma_start3A_308] : memref<6x120xi32, #tpu.memory_space<vmem>> -> memref<1x120xi32, #tpu.memory_space<vmem>>
    %dma_start3A_310 = tpu.memref_squeeze %dma_start3A_309 : memref<1x120xi32, #tpu.memory_space<vmem>> -> memref<120xi32, #tpu.memory_space<vmem>>
    %dma_start3A_311 = arith.constant 0 : i32
    %dma_start3A_312 = arith.constant 0 : i32
    %dma_start3A_313 = tpu.memref_slice %arg8[%dma_start3A_311, %dma_start3A_312] : memref<10000x128xf32, #tpu.memory_space<vmem_shared>> -> memref<10000x128xf32, #tpu.memory_space<vmem_shared>>
    tpu.enqueue_indirect_dma source(%arg13 : memref<120x128xf32, #tpu.memory_space<vmem>>) target(%dma_start3A_313 : memref<10000x128xf32, #tpu.memory_space<vmem_shared>>) offsets(%dma_start3A_310 : memref<120xi32, #tpu.memory_space<vmem>>) semaphore(%arg27 : memref<!tpu.dma_semaphore, #tpu.memory_space<semaphore_mem>>) {add = true}
    %dma_wait3A_314 = arith.constant 0 : i32
    %dma_wait3A_315 = arith.constant 0 : i32
    %dma_wait3A_316 = tpu.memref_slice %arg10[%dma_wait3A_314, %dma_wait3A_315] : memref<6x120xi32, #tpu.memory_space<vmem>> -> memref<1x120xi32, #tpu.memory_space<vmem>>
    %dma_wait3A_317 = tpu.memref_squeeze %dma_wait3A_316 : memref<1x120xi32, #tpu.memory_space<vmem>> -> memref<120xi32, #tpu.memory_space<vmem>>
    %dma_wait3A_318 = arith.constant 0 : i32
    %dma_wait3A_319 = arith.constant 0 : i32
    %dma_wait3A_320 = tpu.memref_slice %arg8[%dma_wait3A_318, %dma_wait3A_319] : memref<10000x128xf32, #tpu.memory_space<vmem_shared>> -> memref<10000x128xf32, #tpu.memory_space<vmem_shared>>
    tpu.wait_indirect_dma semaphore(%arg26 : memref<!tpu.dma_semaphore, #tpu.memory_space<semaphore_mem>>) src(%arg12 : memref<120x128xf32, #tpu.memory_space<vmem>>) dst(%dma_wait3A_320 : memref<10000x128xf32, #tpu.memory_space<vmem_shared>>)
    %add3A_321 = arith.constant 720 : i32
    %add3A_322 = arith.addi %mul3A_4, %add3A_321 : i32
    %dma_start3A_323 = arith.constant 0 : i32
    %dma_start3A_324 = arith.constant 0 : i32
    %dma_start3A_325 = tpu.memref_slice %arg9[%dma_start3A_323, %dma_start3A_324] : memref<6x120xi32, #tpu.memory_space<vmem>> -> memref<1x120xi32, #tpu.memory_space<vmem>>
    %dma_start3A_326 = tpu.memref_squeeze %dma_start3A_325 : memref<1x120xi32, #tpu.memory_space<vmem>> -> memref<120xi32, #tpu.memory_space<vmem>>
    %dma_start3A_327 = tpu.memref_slice %arg3[%add3A_322] : memref<640000xi32, #tpu.memory_space<hbm>> -> memref<120xi32, #tpu.memory_space<hbm>>
    %dma_start3A_328 = arith.constant 0 : i32
    %dma_start3A_329 = tpu.memref_slice %arg9[%dma_start3A_323, %dma_start3A_328] : memref<6x120xi32, #tpu.memory_space<vmem>> -> memref<1x120xi32, #tpu.memory_space<vmem>>
    %dma_start3A_330 = tpu.memref_squeeze %dma_start3A_329 : memref<1x120xi32, #tpu.memory_space<vmem>> -> memref<120xi32, #tpu.memory_space<vmem>>
    %dma_start3A_331 = tpu.memref_slice %arg3[%add3A_322] : memref<640000xi32, #tpu.memory_space<hbm>> -> memref<120xi32, #tpu.memory_space<hbm>>
    tpu.enqueue_dma source(%dma_start3A_331 : memref<120xi32, #tpu.memory_space<hbm>>) target(%dma_start3A_330 : memref<120xi32, #tpu.memory_space<vmem>>) target_semaphore(%arg16 : memref<!tpu.dma_semaphore, #tpu.memory_space<semaphore_mem>>)
    %add3A_332 = arith.constant 720 : i32
    %add3A_333 = arith.addi %mul3A_4, %add3A_332 : i32
    %dma_start3A_334 = arith.constant 0 : i32
    %dma_start3A_335 = arith.constant 0 : i32
    %dma_start3A_336 = tpu.memref_slice %arg10[%dma_start3A_334, %dma_start3A_335] : memref<6x120xi32, #tpu.memory_space<vmem>> -> memref<1x120xi32, #tpu.memory_space<vmem>>
    %dma_start3A_337 = tpu.memref_squeeze %dma_start3A_336 : memref<1x120xi32, #tpu.memory_space<vmem>> -> memref<120xi32, #tpu.memory_space<vmem>>
    %dma_start3A_338 = tpu.memref_slice %arg4[%add3A_333] : memref<640000xi32, #tpu.memory_space<hbm>> -> memref<120xi32, #tpu.memory_space<hbm>>
    %dma_start3A_339 = arith.constant 0 : i32
    %dma_start3A_340 = tpu.memref_slice %arg10[%dma_start3A_334, %dma_start3A_339] : memref<6x120xi32, #tpu.memory_space<vmem>> -> memref<1x120xi32, #tpu.memory_space<vmem>>
    %dma_start3A_341 = tpu.memref_squeeze %dma_start3A_340 : memref<1x120xi32, #tpu.memory_space<vmem>> -> memref<120xi32, #tpu.memory_space<vmem>>
    %dma_start3A_342 = tpu.memref_slice %arg4[%add3A_333] : memref<640000xi32, #tpu.memory_space<hbm>> -> memref<120xi32, #tpu.memory_space<hbm>>
    tpu.enqueue_dma source(%dma_start3A_342 : memref<120xi32, #tpu.memory_space<hbm>>) target(%dma_start3A_341 : memref<120xi32, #tpu.memory_space<vmem>>) target_semaphore(%arg16 : memref<!tpu.dma_semaphore, #tpu.memory_space<semaphore_mem>>)
    %dma_wait3A_343 = arith.constant 4 : i32
    %dma_wait3A_344 = arith.constant 0 : i32
    %dma_wait3A_345 = tpu.memref_slice %arg9[%dma_wait3A_343, %dma_wait3A_344] : memref<6x120xi32, #tpu.memory_space<vmem>> -> memref<1x120xi32, #tpu.memory_space<vmem>>
    %dma_wait3A_346 = tpu.memref_squeeze %dma_wait3A_345 : memref<1x120xi32, #tpu.memory_space<vmem>> -> memref<120xi32, #tpu.memory_space<vmem>>
    %dma_wait3A_347 = arith.constant 0 : i32
    %dma_wait3A_348 = tpu.memref_slice %arg3[%dma_wait3A_347] : memref<640000xi32, #tpu.memory_space<hbm>> -> memref<120xi32, #tpu.memory_space<hbm>>
    %dma_wait3A_349 = arith.constant 0 : i32
    %dma_wait3A_350 = tpu.memref_slice %arg9[%dma_wait3A_343, %dma_wait3A_349] : memref<6x120xi32, #tpu.memory_space<vmem>> -> memref<1x120xi32, #tpu.memory_space<vmem>>
    %dma_wait3A_351 = tpu.memref_squeeze %dma_wait3A_350 : memref<1x120xi32, #tpu.memory_space<vmem>> -> memref<120xi32, #tpu.memory_space<vmem>>
    %dma_wait3A_352 = arith.constant 0 : i32
    %dma_wait3A_353 = tpu.memref_slice %arg3[%dma_wait3A_352] : memref<640000xi32, #tpu.memory_space<hbm>> -> memref<120xi32, #tpu.memory_space<hbm>>
    tpu.wait_dma2 semaphore(%arg20 : memref<!tpu.dma_semaphore, #tpu.memory_space<semaphore_mem>>) src(%dma_wait3A_353 : memref<120xi32, #tpu.memory_space<hbm>>) dst(%dma_wait3A_351 : memref<120xi32, #tpu.memory_space<vmem>>)
    %dma_wait3A_354 = arith.constant 4 : i32
    %dma_wait3A_355 = arith.constant 0 : i32
    %dma_wait3A_356 = tpu.memref_slice %arg10[%dma_wait3A_354, %dma_wait3A_355] : memref<6x120xi32, #tpu.memory_space<vmem>> -> memref<1x120xi32, #tpu.memory_space<vmem>>
    %dma_wait3A_357 = tpu.memref_squeeze %dma_wait3A_356 : memref<1x120xi32, #tpu.memory_space<vmem>> -> memref<120xi32, #tpu.memory_space<vmem>>
    %dma_wait3A_358 = arith.constant 0 : i32
    %dma_wait3A_359 = tpu.memref_slice %arg4[%dma_wait3A_358] : memref<640000xi32, #tpu.memory_space<hbm>> -> memref<120xi32, #tpu.memory_space<hbm>>
    %dma_wait3A_360 = arith.constant 0 : i32
    %dma_wait3A_361 = tpu.memref_slice %arg10[%dma_wait3A_354, %dma_wait3A_360] : memref<6x120xi32, #tpu.memory_space<vmem>> -> memref<1x120xi32, #tpu.memory_space<vmem>>
    %dma_wait3A_362 = tpu.memref_squeeze %dma_wait3A_361 : memref<1x120xi32, #tpu.memory_space<vmem>> -> memref<120xi32, #tpu.memory_space<vmem>>
    %dma_wait3A_363 = arith.constant 0 : i32
    %dma_wait3A_364 = tpu.memref_slice %arg4[%dma_wait3A_363] : memref<640000xi32, #tpu.memory_space<hbm>> -> memref<120xi32, #tpu.memory_space<hbm>>
    tpu.wait_dma2 semaphore(%arg20 : memref<!tpu.dma_semaphore, #tpu.memory_space<semaphore_mem>>) src(%dma_wait3A_364 : memref<120xi32, #tpu.memory_space<hbm>>) dst(%dma_wait3A_362 : memref<120xi32, #tpu.memory_space<vmem>>)
    %dma_start3A_365 = arith.constant 4 : i32
    %dma_start3A_366 = arith.constant 0 : i32
    %dma_start3A_367 = tpu.memref_slice %arg9[%dma_start3A_365, %dma_start3A_366] : memref<6x120xi32, #tpu.memory_space<vmem>> -> memref<1x120xi32, #tpu.memory_space<vmem>>
    %dma_start3A_368 = tpu.memref_squeeze %dma_start3A_367 : memref<1x120xi32, #tpu.memory_space<vmem>> -> memref<120xi32, #tpu.memory_space<vmem>>
    %dma_start3A_369 = arith.constant 0 : i32
    %dma_start3A_370 = arith.constant 0 : i32
    %dma_start3A_371 = tpu.memref_slice %arg2[%dma_start3A_369, %dma_start3A_370] : memref<20000x128xf32, #tpu.memory_space<hbm>> -> memref<20000x128xf32, #tpu.memory_space<hbm>>
    tpu.enqueue_indirect_dma source(%dma_start3A_371 : memref<20000x128xf32, #tpu.memory_space<hbm>>) target(%arg12 : memref<120x128xf32, #tpu.memory_space<vmem>>) offsets(%dma_start3A_368 : memref<120xi32, #tpu.memory_space<vmem>>) semaphore(%arg23 : memref<!tpu.dma_semaphore, #tpu.memory_space<semaphore_mem>>)
    %dma_wait3A_372 = arith.constant 3 : i32
    %dma_wait3A_373 = arith.constant 0 : i32
    %dma_wait3A_374 = tpu.memref_slice %arg9[%dma_wait3A_372, %dma_wait3A_373] : memref<6x120xi32, #tpu.memory_space<vmem>> -> memref<1x120xi32, #tpu.memory_space<vmem>>
    %dma_wait3A_375 = tpu.memref_squeeze %dma_wait3A_374 : memref<1x120xi32, #tpu.memory_space<vmem>> -> memref<120xi32, #tpu.memory_space<vmem>>
    %dma_wait3A_376 = arith.constant 0 : i32
    %dma_wait3A_377 = arith.constant 0 : i32
    %dma_wait3A_378 = tpu.memref_slice %arg2[%dma_wait3A_376, %dma_wait3A_377] : memref<20000x128xf32, #tpu.memory_space<hbm>> -> memref<20000x128xf32, #tpu.memory_space<hbm>>
    tpu.wait_indirect_dma semaphore(%arg22 : memref<!tpu.dma_semaphore, #tpu.memory_space<semaphore_mem>>) src(%dma_wait3A_378 : memref<20000x128xf32, #tpu.memory_space<hbm>>) dst(%arg11 : memref<120x128xf32, #tpu.memory_space<vmem>>)
    %dma_start3A_379 = arith.constant 3 : i32
    %dma_start3A_380 = arith.constant 0 : i32
    %dma_start3A_381 = tpu.memref_slice %arg10[%dma_start3A_379, %dma_start3A_380] : memref<6x120xi32, #tpu.memory_space<vmem>> -> memref<1x120xi32, #tpu.memory_space<vmem>>
    %dma_start3A_382 = tpu.memref_squeeze %dma_start3A_381 : memref<1x120xi32, #tpu.memory_space<vmem>> -> memref<120xi32, #tpu.memory_space<vmem>>
    %dma_start3A_383 = arith.constant 0 : i32
    %dma_start3A_384 = arith.constant 0 : i32
    %dma_start3A_385 = tpu.memref_slice %arg8[%dma_start3A_383, %dma_start3A_384] : memref<10000x128xf32, #tpu.memory_space<vmem_shared>> -> memref<10000x128xf32, #tpu.memory_space<vmem_shared>>
    tpu.enqueue_indirect_dma source(%arg11 : memref<120x128xf32, #tpu.memory_space<vmem>>) target(%dma_start3A_385 : memref<10000x128xf32, #tpu.memory_space<vmem_shared>>) offsets(%dma_start3A_382 : memref<120xi32, #tpu.memory_space<vmem>>) semaphore(%arg25 : memref<!tpu.dma_semaphore, #tpu.memory_space<semaphore_mem>>) {add = true}
    %dma_wait3A_386 = arith.constant 1 : i32
    %dma_wait3A_387 = arith.constant 0 : i32
    %dma_wait3A_388 = tpu.memref_slice %arg10[%dma_wait3A_386, %dma_wait3A_387] : memref<6x120xi32, #tpu.memory_space<vmem>> -> memref<1x120xi32, #tpu.memory_space<vmem>>
    %dma_wait3A_389 = tpu.memref_squeeze %dma_wait3A_388 : memref<1x120xi32, #tpu.memory_space<vmem>> -> memref<120xi32, #tpu.memory_space<vmem>>
    %dma_wait3A_390 = arith.constant 0 : i32
    %dma_wait3A_391 = arith.constant 0 : i32
    %dma_wait3A_392 = tpu.memref_slice %arg8[%dma_wait3A_390, %dma_wait3A_391] : memref<10000x128xf32, #tpu.memory_space<vmem_shared>> -> memref<10000x128xf32, #tpu.memory_space<vmem_shared>>
    tpu.wait_indirect_dma semaphore(%arg27 : memref<!tpu.dma_semaphore, #tpu.memory_space<semaphore_mem>>) src(%arg13 : memref<120x128xf32, #tpu.memory_space<vmem>>) dst(%dma_wait3A_392 : memref<10000x128xf32, #tpu.memory_space<vmem_shared>>)
    %add3A_393 = arith.constant 840 : i32
    %add3A_394 = arith.addi %mul3A_4, %add3A_393 : i32
    %dma_start3A_395 = arith.constant 1 : i32
    %dma_start3A_396 = arith.constant 0 : i32
    %dma_start3A_397 = tpu.memref_slice %arg9[%dma_start3A_395, %dma_start3A_396] : memref<6x120xi32, #tpu.memory_space<vmem>> -> memref<1x120xi32, #tpu.memory_space<vmem>>
    %dma_start3A_398 = tpu.memref_squeeze %dma_start3A_397 : memref<1x120xi32, #tpu.memory_space<vmem>> -> memref<120xi32, #tpu.memory_space<vmem>>
    %dma_start3A_399 = tpu.memref_slice %arg3[%add3A_394] : memref<640000xi32, #tpu.memory_space<hbm>> -> memref<120xi32, #tpu.memory_space<hbm>>
    %dma_start3A_400 = arith.constant 0 : i32
    %dma_start3A_401 = tpu.memref_slice %arg9[%dma_start3A_395, %dma_start3A_400] : memref<6x120xi32, #tpu.memory_space<vmem>> -> memref<1x120xi32, #tpu.memory_space<vmem>>
    %dma_start3A_402 = tpu.memref_squeeze %dma_start3A_401 : memref<1x120xi32, #tpu.memory_space<vmem>> -> memref<120xi32, #tpu.memory_space<vmem>>
    %dma_start3A_403 = tpu.memref_slice %arg3[%add3A_394] : memref<640000xi32, #tpu.memory_space<hbm>> -> memref<120xi32, #tpu.memory_space<hbm>>
    tpu.enqueue_dma source(%dma_start3A_403 : memref<120xi32, #tpu.memory_space<hbm>>) target(%dma_start3A_402 : memref<120xi32, #tpu.memory_space<vmem>>) target_semaphore(%arg17 : memref<!tpu.dma_semaphore, #tpu.memory_space<semaphore_mem>>)
    %add3A_404 = arith.constant 840 : i32
    %add3A_405 = arith.addi %mul3A_4, %add3A_404 : i32
    %dma_start3A_406 = arith.constant 1 : i32
    %dma_start3A_407 = arith.constant 0 : i32
    %dma_start3A_408 = tpu.memref_slice %arg10[%dma_start3A_406, %dma_start3A_407] : memref<6x120xi32, #tpu.memory_space<vmem>> -> memref<1x120xi32, #tpu.memory_space<vmem>>
    %dma_start3A_409 = tpu.memref_squeeze %dma_start3A_408 : memref<1x120xi32, #tpu.memory_space<vmem>> -> memref<120xi32, #tpu.memory_space<vmem>>
    %dma_start3A_410 = tpu.memref_slice %arg4[%add3A_405] : memref<640000xi32, #tpu.memory_space<hbm>> -> memref<120xi32, #tpu.memory_space<hbm>>
    %dma_start3A_411 = arith.constant 0 : i32
    %dma_start3A_412 = tpu.memref_slice %arg10[%dma_start3A_406, %dma_start3A_411] : memref<6x120xi32, #tpu.memory_space<vmem>> -> memref<1x120xi32, #tpu.memory_space<vmem>>
    %dma_start3A_413 = tpu.memref_squeeze %dma_start3A_412 : memref<1x120xi32, #tpu.memory_space<vmem>> -> memref<120xi32, #tpu.memory_space<vmem>>
    %dma_start3A_414 = tpu.memref_slice %arg4[%add3A_405] : memref<640000xi32, #tpu.memory_space<hbm>> -> memref<120xi32, #tpu.memory_space<hbm>>
    tpu.enqueue_dma source(%dma_start3A_414 : memref<120xi32, #tpu.memory_space<hbm>>) target(%dma_start3A_413 : memref<120xi32, #tpu.memory_space<vmem>>) target_semaphore(%arg17 : memref<!tpu.dma_semaphore, #tpu.memory_space<semaphore_mem>>)
    %dma_wait3A_415 = arith.constant 5 : i32
    %dma_wait3A_416 = arith.constant 0 : i32
    %dma_wait3A_417 = tpu.memref_slice %arg9[%dma_wait3A_415, %dma_wait3A_416] : memref<6x120xi32, #tpu.memory_space<vmem>> -> memref<1x120xi32, #tpu.memory_space<vmem>>
    %dma_wait3A_418 = tpu.memref_squeeze %dma_wait3A_417 : memref<1x120xi32, #tpu.memory_space<vmem>> -> memref<120xi32, #tpu.memory_space<vmem>>
    %dma_wait3A_419 = arith.constant 0 : i32
    %dma_wait3A_420 = tpu.memref_slice %arg3[%dma_wait3A_419] : memref<640000xi32, #tpu.memory_space<hbm>> -> memref<120xi32, #tpu.memory_space<hbm>>
    %dma_wait3A_421 = arith.constant 0 : i32
    %dma_wait3A_422 = tpu.memref_slice %arg9[%dma_wait3A_415, %dma_wait3A_421] : memref<6x120xi32, #tpu.memory_space<vmem>> -> memref<1x120xi32, #tpu.memory_space<vmem>>
    %dma_wait3A_423 = tpu.memref_squeeze %dma_wait3A_422 : memref<1x120xi32, #tpu.memory_space<vmem>> -> memref<120xi32, #tpu.memory_space<vmem>>
    %dma_wait3A_424 = arith.constant 0 : i32
    %dma_wait3A_425 = tpu.memref_slice %arg3[%dma_wait3A_424] : memref<640000xi32, #tpu.memory_space<hbm>> -> memref<120xi32, #tpu.memory_space<hbm>>
    tpu.wait_dma2 semaphore(%arg21 : memref<!tpu.dma_semaphore, #tpu.memory_space<semaphore_mem>>) src(%dma_wait3A_425 : memref<120xi32, #tpu.memory_space<hbm>>) dst(%dma_wait3A_423 : memref<120xi32, #tpu.memory_space<vmem>>)
    %dma_wait3A_426 = arith.constant 5 : i32
    %dma_wait3A_427 = arith.constant 0 : i32
    %dma_wait3A_428 = tpu.memref_slice %arg10[%dma_wait3A_426, %dma_wait3A_427] : memref<6x120xi32, #tpu.memory_space<vmem>> -> memref<1x120xi32, #tpu.memory_space<vmem>>
    %dma_wait3A_429 = tpu.memref_squeeze %dma_wait3A_428 : memref<1x120xi32, #tpu.memory_space<vmem>> -> memref<120xi32, #tpu.memory_space<vmem>>
    %dma_wait3A_430 = arith.constant 0 : i32
    %dma_wait3A_431 = tpu.memref_slice %arg4[%dma_wait3A_430] : memref<640000xi32, #tpu.memory_space<hbm>> -> memref<120xi32, #tpu.memory_space<hbm>>
    %dma_wait3A_432 = arith.constant 0 : i32
    %dma_wait3A_433 = tpu.memref_slice %arg10[%dma_wait3A_426, %dma_wait3A_432] : memref<6x120xi32, #tpu.memory_space<vmem>> -> memref<1x120xi32, #tpu.memory_space<vmem>>
    %dma_wait3A_434 = tpu.memref_squeeze %dma_wait3A_433 : memref<1x120xi32, #tpu.memory_space<vmem>> -> memref<120xi32, #tpu.memory_space<vmem>>
    %dma_wait3A_435 = arith.constant 0 : i32
    %dma_wait3A_436 = tpu.memref_slice %arg4[%dma_wait3A_435] : memref<640000xi32, #tpu.memory_space<hbm>> -> memref<120xi32, #tpu.memory_space<hbm>>
    tpu.wait_dma2 semaphore(%arg21 : memref<!tpu.dma_semaphore, #tpu.memory_space<semaphore_mem>>) src(%dma_wait3A_436 : memref<120xi32, #tpu.memory_space<hbm>>) dst(%dma_wait3A_434 : memref<120xi32, #tpu.memory_space<vmem>>)
    %dma_start3A_437 = arith.constant 5 : i32
    %dma_start3A_438 = arith.constant 0 : i32
    %dma_start3A_439 = tpu.memref_slice %arg9[%dma_start3A_437, %dma_start3A_438] : memref<6x120xi32, #tpu.memory_space<vmem>> -> memref<1x120xi32, #tpu.memory_space<vmem>>
    %dma_start3A_440 = tpu.memref_squeeze %dma_start3A_439 : memref<1x120xi32, #tpu.memory_space<vmem>> -> memref<120xi32, #tpu.memory_space<vmem>>
    %dma_start3A_441 = arith.constant 0 : i32
    %dma_start3A_442 = arith.constant 0 : i32
    %dma_start3A_443 = tpu.memref_slice %arg2[%dma_start3A_441, %dma_start3A_442] : memref<20000x128xf32, #tpu.memory_space<hbm>> -> memref<20000x128xf32, #tpu.memory_space<hbm>>
    tpu.enqueue_indirect_dma source(%dma_start3A_443 : memref<20000x128xf32, #tpu.memory_space<hbm>>) target(%arg13 : memref<120x128xf32, #tpu.memory_space<vmem>>) offsets(%dma_start3A_440 : memref<120xi32, #tpu.memory_space<vmem>>) semaphore(%arg24 : memref<!tpu.dma_semaphore, #tpu.memory_space<semaphore_mem>>)
    %dma_wait3A_444 = arith.constant 4 : i32
    %dma_wait3A_445 = arith.constant 0 : i32
    %dma_wait3A_446 = tpu.memref_slice %arg9[%dma_wait3A_444, %dma_wait3A_445] : memref<6x120xi32, #tpu.memory_space<vmem>> -> memref<1x120xi32, #tpu.memory_space<vmem>>
    %dma_wait3A_447 = tpu.memref_squeeze %dma_wait3A_446 : memref<1x120xi32, #tpu.memory_space<vmem>> -> memref<120xi32, #tpu.memory_space<vmem>>
    %dma_wait3A_448 = arith.constant 0 : i32
    %dma_wait3A_449 = arith.constant 0 : i32
    %dma_wait3A_450 = tpu.memref_slice %arg2[%dma_wait3A_448, %dma_wait3A_449] : memref<20000x128xf32, #tpu.memory_space<hbm>> -> memref<20000x128xf32, #tpu.memory_space<hbm>>
    tpu.wait_indirect_dma semaphore(%arg23 : memref<!tpu.dma_semaphore, #tpu.memory_space<semaphore_mem>>) src(%dma_wait3A_450 : memref<20000x128xf32, #tpu.memory_space<hbm>>) dst(%arg12 : memref<120x128xf32, #tpu.memory_space<vmem>>)
    %dma_start3A_451 = arith.constant 4 : i32
    %dma_start3A_452 = arith.constant 0 : i32
    %dma_start3A_453 = tpu.memref_slice %arg10[%dma_start3A_451, %dma_start3A_452] : memref<6x120xi32, #tpu.memory_space<vmem>> -> memref<1x120xi32, #tpu.memory_space<vmem>>
    %dma_start3A_454 = tpu.memref_squeeze %dma_start3A_453 : memref<1x120xi32, #tpu.memory_space<vmem>> -> memref<120xi32, #tpu.memory_space<vmem>>
    %dma_start3A_455 = arith.constant 0 : i32
    %dma_start3A_456 = arith.constant 0 : i32
    %dma_start3A_457 = tpu.memref_slice %arg8[%dma_start3A_455, %dma_start3A_456] : memref<10000x128xf32, #tpu.memory_space<vmem_shared>> -> memref<10000x128xf32, #tpu.memory_space<vmem_shared>>
    tpu.enqueue_indirect_dma source(%arg12 : memref<120x128xf32, #tpu.memory_space<vmem>>) target(%dma_start3A_457 : memref<10000x128xf32, #tpu.memory_space<vmem_shared>>) offsets(%dma_start3A_454 : memref<120xi32, #tpu.memory_space<vmem>>) semaphore(%arg26 : memref<!tpu.dma_semaphore, #tpu.memory_space<semaphore_mem>>) {add = true}
    %dma_wait3A_458 = arith.constant 2 : i32
    %dma_wait3A_459 = arith.constant 0 : i32
    %dma_wait3A_460 = tpu.memref_slice %arg10[%dma_wait3A_458, %dma_wait3A_459] : memref<6x120xi32, #tpu.memory_space<vmem>> -> memref<1x120xi32, #tpu.memory_space<vmem>>
    %dma_wait3A_461 = tpu.memref_squeeze %dma_wait3A_460 : memref<1x120xi32, #tpu.memory_space<vmem>> -> memref<120xi32, #tpu.memory_space<vmem>>
    %dma_wait3A_462 = arith.constant 0 : i32
    %dma_wait3A_463 = arith.constant 0 : i32
    %dma_wait3A_464 = tpu.memref_slice %arg8[%dma_wait3A_462, %dma_wait3A_463] : memref<10000x128xf32, #tpu.memory_space<vmem_shared>> -> memref<10000x128xf32, #tpu.memory_space<vmem_shared>>
    tpu.wait_indirect_dma semaphore(%arg25 : memref<!tpu.dma_semaphore, #tpu.memory_space<semaphore_mem>>) src(%arg11 : memref<120x128xf32, #tpu.memory_space<vmem>>) dst(%dma_wait3A_464 : memref<10000x128xf32, #tpu.memory_space<vmem_shared>>)
    %add3A_465 = arith.constant 960 : i32
    %add3A_466 = arith.addi %mul3A_4, %add3A_465 : i32
    %dma_start3A_467 = arith.constant 2 : i32
    %dma_start3A_468 = arith.constant 0 : i32
    %dma_start3A_469 = tpu.memref_slice %arg9[%dma_start3A_467, %dma_start3A_468] : memref<6x120xi32, #tpu.memory_space<vmem>> -> memref<1x120xi32, #tpu.memory_space<vmem>>
    %dma_start3A_470 = tpu.memref_squeeze %dma_start3A_469 : memref<1x120xi32, #tpu.memory_space<vmem>> -> memref<120xi32, #tpu.memory_space<vmem>>
    %dma_start3A_471 = tpu.memref_slice %arg3[%add3A_466] : memref<640000xi32, #tpu.memory_space<hbm>> -> memref<120xi32, #tpu.memory_space<hbm>>
    %dma_start3A_472 = arith.constant 0 : i32
    %dma_start3A_473 = tpu.memref_slice %arg9[%dma_start3A_467, %dma_start3A_472] : memref<6x120xi32, #tpu.memory_space<vmem>> -> memref<1x120xi32, #tpu.memory_space<vmem>>
    %dma_start3A_474 = tpu.memref_squeeze %dma_start3A_473 : memref<1x120xi32, #tpu.memory_space<vmem>> -> memref<120xi32, #tpu.memory_space<vmem>>
    %dma_start3A_475 = tpu.memref_slice %arg3[%add3A_466] : memref<640000xi32, #tpu.memory_space<hbm>> -> memref<120xi32, #tpu.memory_space<hbm>>
    tpu.enqueue_dma source(%dma_start3A_475 : memref<120xi32, #tpu.memory_space<hbm>>) target(%dma_start3A_474 : memref<120xi32, #tpu.memory_space<vmem>>) target_semaphore(%arg18 : memref<!tpu.dma_semaphore, #tpu.memory_space<semaphore_mem>>)
    %add3A_476 = arith.constant 960 : i32
    %add3A_477 = arith.addi %mul3A_4, %add3A_476 : i32
    %dma_start3A_478 = arith.constant 2 : i32
    %dma_start3A_479 = arith.constant 0 : i32
    %dma_start3A_480 = tpu.memref_slice %arg10[%dma_start3A_478, %dma_start3A_479] : memref<6x120xi32, #tpu.memory_space<vmem>> -> memref<1x120xi32, #tpu.memory_space<vmem>>
    %dma_start3A_481 = tpu.memref_squeeze %dma_start3A_480 : memref<1x120xi32, #tpu.memory_space<vmem>> -> memref<120xi32, #tpu.memory_space<vmem>>
    %dma_start3A_482 = tpu.memref_slice %arg4[%add3A_477] : memref<640000xi32, #tpu.memory_space<hbm>> -> memref<120xi32, #tpu.memory_space<hbm>>
    %dma_start3A_483 = arith.constant 0 : i32
    %dma_start3A_484 = tpu.memref_slice %arg10[%dma_start3A_478, %dma_start3A_483] : memref<6x120xi32, #tpu.memory_space<vmem>> -> memref<1x120xi32, #tpu.memory_space<vmem>>
    %dma_start3A_485 = tpu.memref_squeeze %dma_start3A_484 : memref<1x120xi32, #tpu.memory_space<vmem>> -> memref<120xi32, #tpu.memory_space<vmem>>
    %dma_start3A_486 = tpu.memref_slice %arg4[%add3A_477] : memref<640000xi32, #tpu.memory_space<hbm>> -> memref<120xi32, #tpu.memory_space<hbm>>
    tpu.enqueue_dma source(%dma_start3A_486 : memref<120xi32, #tpu.memory_space<hbm>>) target(%dma_start3A_485 : memref<120xi32, #tpu.memory_space<vmem>>) target_semaphore(%arg18 : memref<!tpu.dma_semaphore, #tpu.memory_space<semaphore_mem>>)
    %dma_wait3A_487 = arith.constant 0 : i32
    %dma_wait3A_488 = arith.constant 0 : i32
    %dma_wait3A_489 = tpu.memref_slice %arg9[%dma_wait3A_487, %dma_wait3A_488] : memref<6x120xi32, #tpu.memory_space<vmem>> -> memref<1x120xi32, #tpu.memory_space<vmem>>
    %dma_wait3A_490 = tpu.memref_squeeze %dma_wait3A_489 : memref<1x120xi32, #tpu.memory_space<vmem>> -> memref<120xi32, #tpu.memory_space<vmem>>
    %dma_wait3A_491 = arith.constant 0 : i32
    %dma_wait3A_492 = tpu.memref_slice %arg3[%dma_wait3A_491] : memref<640000xi32, #tpu.memory_space<hbm>> -> memref<120xi32, #tpu.memory_space<hbm>>
    %dma_wait3A_493 = arith.constant 0 : i32
    %dma_wait3A_494 = tpu.memref_slice %arg9[%dma_wait3A_487, %dma_wait3A_493] : memref<6x120xi32, #tpu.memory_space<vmem>> -> memref<1x120xi32, #tpu.memory_space<vmem>>
    %dma_wait3A_495 = tpu.memref_squeeze %dma_wait3A_494 : memref<1x120xi32, #tpu.memory_space<vmem>> -> memref<120xi32, #tpu.memory_space<vmem>>
    %dma_wait3A_496 = arith.constant 0 : i32
    %dma_wait3A_497 = tpu.memref_slice %arg3[%dma_wait3A_496] : memref<640000xi32, #tpu.memory_space<hbm>> -> memref<120xi32, #tpu.memory_space<hbm>>
    tpu.wait_dma2 semaphore(%arg16 : memref<!tpu.dma_semaphore, #tpu.memory_space<semaphore_mem>>) src(%dma_wait3A_497 : memref<120xi32, #tpu.memory_space<hbm>>) dst(%dma_wait3A_495 : memref<120xi32, #tpu.memory_space<vmem>>)
    %dma_wait3A_498 = arith.constant 0 : i32
    %dma_wait3A_499 = arith.constant 0 : i32
    %dma_wait3A_500 = tpu.memref_slice %arg10[%dma_wait3A_498, %dma_wait3A_499] : memref<6x120xi32, #tpu.memory_space<vmem>> -> memref<1x120xi32, #tpu.memory_space<vmem>>
    %dma_wait3A_501 = tpu.memref_squeeze %dma_wait3A_500 : memref<1x120xi32, #tpu.memory_space<vmem>> -> memref<120xi32, #tpu.memory_space<vmem>>
    %dma_wait3A_502 = arith.constant 0 : i32
    %dma_wait3A_503 = tpu.memref_slice %arg4[%dma_wait3A_502] : memref<640000xi32, #tpu.memory_space<hbm>> -> memref<120xi32, #tpu.memory_space<hbm>>
    %dma_wait3A_504 = arith.constant 0 : i32
    %dma_wait3A_505 = tpu.memref_slice %arg10[%dma_wait3A_498, %dma_wait3A_504] : memref<6x120xi32, #tpu.memory_space<vmem>> -> memref<1x120xi32, #tpu.memory_space<vmem>>
    %dma_wait3A_506 = tpu.memref_squeeze %dma_wait3A_505 : memref<1x120xi32, #tpu.memory_space<vmem>> -> memref<120xi32, #tpu.memory_space<vmem>>
    %dma_wait3A_507 = arith.constant 0 : i32
    %dma_wait3A_508 = tpu.memref_slice %arg4[%dma_wait3A_507] : memref<640000xi32, #tpu.memory_space<hbm>> -> memref<120xi32, #tpu.memory_space<hbm>>
    tpu.wait_dma2 semaphore(%arg16 : memref<!tpu.dma_semaphore, #tpu.memory_space<semaphore_mem>>) src(%dma_wait3A_508 : memref<120xi32, #tpu.memory_space<hbm>>) dst(%dma_wait3A_506 : memref<120xi32, #tpu.memory_space<vmem>>)
    %dma_start3A_509 = arith.constant 0 : i32
    %dma_start3A_510 = arith.constant 0 : i32
    %dma_start3A_511 = tpu.memref_slice %arg9[%dma_start3A_509, %dma_start3A_510] : memref<6x120xi32, #tpu.memory_space<vmem>> -> memref<1x120xi32, #tpu.memory_space<vmem>>
    %dma_start3A_512 = tpu.memref_squeeze %dma_start3A_511 : memref<1x120xi32, #tpu.memory_space<vmem>> -> memref<120xi32, #tpu.memory_space<vmem>>
    %dma_start3A_513 = arith.constant 0 : i32
    %dma_start3A_514 = arith.constant 0 : i32
    %dma_start3A_515 = tpu.memref_slice %arg2[%dma_start3A_513, %dma_start3A_514] : memref<20000x128xf32, #tpu.memory_space<hbm>> -> memref<20000x128xf32, #tpu.memory_space<hbm>>
    tpu.enqueue_indirect_dma source(%dma_start3A_515 : memref<20000x128xf32, #tpu.memory_space<hbm>>) target(%arg11 : memref<120x128xf32, #tpu.memory_space<vmem>>) offsets(%dma_start3A_512 : memref<120xi32, #tpu.memory_space<vmem>>) semaphore(%arg22 : memref<!tpu.dma_semaphore, #tpu.memory_space<semaphore_mem>>)
    %dma_wait3A_516 = arith.constant 5 : i32
    %dma_wait3A_517 = arith.constant 0 : i32
    %dma_wait3A_518 = tpu.memref_slice %arg9[%dma_wait3A_516, %dma_wait3A_517] : memref<6x120xi32, #tpu.memory_space<vmem>> -> memref<1x120xi32, #tpu.memory_space<vmem>>
    %dma_wait3A_519 = tpu.memref_squeeze %dma_wait3A_518 : memref<1x120xi32, #tpu.memory_space<vmem>> -> memref<120xi32, #tpu.memory_space<vmem>>
    %dma_wait3A_520 = arith.constant 0 : i32
    %dma_wait3A_521 = arith.constant 0 : i32
    %dma_wait3A_522 = tpu.memref_slice %arg2[%dma_wait3A_520, %dma_wait3A_521] : memref<20000x128xf32, #tpu.memory_space<hbm>> -> memref<20000x128xf32, #tpu.memory_space<hbm>>
    tpu.wait_indirect_dma semaphore(%arg24 : memref<!tpu.dma_semaphore, #tpu.memory_space<semaphore_mem>>) src(%dma_wait3A_522 : memref<20000x128xf32, #tpu.memory_space<hbm>>) dst(%arg13 : memref<120x128xf32, #tpu.memory_space<vmem>>)
    %dma_start3A_523 = arith.constant 5 : i32
    %dma_start3A_524 = arith.constant 0 : i32
    %dma_start3A_525 = tpu.memref_slice %arg10[%dma_start3A_523, %dma_start3A_524] : memref<6x120xi32, #tpu.memory_space<vmem>> -> memref<1x120xi32, #tpu.memory_space<vmem>>
    %dma_start3A_526 = tpu.memref_squeeze %dma_start3A_525 : memref<1x120xi32, #tpu.memory_space<vmem>> -> memref<120xi32, #tpu.memory_space<vmem>>
    %dma_start3A_527 = arith.constant 0 : i32
    %dma_start3A_528 = arith.constant 0 : i32
    %dma_start3A_529 = tpu.memref_slice %arg8[%dma_start3A_527, %dma_start3A_528] : memref<10000x128xf32, #tpu.memory_space<vmem_shared>> -> memref<10000x128xf32, #tpu.memory_space<vmem_shared>>
    tpu.enqueue_indirect_dma source(%arg13 : memref<120x128xf32, #tpu.memory_space<vmem>>) target(%dma_start3A_529 : memref<10000x128xf32, #tpu.memory_space<vmem_shared>>) offsets(%dma_start3A_526 : memref<120xi32, #tpu.memory_space<vmem>>) semaphore(%arg27 : memref<!tpu.dma_semaphore, #tpu.memory_space<semaphore_mem>>) {add = true}
    %dma_wait3A_530 = arith.constant 3 : i32
    %dma_wait3A_531 = arith.constant 0 : i32
    %dma_wait3A_532 = tpu.memref_slice %arg10[%dma_wait3A_530, %dma_wait3A_531] : memref<6x120xi32, #tpu.memory_space<vmem>> -> memref<1x120xi32, #tpu.memory_space<vmem>>
    %dma_wait3A_533 = tpu.memref_squeeze %dma_wait3A_532 : memref<1x120xi32, #tpu.memory_space<vmem>> -> memref<120xi32, #tpu.memory_space<vmem>>
    %dma_wait3A_534 = arith.constant 0 : i32
    %dma_wait3A_535 = arith.constant 0 : i32
    %dma_wait3A_536 = tpu.memref_slice %arg8[%dma_wait3A_534, %dma_wait3A_535] : memref<10000x128xf32, #tpu.memory_space<vmem_shared>> -> memref<10000x128xf32, #tpu.memory_space<vmem_shared>>
    tpu.wait_indirect_dma semaphore(%arg26 : memref<!tpu.dma_semaphore, #tpu.memory_space<semaphore_mem>>) src(%arg12 : memref<120x128xf32, #tpu.memory_space<vmem>>) dst(%dma_wait3A_536 : memref<10000x128xf32, #tpu.memory_space<vmem_shared>>)
    %add3A_537 = arith.constant 1080 : i32
    %add3A_538 = arith.addi %mul3A_4, %add3A_537 : i32
    %dma_start3A_539 = arith.constant 3 : i32
    %dma_start3A_540 = arith.constant 0 : i32
    %dma_start3A_541 = tpu.memref_slice %arg9[%dma_start3A_539, %dma_start3A_540] : memref<6x120xi32, #tpu.memory_space<vmem>> -> memref<1x120xi32, #tpu.memory_space<vmem>>
    %dma_start3A_542 = tpu.memref_squeeze %dma_start3A_541 : memref<1x120xi32, #tpu.memory_space<vmem>> -> memref<120xi32, #tpu.memory_space<vmem>>
    %dma_start3A_543 = tpu.memref_slice %arg3[%add3A_538] : memref<640000xi32, #tpu.memory_space<hbm>> -> memref<120xi32, #tpu.memory_space<hbm>>
    %dma_start3A_544 = arith.constant 0 : i32
    %dma_start3A_545 = tpu.memref_slice %arg9[%dma_start3A_539, %dma_start3A_544] : memref<6x120xi32, #tpu.memory_space<vmem>> -> memref<1x120xi32, #tpu.memory_space<vmem>>
    %dma_start3A_546 = tpu.memref_squeeze %dma_start3A_545 : memref<1x120xi32, #tpu.memory_space<vmem>> -> memref<120xi32, #tpu.memory_space<vmem>>
    %dma_start3A_547 = tpu.memref_slice %arg3[%add3A_538] : memref<640000xi32, #tpu.memory_space<hbm>> -> memref<120xi32, #tpu.memory_space<hbm>>
    tpu.enqueue_dma source(%dma_start3A_547 : memref<120xi32, #tpu.memory_space<hbm>>) target(%dma_start3A_546 : memref<120xi32, #tpu.memory_space<vmem>>) target_semaphore(%arg19 : memref<!tpu.dma_semaphore, #tpu.memory_space<semaphore_mem>>)
    %add3A_548 = arith.constant 1080 : i32
    %add3A_549 = arith.addi %mul3A_4, %add3A_548 : i32
    %dma_start3A_550 = arith.constant 3 : i32
    %dma_start3A_551 = arith.constant 0 : i32
    %dma_start3A_552 = tpu.memref_slice %arg10[%dma_start3A_550, %dma_start3A_551] : memref<6x120xi32, #tpu.memory_space<vmem>> -> memref<1x120xi32, #tpu.memory_space<vmem>>
    %dma_start3A_553 = tpu.memref_squeeze %dma_start3A_552 : memref<1x120xi32, #tpu.memory_space<vmem>> -> memref<120xi32, #tpu.memory_space<vmem>>
    %dma_start3A_554 = tpu.memref_slice %arg4[%add3A_549] : memref<640000xi32, #tpu.memory_space<hbm>> -> memref<120xi32, #tpu.memory_space<hbm>>
    %dma_start3A_555 = arith.constant 0 : i32
    %dma_start3A_556 = tpu.memref_slice %arg10[%dma_start3A_550, %dma_start3A_555] : memref<6x120xi32, #tpu.memory_space<vmem>> -> memref<1x120xi32, #tpu.memory_space<vmem>>
    %dma_start3A_557 = tpu.memref_squeeze %dma_start3A_556 : memref<1x120xi32, #tpu.memory_space<vmem>> -> memref<120xi32, #tpu.memory_space<vmem>>
    %dma_start3A_558 = tpu.memref_slice %arg4[%add3A_549] : memref<640000xi32, #tpu.memory_space<hbm>> -> memref<120xi32, #tpu.memory_space<hbm>>
    tpu.enqueue_dma source(%dma_start3A_558 : memref<120xi32, #tpu.memory_space<hbm>>) target(%dma_start3A_557 : memref<120xi32, #tpu.memory_space<vmem>>) target_semaphore(%arg19 : memref<!tpu.dma_semaphore, #tpu.memory_space<semaphore_mem>>)
    %dma_wait3A_559 = arith.constant 1 : i32
    %dma_wait3A_560 = arith.constant 0 : i32
    %dma_wait3A_561 = tpu.memref_slice %arg9[%dma_wait3A_559, %dma_wait3A_560] : memref<6x120xi32, #tpu.memory_space<vmem>> -> memref<1x120xi32, #tpu.memory_space<vmem>>
    %dma_wait3A_562 = tpu.memref_squeeze %dma_wait3A_561 : memref<1x120xi32, #tpu.memory_space<vmem>> -> memref<120xi32, #tpu.memory_space<vmem>>
    %dma_wait3A_563 = arith.constant 0 : i32
    %dma_wait3A_564 = tpu.memref_slice %arg3[%dma_wait3A_563] : memref<640000xi32, #tpu.memory_space<hbm>> -> memref<120xi32, #tpu.memory_space<hbm>>
    %dma_wait3A_565 = arith.constant 0 : i32
    %dma_wait3A_566 = tpu.memref_slice %arg9[%dma_wait3A_559, %dma_wait3A_565] : memref<6x120xi32, #tpu.memory_space<vmem>> -> memref<1x120xi32, #tpu.memory_space<vmem>>
    %dma_wait3A_567 = tpu.memref_squeeze %dma_wait3A_566 : memref<1x120xi32, #tpu.memory_space<vmem>> -> memref<120xi32, #tpu.memory_space<vmem>>
    %dma_wait3A_568 = arith.constant 0 : i32
    %dma_wait3A_569 = tpu.memref_slice %arg3[%dma_wait3A_568] : memref<640000xi32, #tpu.memory_space<hbm>> -> memref<120xi32, #tpu.memory_space<hbm>>
    tpu.wait_dma2 semaphore(%arg17 : memref<!tpu.dma_semaphore, #tpu.memory_space<semaphore_mem>>) src(%dma_wait3A_569 : memref<120xi32, #tpu.memory_space<hbm>>) dst(%dma_wait3A_567 : memref<120xi32, #tpu.memory_space<vmem>>)
    %dma_wait3A_570 = arith.constant 1 : i32
    %dma_wait3A_571 = arith.constant 0 : i32
    %dma_wait3A_572 = tpu.memref_slice %arg10[%dma_wait3A_570, %dma_wait3A_571] : memref<6x120xi32, #tpu.memory_space<vmem>> -> memref<1x120xi32, #tpu.memory_space<vmem>>
    %dma_wait3A_573 = tpu.memref_squeeze %dma_wait3A_572 : memref<1x120xi32, #tpu.memory_space<vmem>> -> memref<120xi32, #tpu.memory_space<vmem>>
    %dma_wait3A_574 = arith.constant 0 : i32
    %dma_wait3A_575 = tpu.memref_slice %arg4[%dma_wait3A_574] : memref<640000xi32, #tpu.memory_space<hbm>> -> memref<120xi32, #tpu.memory_space<hbm>>
    %dma_wait3A_576 = arith.constant 0 : i32
    %dma_wait3A_577 = tpu.memref_slice %arg10[%dma_wait3A_570, %dma_wait3A_576] : memref<6x120xi32, #tpu.memory_space<vmem>> -> memref<1x120xi32, #tpu.memory_space<vmem>>
    %dma_wait3A_578 = tpu.memref_squeeze %dma_wait3A_577 : memref<1x120xi32, #tpu.memory_space<vmem>> -> memref<120xi32, #tpu.memory_space<vmem>>
    %dma_wait3A_579 = arith.constant 0 : i32
    %dma_wait3A_580 = tpu.memref_slice %arg4[%dma_wait3A_579] : memref<640000xi32, #tpu.memory_space<hbm>> -> memref<120xi32, #tpu.memory_space<hbm>>
    tpu.wait_dma2 semaphore(%arg17 : memref<!tpu.dma_semaphore, #tpu.memory_space<semaphore_mem>>) src(%dma_wait3A_580 : memref<120xi32, #tpu.memory_space<hbm>>) dst(%dma_wait3A_578 : memref<120xi32, #tpu.memory_space<vmem>>)
    %dma_start3A_581 = arith.constant 1 : i32
    %dma_start3A_582 = arith.constant 0 : i32
    %dma_start3A_583 = tpu.memref_slice %arg9[%dma_start3A_581, %dma_start3A_582] : memref<6x120xi32, #tpu.memory_space<vmem>> -> memref<1x120xi32, #tpu.memory_space<vmem>>
    %dma_start3A_584 = tpu.memref_squeeze %dma_start3A_583 : memref<1x120xi32, #tpu.memory_space<vmem>> -> memref<120xi32, #tpu.memory_space<vmem>>
    %dma_start3A_585 = arith.constant 0 : i32
    %dma_start3A_586 = arith.constant 0 : i32
    %dma_start3A_587 = tpu.memref_slice %arg2[%dma_start3A_585, %dma_start3A_586] : memref<20000x128xf32, #tpu.memory_space<hbm>> -> memref<20000x128xf32, #tpu.memory_space<hbm>>
    tpu.enqueue_indirect_dma source(%dma_start3A_587 : memref<20000x128xf32, #tpu.memory_space<hbm>>) target(%arg12 : memref<120x128xf32, #tpu.memory_space<vmem>>) offsets(%dma_start3A_584 : memref<120xi32, #tpu.memory_space<vmem>>) semaphore(%arg23 : memref<!tpu.dma_semaphore, #tpu.memory_space<semaphore_mem>>)
    %scan3A = arith.constant 0 : i32
    %scan3A_588 = arith.constant 0 : i32
    %scan3A_589 = arith.constant 26 : i32
    %scan3A_590 = arith.addi %scan3A_588, %scan3A_589 : i32
    %scan3A_591 = arith.constant 1 : i32
    scf.for %scan3A_773 = %scan3A_588 to %scan3A_590 step %scan3A_591  : i32 {
      %mul3A_774 = arith.constant 6 : i32
      %mul3A_775 = arith.muli %scan3A_773, %mul3A_774 : i32
      %add3A_776 = arith.constant 6 : i32
      %add3A_777 = arith.addi %add3A_776, %mul3A_775 : i32
      %add3A_778 = arith.constant 0 : i32
      %add3A_779 = arith.addi %add3A_777, %add3A_778 : i32
      %dma_wait3A_780 = arith.constant 0 : i32
      %dma_wait3A_781 = arith.constant 0 : i32
      %dma_wait3A_782 = tpu.memref_slice %arg9[%dma_wait3A_780, %dma_wait3A_781] : memref<6x120xi32, #tpu.memory_space<vmem>> -> memref<1x120xi32, #tpu.memory_space<vmem>>
      %dma_wait3A_783 = tpu.memref_squeeze %dma_wait3A_782 : memref<1x120xi32, #tpu.memory_space<vmem>> -> memref<120xi32, #tpu.memory_space<vmem>>
      %dma_wait3A_784 = arith.constant 0 : i32
      %dma_wait3A_785 = arith.constant 0 : i32
      %dma_wait3A_786 = tpu.memref_slice %arg2[%dma_wait3A_784, %dma_wait3A_785] : memref<20000x128xf32, #tpu.memory_space<hbm>> -> memref<20000x128xf32, #tpu.memory_space<hbm>>
      tpu.wait_indirect_dma semaphore(%arg22 : memref<!tpu.dma_semaphore, #tpu.memory_space<semaphore_mem>>) src(%dma_wait3A_786 : memref<20000x128xf32, #tpu.memory_space<hbm>>) dst(%arg11 : memref<120x128xf32, #tpu.memory_space<vmem>>)
      %dma_start3A_787 = arith.constant 0 : i32
      %dma_start3A_788 = arith.constant 0 : i32
      %dma_start3A_789 = tpu.memref_slice %arg10[%dma_start3A_787, %dma_start3A_788] : memref<6x120xi32, #tpu.memory_space<vmem>> -> memref<1x120xi32, #tpu.memory_space<vmem>>
      %dma_start3A_790 = tpu.memref_squeeze %dma_start3A_789 : memref<1x120xi32, #tpu.memory_space<vmem>> -> memref<120xi32, #tpu.memory_space<vmem>>
      %dma_start3A_791 = arith.constant 0 : i32
      %dma_start3A_792 = arith.constant 0 : i32
      %dma_start3A_793 = tpu.memref_slice %arg8[%dma_start3A_791, %dma_start3A_792] : memref<10000x128xf32, #tpu.memory_space<vmem_shared>> -> memref<10000x128xf32, #tpu.memory_space<vmem_shared>>
      tpu.enqueue_indirect_dma source(%arg11 : memref<120x128xf32, #tpu.memory_space<vmem>>) target(%dma_start3A_793 : memref<10000x128xf32, #tpu.memory_space<vmem_shared>>) offsets(%dma_start3A_790 : memref<120xi32, #tpu.memory_space<vmem>>) semaphore(%arg25 : memref<!tpu.dma_semaphore, #tpu.memory_space<semaphore_mem>>) {add = true}
      %dma_wait3A_794 = arith.constant 4 : i32
      %dma_wait3A_795 = arith.constant 0 : i32
      %dma_wait3A_796 = tpu.memref_slice %arg10[%dma_wait3A_794, %dma_wait3A_795] : memref<6x120xi32, #tpu.memory_space<vmem>> -> memref<1x120xi32, #tpu.memory_space<vmem>>
      %dma_wait3A_797 = tpu.memref_squeeze %dma_wait3A_796 : memref<1x120xi32, #tpu.memory_space<vmem>> -> memref<120xi32, #tpu.memory_space<vmem>>
      %dma_wait3A_798 = arith.constant 0 : i32
      %dma_wait3A_799 = arith.constant 0 : i32
      %dma_wait3A_800 = tpu.memref_slice %arg8[%dma_wait3A_798, %dma_wait3A_799] : memref<10000x128xf32, #tpu.memory_space<vmem_shared>> -> memref<10000x128xf32, #tpu.memory_space<vmem_shared>>
      tpu.wait_indirect_dma semaphore(%arg27 : memref<!tpu.dma_semaphore, #tpu.memory_space<semaphore_mem>>) src(%arg13 : memref<120x128xf32, #tpu.memory_space<vmem>>) dst(%dma_wait3A_800 : memref<10000x128xf32, #tpu.memory_space<vmem_shared>>)
      %add3A_801 = arith.constant 4 : i32
      %add3A_802 = arith.addi %add3A_779, %add3A_801 : i32
      %mul3A_803 = arith.constant 120 : i32
      %mul3A_804 = arith.muli %add3A_802, %mul3A_803 : i32
      %add3A_805 = arith.addi %mul3A_4, %mul3A_804 : i32
      %dma_start3A_806 = arith.constant 4 : i32
      %dma_start3A_807 = arith.constant 0 : i32
      %dma_start3A_808 = tpu.memref_slice %arg9[%dma_start3A_806, %dma_start3A_807] : memref<6x120xi32, #tpu.memory_space<vmem>> -> memref<1x120xi32, #tpu.memory_space<vmem>>
      %dma_start3A_809 = tpu.memref_squeeze %dma_start3A_808 : memref<1x120xi32, #tpu.memory_space<vmem>> -> memref<120xi32, #tpu.memory_space<vmem>>
      %dma_start3A_810 = tpu.memref_slice %arg3[%add3A_805] : memref<640000xi32, #tpu.memory_space<hbm>> -> memref<120xi32, #tpu.memory_space<hbm>>
      %dma_start3A_811 = arith.constant 0 : i32
      %dma_start3A_812 = tpu.memref_slice %arg9[%dma_start3A_806, %dma_start3A_811] : memref<6x120xi32, #tpu.memory_space<vmem>> -> memref<1x120xi32, #tpu.memory_space<vmem>>
      %dma_start3A_813 = tpu.memref_squeeze %dma_start3A_812 : memref<1x120xi32, #tpu.memory_space<vmem>> -> memref<120xi32, #tpu.memory_space<vmem>>
      %dma_start3A_814 = tpu.memref_slice %arg3[%add3A_805] : memref<640000xi32, #tpu.memory_space<hbm>> -> memref<120xi32, #tpu.memory_space<hbm>>
      tpu.enqueue_dma source(%dma_start3A_814 : memref<120xi32, #tpu.memory_space<hbm>>) target(%dma_start3A_813 : memref<120xi32, #tpu.memory_space<vmem>>) target_semaphore(%arg20 : memref<!tpu.dma_semaphore, #tpu.memory_space<semaphore_mem>>)
      %mul3A_815 = arith.constant 120 : i32
      %mul3A_816 = arith.muli %add3A_802, %mul3A_815 : i32
      %add3A_817 = arith.addi %mul3A_4, %mul3A_816 : i32
      %dma_start3A_818 = arith.constant 4 : i32
      %dma_start3A_819 = arith.constant 0 : i32
      %dma_start3A_820 = tpu.memref_slice %arg10[%dma_start3A_818, %dma_start3A_819] : memref<6x120xi32, #tpu.memory_space<vmem>> -> memref<1x120xi32, #tpu.memory_space<vmem>>
      %dma_start3A_821 = tpu.memref_squeeze %dma_start3A_820 : memref<1x120xi32, #tpu.memory_space<vmem>> -> memref<120xi32, #tpu.memory_space<vmem>>
      %dma_start3A_822 = tpu.memref_slice %arg4[%add3A_817] : memref<640000xi32, #tpu.memory_space<hbm>> -> memref<120xi32, #tpu.memory_space<hbm>>
      %dma_start3A_823 = arith.constant 0 : i32
      %dma_start3A_824 = tpu.memref_slice %arg10[%dma_start3A_818, %dma_start3A_823] : memref<6x120xi32, #tpu.memory_space<vmem>> -> memref<1x120xi32, #tpu.memory_space<vmem>>
      %dma_start3A_825 = tpu.memref_squeeze %dma_start3A_824 : memref<1x120xi32, #tpu.memory_space<vmem>> -> memref<120xi32, #tpu.memory_space<vmem>>
      %dma_start3A_826 = tpu.memref_slice %arg4[%add3A_817] : memref<640000xi32, #tpu.memory_space<hbm>> -> memref<120xi32, #tpu.memory_space<hbm>>
      tpu.enqueue_dma source(%dma_start3A_826 : memref<120xi32, #tpu.memory_space<hbm>>) target(%dma_start3A_825 : memref<120xi32, #tpu.memory_space<vmem>>) target_semaphore(%arg20 : memref<!tpu.dma_semaphore, #tpu.memory_space<semaphore_mem>>)
      %dma_wait3A_827 = arith.constant 2 : i32
      %dma_wait3A_828 = arith.constant 0 : i32
      %dma_wait3A_829 = tpu.memref_slice %arg9[%dma_wait3A_827, %dma_wait3A_828] : memref<6x120xi32, #tpu.memory_space<vmem>> -> memref<1x120xi32, #tpu.memory_space<vmem>>
      %dma_wait3A_830 = tpu.memref_squeeze %dma_wait3A_829 : memref<1x120xi32, #tpu.memory_space<vmem>> -> memref<120xi32, #tpu.memory_space<vmem>>
      %dma_wait3A_831 = arith.constant 0 : i32
      %dma_wait3A_832 = tpu.memref_slice %arg3[%dma_wait3A_831] : memref<640000xi32, #tpu.memory_space<hbm>> -> memref<120xi32, #tpu.memory_space<hbm>>
      %dma_wait3A_833 = arith.constant 0 : i32
      %dma_wait3A_834 = tpu.memref_slice %arg9[%dma_wait3A_827, %dma_wait3A_833] : memref<6x120xi32, #tpu.memory_space<vmem>> -> memref<1x120xi32, #tpu.memory_space<vmem>>
      %dma_wait3A_835 = tpu.memref_squeeze %dma_wait3A_834 : memref<1x120xi32, #tpu.memory_space<vmem>> -> memref<120xi32, #tpu.memory_space<vmem>>
      %dma_wait3A_836 = arith.constant 0 : i32
      %dma_wait3A_837 = tpu.memref_slice %arg3[%dma_wait3A_836] : memref<640000xi32, #tpu.memory_space<hbm>> -> memref<120xi32, #tpu.memory_space<hbm>>
      tpu.wait_dma2 semaphore(%arg18 : memref<!tpu.dma_semaphore, #tpu.memory_space<semaphore_mem>>) src(%dma_wait3A_837 : memref<120xi32, #tpu.memory_space<hbm>>) dst(%dma_wait3A_835 : memref<120xi32, #tpu.memory_space<vmem>>)
      %dma_wait3A_838 = arith.constant 2 : i32
      %dma_wait3A_839 = arith.constant 0 : i32
      %dma_wait3A_840 = tpu.memref_slice %arg10[%dma_wait3A_838, %dma_wait3A_839] : memref<6x120xi32, #tpu.memory_space<vmem>> -> memref<1x120xi32, #tpu.memory_space<vmem>>
      %dma_wait3A_841 = tpu.memref_squeeze %dma_wait3A_840 : memref<1x120xi32, #tpu.memory_space<vmem>> -> memref<120xi32, #tpu.memory_space<vmem>>
      %dma_wait3A_842 = arith.constant 0 : i32
      %dma_wait3A_843 = tpu.memref_slice %arg4[%dma_wait3A_842] : memref<640000xi32, #tpu.memory_space<hbm>> -> memref<120xi32, #tpu.memory_space<hbm>>
      %dma_wait3A_844 = arith.constant 0 : i32
      %dma_wait3A_845 = tpu.memref_slice %arg10[%dma_wait3A_838, %dma_wait3A_844] : memref<6x120xi32, #tpu.memory_space<vmem>> -> memref<1x120xi32, #tpu.memory_space<vmem>>
      %dma_wait3A_846 = tpu.memref_squeeze %dma_wait3A_845 : memref<1x120xi32, #tpu.memory_space<vmem>> -> memref<120xi32, #tpu.memory_space<vmem>>
      %dma_wait3A_847 = arith.constant 0 : i32
      %dma_wait3A_848 = tpu.memref_slice %arg4[%dma_wait3A_847] : memref<640000xi32, #tpu.memory_space<hbm>> -> memref<120xi32, #tpu.memory_space<hbm>>
      tpu.wait_dma2 semaphore(%arg18 : memref<!tpu.dma_semaphore, #tpu.memory_space<semaphore_mem>>) src(%dma_wait3A_848 : memref<120xi32, #tpu.memory_space<hbm>>) dst(%dma_wait3A_846 : memref<120xi32, #tpu.memory_space<vmem>>)
      %dma_start3A_849 = arith.constant 2 : i32
      %dma_start3A_850 = arith.constant 0 : i32
      %dma_start3A_851 = tpu.memref_slice %arg9[%dma_start3A_849, %dma_start3A_850] : memref<6x120xi32, #tpu.memory_space<vmem>> -> memref<1x120xi32, #tpu.memory_space<vmem>>
      %dma_start3A_852 = tpu.memref_squeeze %dma_start3A_851 : memref<1x120xi32, #tpu.memory_space<vmem>> -> memref<120xi32, #tpu.memory_space<vmem>>
      %dma_start3A_853 = arith.constant 0 : i32
      %dma_start3A_854 = arith.constant 0 : i32
      %dma_start3A_855 = tpu.memref_slice %arg2[%dma_start3A_853, %dma_start3A_854] : memref<20000x128xf32, #tpu.memory_space<hbm>> -> memref<20000x128xf32, #tpu.memory_space<hbm>>
      tpu.enqueue_indirect_dma source(%dma_start3A_855 : memref<20000x128xf32, #tpu.memory_space<hbm>>) target(%arg13 : memref<120x128xf32, #tpu.memory_space<vmem>>) offsets(%dma_start3A_852 : memref<120xi32, #tpu.memory_space<vmem>>) semaphore(%arg24 : memref<!tpu.dma_semaphore, #tpu.memory_space<semaphore_mem>>)
      %add3A_856 = arith.constant 1 : i32
      %add3A_857 = arith.addi %add3A_777, %add3A_856 : i32
      %dma_wait3A_858 = arith.constant 1 : i32
      %dma_wait3A_859 = arith.constant 0 : i32
      %dma_wait3A_860 = tpu.memref_slice %arg9[%dma_wait3A_858, %dma_wait3A_859] : memref<6x120xi32, #tpu.memory_space<vmem>> -> memref<1x120xi32, #tpu.memory_space<vmem>>
      %dma_wait3A_861 = tpu.memref_squeeze %dma_wait3A_860 : memref<1x120xi32, #tpu.memory_space<vmem>> -> memref<120xi32, #tpu.memory_space<vmem>>
      %dma_wait3A_862 = arith.constant 0 : i32
      %dma_wait3A_863 = arith.constant 0 : i32
      %dma_wait3A_864 = tpu.memref_slice %arg2[%dma_wait3A_862, %dma_wait3A_863] : memref<20000x128xf32, #tpu.memory_space<hbm>> -> memref<20000x128xf32, #tpu.memory_space<hbm>>
      tpu.wait_indirect_dma semaphore(%arg23 : memref<!tpu.dma_semaphore, #tpu.memory_space<semaphore_mem>>) src(%dma_wait3A_864 : memref<20000x128xf32, #tpu.memory_space<hbm>>) dst(%arg12 : memref<120x128xf32, #tpu.memory_space<vmem>>)
      %dma_start3A_865 = arith.constant 1 : i32
      %dma_start3A_866 = arith.constant 0 : i32
      %dma_start3A_867 = tpu.memref_slice %arg10[%dma_start3A_865, %dma_start3A_866] : memref<6x120xi32, #tpu.memory_space<vmem>> -> memref<1x120xi32, #tpu.memory_space<vmem>>
      %dma_start3A_868 = tpu.memref_squeeze %dma_start3A_867 : memref<1x120xi32, #tpu.memory_space<vmem>> -> memref<120xi32, #tpu.memory_space<vmem>>
      %dma_start3A_869 = arith.constant 0 : i32
      %dma_start3A_870 = arith.constant 0 : i32
      %dma_start3A_871 = tpu.memref_slice %arg8[%dma_start3A_869, %dma_start3A_870] : memref<10000x128xf32, #tpu.memory_space<vmem_shared>> -> memref<10000x128xf32, #tpu.memory_space<vmem_shared>>
      tpu.enqueue_indirect_dma source(%arg12 : memref<120x128xf32, #tpu.memory_space<vmem>>) target(%dma_start3A_871 : memref<10000x128xf32, #tpu.memory_space<vmem_shared>>) offsets(%dma_start3A_868 : memref<120xi32, #tpu.memory_space<vmem>>) semaphore(%arg26 : memref<!tpu.dma_semaphore, #tpu.memory_space<semaphore_mem>>) {add = true}
      %dma_wait3A_872 = arith.constant 5 : i32
      %dma_wait3A_873 = arith.constant 0 : i32
      %dma_wait3A_874 = tpu.memref_slice %arg10[%dma_wait3A_872, %dma_wait3A_873] : memref<6x120xi32, #tpu.memory_space<vmem>> -> memref<1x120xi32, #tpu.memory_space<vmem>>
      %dma_wait3A_875 = tpu.memref_squeeze %dma_wait3A_874 : memref<1x120xi32, #tpu.memory_space<vmem>> -> memref<120xi32, #tpu.memory_space<vmem>>
      %dma_wait3A_876 = arith.constant 0 : i32
      %dma_wait3A_877 = arith.constant 0 : i32
      %dma_wait3A_878 = tpu.memref_slice %arg8[%dma_wait3A_876, %dma_wait3A_877] : memref<10000x128xf32, #tpu.memory_space<vmem_shared>> -> memref<10000x128xf32, #tpu.memory_space<vmem_shared>>
      tpu.wait_indirect_dma semaphore(%arg25 : memref<!tpu.dma_semaphore, #tpu.memory_space<semaphore_mem>>) src(%arg11 : memref<120x128xf32, #tpu.memory_space<vmem>>) dst(%dma_wait3A_878 : memref<10000x128xf32, #tpu.memory_space<vmem_shared>>)
      %add3A_879 = arith.constant 4 : i32
      %add3A_880 = arith.addi %add3A_857, %add3A_879 : i32
      %mul3A_881 = arith.constant 120 : i32
      %mul3A_882 = arith.muli %add3A_880, %mul3A_881 : i32
      %add3A_883 = arith.addi %mul3A_4, %mul3A_882 : i32
      %dma_start3A_884 = arith.constant 5 : i32
      %dma_start3A_885 = arith.constant 0 : i32
      %dma_start3A_886 = tpu.memref_slice %arg9[%dma_start3A_884, %dma_start3A_885] : memref<6x120xi32, #tpu.memory_space<vmem>> -> memref<1x120xi32, #tpu.memory_space<vmem>>
      %dma_start3A_887 = tpu.memref_squeeze %dma_start3A_886 : memref<1x120xi32, #tpu.memory_space<vmem>> -> memref<120xi32, #tpu.memory_space<vmem>>
      %dma_start3A_888 = tpu.memref_slice %arg3[%add3A_883] : memref<640000xi32, #tpu.memory_space<hbm>> -> memref<120xi32, #tpu.memory_space<hbm>>
      %dma_start3A_889 = arith.constant 0 : i32
      %dma_start3A_890 = tpu.memref_slice %arg9[%dma_start3A_884, %dma_start3A_889] : memref<6x120xi32, #tpu.memory_space<vmem>> -> memref<1x120xi32, #tpu.memory_space<vmem>>
      %dma_start3A_891 = tpu.memref_squeeze %dma_start3A_890 : memref<1x120xi32, #tpu.memory_space<vmem>> -> memref<120xi32, #tpu.memory_space<vmem>>
      %dma_start3A_892 = tpu.memref_slice %arg3[%add3A_883] : memref<640000xi32, #tpu.memory_space<hbm>> -> memref<120xi32, #tpu.memory_space<hbm>>
      tpu.enqueue_dma source(%dma_start3A_892 : memref<120xi32, #tpu.memory_space<hbm>>) target(%dma_start3A_891 : memref<120xi32, #tpu.memory_space<vmem>>) target_semaphore(%arg21 : memref<!tpu.dma_semaphore, #tpu.memory_space<semaphore_mem>>)
      %mul3A_893 = arith.constant 120 : i32
      %mul3A_894 = arith.muli %add3A_880, %mul3A_893 : i32
      %add3A_895 = arith.addi %mul3A_4, %mul3A_894 : i32
      %dma_start3A_896 = arith.constant 5 : i32
      %dma_start3A_897 = arith.constant 0 : i32
      %dma_start3A_898 = tpu.memref_slice %arg10[%dma_start3A_896, %dma_start3A_897] : memref<6x120xi32, #tpu.memory_space<vmem>> -> memref<1x120xi32, #tpu.memory_space<vmem>>
      %dma_start3A_899 = tpu.memref_squeeze %dma_start3A_898 : memref<1x120xi32, #tpu.memory_space<vmem>> -> memref<120xi32, #tpu.memory_space<vmem>>
      %dma_start3A_900 = tpu.memref_slice %arg4[%add3A_895] : memref<640000xi32, #tpu.memory_space<hbm>> -> memref<120xi32, #tpu.memory_space<hbm>>
      %dma_start3A_901 = arith.constant 0 : i32
      %dma_start3A_902 = tpu.memref_slice %arg10[%dma_start3A_896, %dma_start3A_901] : memref<6x120xi32, #tpu.memory_space<vmem>> -> memref<1x120xi32, #tpu.memory_space<vmem>>
      %dma_start3A_903 = tpu.memref_squeeze %dma_start3A_902 : memref<1x120xi32, #tpu.memory_space<vmem>> -> memref<120xi32, #tpu.memory_space<vmem>>
      %dma_start3A_904 = tpu.memref_slice %arg4[%add3A_895] : memref<640000xi32, #tpu.memory_space<hbm>> -> memref<120xi32, #tpu.memory_space<hbm>>
      tpu.enqueue_dma source(%dma_start3A_904 : memref<120xi32, #tpu.memory_space<hbm>>) target(%dma_start3A_903 : memref<120xi32, #tpu.memory_space<vmem>>) target_semaphore(%arg21 : memref<!tpu.dma_semaphore, #tpu.memory_space<semaphore_mem>>)
      %dma_wait3A_905 = arith.constant 3 : i32
      %dma_wait3A_906 = arith.constant 0 : i32
      %dma_wait3A_907 = tpu.memref_slice %arg9[%dma_wait3A_905, %dma_wait3A_906] : memref<6x120xi32, #tpu.memory_space<vmem>> -> memref<1x120xi32, #tpu.memory_space<vmem>>
      %dma_wait3A_908 = tpu.memref_squeeze %dma_wait3A_907 : memref<1x120xi32, #tpu.memory_space<vmem>> -> memref<120xi32, #tpu.memory_space<vmem>>
      %dma_wait3A_909 = arith.constant 0 : i32
      %dma_wait3A_910 = tpu.memref_slice %arg3[%dma_wait3A_909] : memref<640000xi32, #tpu.memory_space<hbm>> -> memref<120xi32, #tpu.memory_space<hbm>>
      %dma_wait3A_911 = arith.constant 0 : i32
      %dma_wait3A_912 = tpu.memref_slice %arg9[%dma_wait3A_905, %dma_wait3A_911] : memref<6x120xi32, #tpu.memory_space<vmem>> -> memref<1x120xi32, #tpu.memory_space<vmem>>
      %dma_wait3A_913 = tpu.memref_squeeze %dma_wait3A_912 : memref<1x120xi32, #tpu.memory_space<vmem>> -> memref<120xi32, #tpu.memory_space<vmem>>
      %dma_wait3A_914 = arith.constant 0 : i32
      %dma_wait3A_915 = tpu.memref_slice %arg3[%dma_wait3A_914] : memref<640000xi32, #tpu.memory_space<hbm>> -> memref<120xi32, #tpu.memory_space<hbm>>
      tpu.wait_dma2 semaphore(%arg19 : memref<!tpu.dma_semaphore, #tpu.memory_space<semaphore_mem>>) src(%dma_wait3A_915 : memref<120xi32, #tpu.memory_space<hbm>>) dst(%dma_wait3A_913 : memref<120xi32, #tpu.memory_space<vmem>>)
      %dma_wait3A_916 = arith.constant 3 : i32
      %dma_wait3A_917 = arith.constant 0 : i32
      %dma_wait3A_918 = tpu.memref_slice %arg10[%dma_wait3A_916, %dma_wait3A_917] : memref<6x120xi32, #tpu.memory_space<vmem>> -> memref<1x120xi32, #tpu.memory_space<vmem>>
      %dma_wait3A_919 = tpu.memref_squeeze %dma_wait3A_918 : memref<1x120xi32, #tpu.memory_space<vmem>> -> memref<120xi32, #tpu.memory_space<vmem>>
      %dma_wait3A_920 = arith.constant 0 : i32
      %dma_wait3A_921 = tpu.memref_slice %arg4[%dma_wait3A_920] : memref<640000xi32, #tpu.memory_space<hbm>> -> memref<120xi32, #tpu.memory_space<hbm>>
      %dma_wait3A_922 = arith.constant 0 : i32
      %dma_wait3A_923 = tpu.memref_slice %arg10[%dma_wait3A_916, %dma_wait3A_922] : memref<6x120xi32, #tpu.memory_space<vmem>> -> memref<1x120xi32, #tpu.memory_space<vmem>>
      %dma_wait3A_924 = tpu.memref_squeeze %dma_wait3A_923 : memref<1x120xi32, #tpu.memory_space<vmem>> -> memref<120xi32, #tpu.memory_space<vmem>>
      %dma_wait3A_925 = arith.constant 0 : i32
      %dma_wait3A_926 = tpu.memref_slice %arg4[%dma_wait3A_925] : memref<640000xi32, #tpu.memory_space<hbm>> -> memref<120xi32, #tpu.memory_space<hbm>>
      tpu.wait_dma2 semaphore(%arg19 : memref<!tpu.dma_semaphore, #tpu.memory_space<semaphore_mem>>) src(%dma_wait3A_926 : memref<120xi32, #tpu.memory_space<hbm>>) dst(%dma_wait3A_924 : memref<120xi32, #tpu.memory_space<vmem>>)
      %dma_start3A_927 = arith.constant 3 : i32
      %dma_start3A_928 = arith.constant 0 : i32
      %dma_start3A_929 = tpu.memref_slice %arg9[%dma_start3A_927, %dma_start3A_928] : memref<6x120xi32, #tpu.memory_space<vmem>> -> memref<1x120xi32, #tpu.memory_space<vmem>>
      %dma_start3A_930 = tpu.memref_squeeze %dma_start3A_929 : memref<1x120xi32, #tpu.memory_space<vmem>> -> memref<120xi32, #tpu.memory_space<vmem>>
      %dma_start3A_931 = arith.constant 0 : i32
      %dma_start3A_932 = arith.constant 0 : i32
      %dma_start3A_933 = tpu.memref_slice %arg2[%dma_start3A_931, %dma_start3A_932] : memref<20000x128xf32, #tpu.memory_space<hbm>> -> memref<20000x128xf32, #tpu.memory_space<hbm>>
      tpu.enqueue_indirect_dma source(%dma_start3A_933 : memref<20000x128xf32, #tpu.memory_space<hbm>>) target(%arg11 : memref<120x128xf32, #tpu.memory_space<vmem>>) offsets(%dma_start3A_930 : memref<120xi32, #tpu.memory_space<vmem>>) semaphore(%arg22 : memref<!tpu.dma_semaphore, #tpu.memory_space<semaphore_mem>>)
      %add3A_934 = arith.constant 2 : i32
      %add3A_935 = arith.addi %add3A_777, %add3A_934 : i32
      %dma_wait3A_936 = arith.constant 2 : i32
      %dma_wait3A_937 = arith.constant 0 : i32
      %dma_wait3A_938 = tpu.memref_slice %arg9[%dma_wait3A_936, %dma_wait3A_937] : memref<6x120xi32, #tpu.memory_space<vmem>> -> memref<1x120xi32, #tpu.memory_space<vmem>>
      %dma_wait3A_939 = tpu.memref_squeeze %dma_wait3A_938 : memref<1x120xi32, #tpu.memory_space<vmem>> -> memref<120xi32, #tpu.memory_space<vmem>>
      %dma_wait3A_940 = arith.constant 0 : i32
      %dma_wait3A_941 = arith.constant 0 : i32
      %dma_wait3A_942 = tpu.memref_slice %arg2[%dma_wait3A_940, %dma_wait3A_941] : memref<20000x128xf32, #tpu.memory_space<hbm>> -> memref<20000x128xf32, #tpu.memory_space<hbm>>
      tpu.wait_indirect_dma semaphore(%arg24 : memref<!tpu.dma_semaphore, #tpu.memory_space<semaphore_mem>>) src(%dma_wait3A_942 : memref<20000x128xf32, #tpu.memory_space<hbm>>) dst(%arg13 : memref<120x128xf32, #tpu.memory_space<vmem>>)
      %dma_start3A_943 = arith.constant 2 : i32
      %dma_start3A_944 = arith.constant 0 : i32
      %dma_start3A_945 = tpu.memref_slice %arg10[%dma_start3A_943, %dma_start3A_944] : memref<6x120xi32, #tpu.memory_space<vmem>> -> memref<1x120xi32, #tpu.memory_space<vmem>>
      %dma_start3A_946 = tpu.memref_squeeze %dma_start3A_945 : memref<1x120xi32, #tpu.memory_space<vmem>> -> memref<120xi32, #tpu.memory_space<vmem>>
      %dma_start3A_947 = arith.constant 0 : i32
      %dma_start3A_948 = arith.constant 0 : i32
      %dma_start3A_949 = tpu.memref_slice %arg8[%dma_start3A_947, %dma_start3A_948] : memref<10000x128xf32, #tpu.memory_space<vmem_shared>> -> memref<10000x128xf32, #tpu.memory_space<vmem_shared>>
      tpu.enqueue_indirect_dma source(%arg13 : memref<120x128xf32, #tpu.memory_space<vmem>>) target(%dma_start3A_949 : memref<10000x128xf32, #tpu.memory_space<vmem_shared>>) offsets(%dma_start3A_946 : memref<120xi32, #tpu.memory_space<vmem>>) semaphore(%arg27 : memref<!tpu.dma_semaphore, #tpu.memory_space<semaphore_mem>>) {add = true}
      %dma_wait3A_950 = arith.constant 0 : i32
      %dma_wait3A_951 = arith.constant 0 : i32
      %dma_wait3A_952 = tpu.memref_slice %arg10[%dma_wait3A_950, %dma_wait3A_951] : memref<6x120xi32, #tpu.memory_space<vmem>> -> memref<1x120xi32, #tpu.memory_space<vmem>>
      %dma_wait3A_953 = tpu.memref_squeeze %dma_wait3A_952 : memref<1x120xi32, #tpu.memory_space<vmem>> -> memref<120xi32, #tpu.memory_space<vmem>>
      %dma_wait3A_954 = arith.constant 0 : i32
      %dma_wait3A_955 = arith.constant 0 : i32
      %dma_wait3A_956 = tpu.memref_slice %arg8[%dma_wait3A_954, %dma_wait3A_955] : memref<10000x128xf32, #tpu.memory_space<vmem_shared>> -> memref<10000x128xf32, #tpu.memory_space<vmem_shared>>
      tpu.wait_indirect_dma semaphore(%arg26 : memref<!tpu.dma_semaphore, #tpu.memory_space<semaphore_mem>>) src(%arg12 : memref<120x128xf32, #tpu.memory_space<vmem>>) dst(%dma_wait3A_956 : memref<10000x128xf32, #tpu.memory_space<vmem_shared>>)
      %add3A_957 = arith.constant 4 : i32
      %add3A_958 = arith.addi %add3A_935, %add3A_957 : i32
      %mul3A_959 = arith.constant 120 : i32
      %mul3A_960 = arith.muli %add3A_958, %mul3A_959 : i32
      %add3A_961 = arith.addi %mul3A_4, %mul3A_960 : i32
      %dma_start3A_962 = arith.constant 0 : i32
      %dma_start3A_963 = arith.constant 0 : i32
      %dma_start3A_964 = tpu.memref_slice %arg9[%dma_start3A_962, %dma_start3A_963] : memref<6x120xi32, #tpu.memory_space<vmem>> -> memref<1x120xi32, #tpu.memory_space<vmem>>
      %dma_start3A_965 = tpu.memref_squeeze %dma_start3A_964 : memref<1x120xi32, #tpu.memory_space<vmem>> -> memref<120xi32, #tpu.memory_space<vmem>>
      %dma_start3A_966 = tpu.memref_slice %arg3[%add3A_961] : memref<640000xi32, #tpu.memory_space<hbm>> -> memref<120xi32, #tpu.memory_space<hbm>>
      %dma_start3A_967 = arith.constant 0 : i32
      %dma_start3A_968 = tpu.memref_slice %arg9[%dma_start3A_962, %dma_start3A_967] : memref<6x120xi32, #tpu.memory_space<vmem>> -> memref<1x120xi32, #tpu.memory_space<vmem>>
      %dma_start3A_969 = tpu.memref_squeeze %dma_start3A_968 : memref<1x120xi32, #tpu.memory_space<vmem>> -> memref<120xi32, #tpu.memory_space<vmem>>
      %dma_start3A_970 = tpu.memref_slice %arg3[%add3A_961] : memref<640000xi32, #tpu.memory_space<hbm>> -> memref<120xi32, #tpu.memory_space<hbm>>
      tpu.enqueue_dma source(%dma_start3A_970 : memref<120xi32, #tpu.memory_space<hbm>>) target(%dma_start3A_969 : memref<120xi32, #tpu.memory_space<vmem>>) target_semaphore(%arg16 : memref<!tpu.dma_semaphore, #tpu.memory_space<semaphore_mem>>)
      %mul3A_971 = arith.constant 120 : i32
      %mul3A_972 = arith.muli %add3A_958, %mul3A_971 : i32
      %add3A_973 = arith.addi %mul3A_4, %mul3A_972 : i32
      %dma_start3A_974 = arith.constant 0 : i32
      %dma_start3A_975 = arith.constant 0 : i32
      %dma_start3A_976 = tpu.memref_slice %arg10[%dma_start3A_974, %dma_start3A_975] : memref<6x120xi32, #tpu.memory_space<vmem>> -> memref<1x120xi32, #tpu.memory_space<vmem>>
      %dma_start3A_977 = tpu.memref_squeeze %dma_start3A_976 : memref<1x120xi32, #tpu.memory_space<vmem>> -> memref<120xi32, #tpu.memory_space<vmem>>
      %dma_start3A_978 = tpu.memref_slice %arg4[%add3A_973] : memref<640000xi32, #tpu.memory_space<hbm>> -> memref<120xi32, #tpu.memory_space<hbm>>
      %dma_start3A_979 = arith.constant 0 : i32
      %dma_start3A_980 = tpu.memref_slice %arg10[%dma_start3A_974, %dma_start3A_979] : memref<6x120xi32, #tpu.memory_space<vmem>> -> memref<1x120xi32, #tpu.memory_space<vmem>>
      %dma_start3A_981 = tpu.memref_squeeze %dma_start3A_980 : memref<1x120xi32, #tpu.memory_space<vmem>> -> memref<120xi32, #tpu.memory_space<vmem>>
      %dma_start3A_982 = tpu.memref_slice %arg4[%add3A_973] : memref<640000xi32, #tpu.memory_space<hbm>> -> memref<120xi32, #tpu.memory_space<hbm>>
      tpu.enqueue_dma source(%dma_start3A_982 : memref<120xi32, #tpu.memory_space<hbm>>) target(%dma_start3A_981 : memref<120xi32, #tpu.memory_space<vmem>>) target_semaphore(%arg16 : memref<!tpu.dma_semaphore, #tpu.memory_space<semaphore_mem>>)
      %dma_wait3A_983 = arith.constant 4 : i32
      %dma_wait3A_984 = arith.constant 0 : i32
      %dma_wait3A_985 = tpu.memref_slice %arg9[%dma_wait3A_983, %dma_wait3A_984] : memref<6x120xi32, #tpu.memory_space<vmem>> -> memref<1x120xi32, #tpu.memory_space<vmem>>
      %dma_wait3A_986 = tpu.memref_squeeze %dma_wait3A_985 : memref<1x120xi32, #tpu.memory_space<vmem>> -> memref<120xi32, #tpu.memory_space<vmem>>
      %dma_wait3A_987 = arith.constant 0 : i32
      %dma_wait3A_988 = tpu.memref_slice %arg3[%dma_wait3A_987] : memref<640000xi32, #tpu.memory_space<hbm>> -> memref<120xi32, #tpu.memory_space<hbm>>
      %dma_wait3A_989 = arith.constant 0 : i32
      %dma_wait3A_990 = tpu.memref_slice %arg9[%dma_wait3A_983, %dma_wait3A_989] : memref<6x120xi32, #tpu.memory_space<vmem>> -> memref<1x120xi32, #tpu.memory_space<vmem>>
      %dma_wait3A_991 = tpu.memref_squeeze %dma_wait3A_990 : memref<1x120xi32, #tpu.memory_space<vmem>> -> memref<120xi32, #tpu.memory_space<vmem>>
      %dma_wait3A_992 = arith.constant 0 : i32
      %dma_wait3A_993 = tpu.memref_slice %arg3[%dma_wait3A_992] : memref<640000xi32, #tpu.memory_space<hbm>> -> memref<120xi32, #tpu.memory_space<hbm>>
      tpu.wait_dma2 semaphore(%arg20 : memref<!tpu.dma_semaphore, #tpu.memory_space<semaphore_mem>>) src(%dma_wait3A_993 : memref<120xi32, #tpu.memory_space<hbm>>) dst(%dma_wait3A_991 : memref<120xi32, #tpu.memory_space<vmem>>)
      %dma_wait3A_994 = arith.constant 4 : i32
      %dma_wait3A_995 = arith.constant 0 : i32
      %dma_wait3A_996 = tpu.memref_slice %arg10[%dma_wait3A_994, %dma_wait3A_995] : memref<6x120xi32, #tpu.memory_space<vmem>> -> memref<1x120xi32, #tpu.memory_space<vmem>>
      %dma_wait3A_997 = tpu.memref_squeeze %dma_wait3A_996 : memref<1x120xi32, #tpu.memory_space<vmem>> -> memref<120xi32, #tpu.memory_space<vmem>>
      %dma_wait3A_998 = arith.constant 0 : i32
      %dma_wait3A_999 = tpu.memref_slice %arg4[%dma_wait3A_998] : memref<640000xi32, #tpu.memory_space<hbm>> -> memref<120xi32, #tpu.memory_space<hbm>>
      %dma_wait3A_1000 = arith.constant 0 : i32
      %dma_wait3A_1001 = tpu.memref_slice %arg10[%dma_wait3A_994, %dma_wait3A_1000] : memref<6x120xi32, #tpu.memory_space<vmem>> -> memref<1x120xi32, #tpu.memory_space<vmem>>
      %dma_wait3A_1002 = tpu.memref_squeeze %dma_wait3A_1001 : memref<1x120xi32, #tpu.memory_space<vmem>> -> memref<120xi32, #tpu.memory_space<vmem>>
      %dma_wait3A_1003 = arith.constant 0 : i32
      %dma_wait3A_1004 = tpu.memref_slice %arg4[%dma_wait3A_1003] : memref<640000xi32, #tpu.memory_space<hbm>> -> memref<120xi32, #tpu.memory_space<hbm>>
      tpu.wait_dma2 semaphore(%arg20 : memref<!tpu.dma_semaphore, #tpu.memory_space<semaphore_mem>>) src(%dma_wait3A_1004 : memref<120xi32, #tpu.memory_space<hbm>>) dst(%dma_wait3A_1002 : memref<120xi32, #tpu.memory_space<vmem>>)
      %dma_start3A_1005 = arith.constant 4 : i32
      %dma_start3A_1006 = arith.constant 0 : i32
      %dma_start3A_1007 = tpu.memref_slice %arg9[%dma_start3A_1005, %dma_start3A_1006] : memref<6x120xi32, #tpu.memory_space<vmem>> -> memref<1x120xi32, #tpu.memory_space<vmem>>
      %dma_start3A_1008 = tpu.memref_squeeze %dma_start3A_1007 : memref<1x120xi32, #tpu.memory_space<vmem>> -> memref<120xi32, #tpu.memory_space<vmem>>
      %dma_start3A_1009 = arith.constant 0 : i32
      %dma_start3A_1010 = arith.constant 0 : i32
      %dma_start3A_1011 = tpu.memref_slice %arg2[%dma_start3A_1009, %dma_start3A_1010] : memref<20000x128xf32, #tpu.memory_space<hbm>> -> memref<20000x128xf32, #tpu.memory_space<hbm>>
      tpu.enqueue_indirect_dma source(%dma_start3A_1011 : memref<20000x128xf32, #tpu.memory_space<hbm>>) target(%arg12 : memref<120x128xf32, #tpu.memory_space<vmem>>) offsets(%dma_start3A_1008 : memref<120xi32, #tpu.memory_space<vmem>>) semaphore(%arg23 : memref<!tpu.dma_semaphore, #tpu.memory_space<semaphore_mem>>)
      %add3A_1012 = arith.constant 3 : i32
      %add3A_1013 = arith.addi %add3A_777, %add3A_1012 : i32
      %dma_wait3A_1014 = arith.constant 3 : i32
      %dma_wait3A_1015 = arith.constant 0 : i32
      %dma_wait3A_1016 = tpu.memref_slice %arg9[%dma_wait3A_1014, %dma_wait3A_1015] : memref<6x120xi32, #tpu.memory_space<vmem>> -> memref<1x120xi32, #tpu.memory_space<vmem>>
      %dma_wait3A_1017 = tpu.memref_squeeze %dma_wait3A_1016 : memref<1x120xi32, #tpu.memory_space<vmem>> -> memref<120xi32, #tpu.memory_space<vmem>>
      %dma_wait3A_1018 = arith.constant 0 : i32
      %dma_wait3A_1019 = arith.constant 0 : i32
      %dma_wait3A_1020 = tpu.memref_slice %arg2[%dma_wait3A_1018, %dma_wait3A_1019] : memref<20000x128xf32, #tpu.memory_space<hbm>> -> memref<20000x128xf32, #tpu.memory_space<hbm>>
      tpu.wait_indirect_dma semaphore(%arg22 : memref<!tpu.dma_semaphore, #tpu.memory_space<semaphore_mem>>) src(%dma_wait3A_1020 : memref<20000x128xf32, #tpu.memory_space<hbm>>) dst(%arg11 : memref<120x128xf32, #tpu.memory_space<vmem>>)
      %dma_start3A_1021 = arith.constant 3 : i32
      %dma_start3A_1022 = arith.constant 0 : i32
      %dma_start3A_1023 = tpu.memref_slice %arg10[%dma_start3A_1021, %dma_start3A_1022] : memref<6x120xi32, #tpu.memory_space<vmem>> -> memref<1x120xi32, #tpu.memory_space<vmem>>
      %dma_start3A_1024 = tpu.memref_squeeze %dma_start3A_1023 : memref<1x120xi32, #tpu.memory_space<vmem>> -> memref<120xi32, #tpu.memory_space<vmem>>
      %dma_start3A_1025 = arith.constant 0 : i32
      %dma_start3A_1026 = arith.constant 0 : i32
      %dma_start3A_1027 = tpu.memref_slice %arg8[%dma_start3A_1025, %dma_start3A_1026] : memref<10000x128xf32, #tpu.memory_space<vmem_shared>> -> memref<10000x128xf32, #tpu.memory_space<vmem_shared>>
      tpu.enqueue_indirect_dma source(%arg11 : memref<120x128xf32, #tpu.memory_space<vmem>>) target(%dma_start3A_1027 : memref<10000x128xf32, #tpu.memory_space<vmem_shared>>) offsets(%dma_start3A_1024 : memref<120xi32, #tpu.memory_space<vmem>>) semaphore(%arg25 : memref<!tpu.dma_semaphore, #tpu.memory_space<semaphore_mem>>) {add = true}
      %dma_wait3A_1028 = arith.constant 1 : i32
      %dma_wait3A_1029 = arith.constant 0 : i32
      %dma_wait3A_1030 = tpu.memref_slice %arg10[%dma_wait3A_1028, %dma_wait3A_1029] : memref<6x120xi32, #tpu.memory_space<vmem>> -> memref<1x120xi32, #tpu.memory_space<vmem>>
      %dma_wait3A_1031 = tpu.memref_squeeze %dma_wait3A_1030 : memref<1x120xi32, #tpu.memory_space<vmem>> -> memref<120xi32, #tpu.memory_space<vmem>>
      %dma_wait3A_1032 = arith.constant 0 : i32
      %dma_wait3A_1033 = arith.constant 0 : i32
      %dma_wait3A_1034 = tpu.memref_slice %arg8[%dma_wait3A_1032, %dma_wait3A_1033] : memref<10000x128xf32, #tpu.memory_space<vmem_shared>> -> memref<10000x128xf32, #tpu.memory_space<vmem_shared>>
      tpu.wait_indirect_dma semaphore(%arg27 : memref<!tpu.dma_semaphore, #tpu.memory_space<semaphore_mem>>) src(%arg13 : memref<120x128xf32, #tpu.memory_space<vmem>>) dst(%dma_wait3A_1034 : memref<10000x128xf32, #tpu.memory_space<vmem_shared>>)
      %add3A_1035 = arith.constant 4 : i32
      %add3A_1036 = arith.addi %add3A_1013, %add3A_1035 : i32
      %mul3A_1037 = arith.constant 120 : i32
      %mul3A_1038 = arith.muli %add3A_1036, %mul3A_1037 : i32
      %add3A_1039 = arith.addi %mul3A_4, %mul3A_1038 : i32
      %dma_start3A_1040 = arith.constant 1 : i32
      %dma_start3A_1041 = arith.constant 0 : i32
      %dma_start3A_1042 = tpu.memref_slice %arg9[%dma_start3A_1040, %dma_start3A_1041] : memref<6x120xi32, #tpu.memory_space<vmem>> -> memref<1x120xi32, #tpu.memory_space<vmem>>
      %dma_start3A_1043 = tpu.memref_squeeze %dma_start3A_1042 : memref<1x120xi32, #tpu.memory_space<vmem>> -> memref<120xi32, #tpu.memory_space<vmem>>
      %dma_start3A_1044 = tpu.memref_slice %arg3[%add3A_1039] : memref<640000xi32, #tpu.memory_space<hbm>> -> memref<120xi32, #tpu.memory_space<hbm>>
      %dma_start3A_1045 = arith.constant 0 : i32
      %dma_start3A_1046 = tpu.memref_slice %arg9[%dma_start3A_1040, %dma_start3A_1045] : memref<6x120xi32, #tpu.memory_space<vmem>> -> memref<1x120xi32, #tpu.memory_space<vmem>>
      %dma_start3A_1047 = tpu.memref_squeeze %dma_start3A_1046 : memref<1x120xi32, #tpu.memory_space<vmem>> -> memref<120xi32, #tpu.memory_space<vmem>>
      %dma_start3A_1048 = tpu.memref_slice %arg3[%add3A_1039] : memref<640000xi32, #tpu.memory_space<hbm>> -> memref<120xi32, #tpu.memory_space<hbm>>
      tpu.enqueue_dma source(%dma_start3A_1048 : memref<120xi32, #tpu.memory_space<hbm>>) target(%dma_start3A_1047 : memref<120xi32, #tpu.memory_space<vmem>>) target_semaphore(%arg17 : memref<!tpu.dma_semaphore, #tpu.memory_space<semaphore_mem>>)
      %mul3A_1049 = arith.constant 120 : i32
      %mul3A_1050 = arith.muli %add3A_1036, %mul3A_1049 : i32
      %add3A_1051 = arith.addi %mul3A_4, %mul3A_1050 : i32
      %dma_start3A_1052 = arith.constant 1 : i32
      %dma_start3A_1053 = arith.constant 0 : i32
      %dma_start3A_1054 = tpu.memref_slice %arg10[%dma_start3A_1052, %dma_start3A_1053] : memref<6x120xi32, #tpu.memory_space<vmem>> -> memref<1x120xi32, #tpu.memory_space<vmem>>
      %dma_start3A_1055 = tpu.memref_squeeze %dma_start3A_1054 : memref<1x120xi32, #tpu.memory_space<vmem>> -> memref<120xi32, #tpu.memory_space<vmem>>
      %dma_start3A_1056 = tpu.memref_slice %arg4[%add3A_1051] : memref<640000xi32, #tpu.memory_space<hbm>> -> memref<120xi32, #tpu.memory_space<hbm>>
      %dma_start3A_1057 = arith.constant 0 : i32
      %dma_start3A_1058 = tpu.memref_slice %arg10[%dma_start3A_1052, %dma_start3A_1057] : memref<6x120xi32, #tpu.memory_space<vmem>> -> memref<1x120xi32, #tpu.memory_space<vmem>>
      %dma_start3A_1059 = tpu.memref_squeeze %dma_start3A_1058 : memref<1x120xi32, #tpu.memory_space<vmem>> -> memref<120xi32, #tpu.memory_space<vmem>>
      %dma_start3A_1060 = tpu.memref_slice %arg4[%add3A_1051] : memref<640000xi32, #tpu.memory_space<hbm>> -> memref<120xi32, #tpu.memory_space<hbm>>
      tpu.enqueue_dma source(%dma_start3A_1060 : memref<120xi32, #tpu.memory_space<hbm>>) target(%dma_start3A_1059 : memref<120xi32, #tpu.memory_space<vmem>>) target_semaphore(%arg17 : memref<!tpu.dma_semaphore, #tpu.memory_space<semaphore_mem>>)
      %dma_wait3A_1061 = arith.constant 5 : i32
      %dma_wait3A_1062 = arith.constant 0 : i32
      %dma_wait3A_1063 = tpu.memref_slice %arg9[%dma_wait3A_1061, %dma_wait3A_1062] : memref<6x120xi32, #tpu.memory_space<vmem>> -> memref<1x120xi32, #tpu.memory_space<vmem>>
      %dma_wait3A_1064 = tpu.memref_squeeze %dma_wait3A_1063 : memref<1x120xi32, #tpu.memory_space<vmem>> -> memref<120xi32, #tpu.memory_space<vmem>>
      %dma_wait3A_1065 = arith.constant 0 : i32
      %dma_wait3A_1066 = tpu.memref_slice %arg3[%dma_wait3A_1065] : memref<640000xi32, #tpu.memory_space<hbm>> -> memref<120xi32, #tpu.memory_space<hbm>>
      %dma_wait3A_1067 = arith.constant 0 : i32
      %dma_wait3A_1068 = tpu.memref_slice %arg9[%dma_wait3A_1061, %dma_wait3A_1067] : memref<6x120xi32, #tpu.memory_space<vmem>> -> memref<1x120xi32, #tpu.memory_space<vmem>>
      %dma_wait3A_1069 = tpu.memref_squeeze %dma_wait3A_1068 : memref<1x120xi32, #tpu.memory_space<vmem>> -> memref<120xi32, #tpu.memory_space<vmem>>
      %dma_wait3A_1070 = arith.constant 0 : i32
      %dma_wait3A_1071 = tpu.memref_slice %arg3[%dma_wait3A_1070] : memref<640000xi32, #tpu.memory_space<hbm>> -> memref<120xi32, #tpu.memory_space<hbm>>
      tpu.wait_dma2 semaphore(%arg21 : memref<!tpu.dma_semaphore, #tpu.memory_space<semaphore_mem>>) src(%dma_wait3A_1071 : memref<120xi32, #tpu.memory_space<hbm>>) dst(%dma_wait3A_1069 : memref<120xi32, #tpu.memory_space<vmem>>)
      %dma_wait3A_1072 = arith.constant 5 : i32
      %dma_wait3A_1073 = arith.constant 0 : i32
      %dma_wait3A_1074 = tpu.memref_slice %arg10[%dma_wait3A_1072, %dma_wait3A_1073] : memref<6x120xi32, #tpu.memory_space<vmem>> -> memref<1x120xi32, #tpu.memory_space<vmem>>
      %dma_wait3A_1075 = tpu.memref_squeeze %dma_wait3A_1074 : memref<1x120xi32, #tpu.memory_space<vmem>> -> memref<120xi32, #tpu.memory_space<vmem>>
      %dma_wait3A_1076 = arith.constant 0 : i32
      %dma_wait3A_1077 = tpu.memref_slice %arg4[%dma_wait3A_1076] : memref<640000xi32, #tpu.memory_space<hbm>> -> memref<120xi32, #tpu.memory_space<hbm>>
      %dma_wait3A_1078 = arith.constant 0 : i32
      %dma_wait3A_1079 = tpu.memref_slice %arg10[%dma_wait3A_1072, %dma_wait3A_1078] : memref<6x120xi32, #tpu.memory_space<vmem>> -> memref<1x120xi32, #tpu.memory_space<vmem>>
      %dma_wait3A_1080 = tpu.memref_squeeze %dma_wait3A_1079 : memref<1x120xi32, #tpu.memory_space<vmem>> -> memref<120xi32, #tpu.memory_space<vmem>>
      %dma_wait3A_1081 = arith.constant 0 : i32
      %dma_wait3A_1082 = tpu.memref_slice %arg4[%dma_wait3A_1081] : memref<640000xi32, #tpu.memory_space<hbm>> -> memref<120xi32, #tpu.memory_space<hbm>>
      tpu.wait_dma2 semaphore(%arg21 : memref<!tpu.dma_semaphore, #tpu.memory_space<semaphore_mem>>) src(%dma_wait3A_1082 : memref<120xi32, #tpu.memory_space<hbm>>) dst(%dma_wait3A_1080 : memref<120xi32, #tpu.memory_space<vmem>>)
      %dma_start3A_1083 = arith.constant 5 : i32
      %dma_start3A_1084 = arith.constant 0 : i32
      %dma_start3A_1085 = tpu.memref_slice %arg9[%dma_start3A_1083, %dma_start3A_1084] : memref<6x120xi32, #tpu.memory_space<vmem>> -> memref<1x120xi32, #tpu.memory_space<vmem>>
      %dma_start3A_1086 = tpu.memref_squeeze %dma_start3A_1085 : memref<1x120xi32, #tpu.memory_space<vmem>> -> memref<120xi32, #tpu.memory_space<vmem>>
      %dma_start3A_1087 = arith.constant 0 : i32
      %dma_start3A_1088 = arith.constant 0 : i32
      %dma_start3A_1089 = tpu.memref_slice %arg2[%dma_start3A_1087, %dma_start3A_1088] : memref<20000x128xf32, #tpu.memory_space<hbm>> -> memref<20000x128xf32, #tpu.memory_space<hbm>>
      tpu.enqueue_indirect_dma source(%dma_start3A_1089 : memref<20000x128xf32, #tpu.memory_space<hbm>>) target(%arg13 : memref<120x128xf32, #tpu.memory_space<vmem>>) offsets(%dma_start3A_1086 : memref<120xi32, #tpu.memory_space<vmem>>) semaphore(%arg24 : memref<!tpu.dma_semaphore, #tpu.memory_space<semaphore_mem>>)
      %add3A_1090 = arith.constant 4 : i32
      %add3A_1091 = arith.addi %add3A_777, %add3A_1090 : i32
      %dma_wait3A_1092 = arith.constant 4 : i32
      %dma_wait3A_1093 = arith.constant 0 : i32
      %dma_wait3A_1094 = tpu.memref_slice %arg9[%dma_wait3A_1092, %dma_wait3A_1093] : memref<6x120xi32, #tpu.memory_space<vmem>> -> memref<1x120xi32, #tpu.memory_space<vmem>>
      %dma_wait3A_1095 = tpu.memref_squeeze %dma_wait3A_1094 : memref<1x120xi32, #tpu.memory_space<vmem>> -> memref<120xi32, #tpu.memory_space<vmem>>
      %dma_wait3A_1096 = arith.constant 0 : i32
      %dma_wait3A_1097 = arith.constant 0 : i32
      %dma_wait3A_1098 = tpu.memref_slice %arg2[%dma_wait3A_1096, %dma_wait3A_1097] : memref<20000x128xf32, #tpu.memory_space<hbm>> -> memref<20000x128xf32, #tpu.memory_space<hbm>>
      tpu.wait_indirect_dma semaphore(%arg23 : memref<!tpu.dma_semaphore, #tpu.memory_space<semaphore_mem>>) src(%dma_wait3A_1098 : memref<20000x128xf32, #tpu.memory_space<hbm>>) dst(%arg12 : memref<120x128xf32, #tpu.memory_space<vmem>>)
      %dma_start3A_1099 = arith.constant 4 : i32
      %dma_start3A_1100 = arith.constant 0 : i32
      %dma_start3A_1101 = tpu.memref_slice %arg10[%dma_start3A_1099, %dma_start3A_1100] : memref<6x120xi32, #tpu.memory_space<vmem>> -> memref<1x120xi32, #tpu.memory_space<vmem>>
      %dma_start3A_1102 = tpu.memref_squeeze %dma_start3A_1101 : memref<1x120xi32, #tpu.memory_space<vmem>> -> memref<120xi32, #tpu.memory_space<vmem>>
      %dma_start3A_1103 = arith.constant 0 : i32
      %dma_start3A_1104 = arith.constant 0 : i32
      %dma_start3A_1105 = tpu.memref_slice %arg8[%dma_start3A_1103, %dma_start3A_1104] : memref<10000x128xf32, #tpu.memory_space<vmem_shared>> -> memref<10000x128xf32, #tpu.memory_space<vmem_shared>>
      tpu.enqueue_indirect_dma source(%arg12 : memref<120x128xf32, #tpu.memory_space<vmem>>) target(%dma_start3A_1105 : memref<10000x128xf32, #tpu.memory_space<vmem_shared>>) offsets(%dma_start3A_1102 : memref<120xi32, #tpu.memory_space<vmem>>) semaphore(%arg26 : memref<!tpu.dma_semaphore, #tpu.memory_space<semaphore_mem>>) {add = true}
      %dma_wait3A_1106 = arith.constant 2 : i32
      %dma_wait3A_1107 = arith.constant 0 : i32
      %dma_wait3A_1108 = tpu.memref_slice %arg10[%dma_wait3A_1106, %dma_wait3A_1107] : memref<6x120xi32, #tpu.memory_space<vmem>> -> memref<1x120xi32, #tpu.memory_space<vmem>>
      %dma_wait3A_1109 = tpu.memref_squeeze %dma_wait3A_1108 : memref<1x120xi32, #tpu.memory_space<vmem>> -> memref<120xi32, #tpu.memory_space<vmem>>
      %dma_wait3A_1110 = arith.constant 0 : i32
      %dma_wait3A_1111 = arith.constant 0 : i32
      %dma_wait3A_1112 = tpu.memref_slice %arg8[%dma_wait3A_1110, %dma_wait3A_1111] : memref<10000x128xf32, #tpu.memory_space<vmem_shared>> -> memref<10000x128xf32, #tpu.memory_space<vmem_shared>>
      tpu.wait_indirect_dma semaphore(%arg25 : memref<!tpu.dma_semaphore, #tpu.memory_space<semaphore_mem>>) src(%arg11 : memref<120x128xf32, #tpu.memory_space<vmem>>) dst(%dma_wait3A_1112 : memref<10000x128xf32, #tpu.memory_space<vmem_shared>>)
      %add3A_1113 = arith.constant 4 : i32
      %add3A_1114 = arith.addi %add3A_1091, %add3A_1113 : i32
      %mul3A_1115 = arith.constant 120 : i32
      %mul3A_1116 = arith.muli %add3A_1114, %mul3A_1115 : i32
      %add3A_1117 = arith.addi %mul3A_4, %mul3A_1116 : i32
      %dma_start3A_1118 = arith.constant 2 : i32
      %dma_start3A_1119 = arith.constant 0 : i32
      %dma_start3A_1120 = tpu.memref_slice %arg9[%dma_start3A_1118, %dma_start3A_1119] : memref<6x120xi32, #tpu.memory_space<vmem>> -> memref<1x120xi32, #tpu.memory_space<vmem>>
      %dma_start3A_1121 = tpu.memref_squeeze %dma_start3A_1120 : memref<1x120xi32, #tpu.memory_space<vmem>> -> memref<120xi32, #tpu.memory_space<vmem>>
      %dma_start3A_1122 = tpu.memref_slice %arg3[%add3A_1117] : memref<640000xi32, #tpu.memory_space<hbm>> -> memref<120xi32, #tpu.memory_space<hbm>>
      %dma_start3A_1123 = arith.constant 0 : i32
      %dma_start3A_1124 = tpu.memref_slice %arg9[%dma_start3A_1118, %dma_start3A_1123] : memref<6x120xi32, #tpu.memory_space<vmem>> -> memref<1x120xi32, #tpu.memory_space<vmem>>
      %dma_start3A_1125 = tpu.memref_squeeze %dma_start3A_1124 : memref<1x120xi32, #tpu.memory_space<vmem>> -> memref<120xi32, #tpu.memory_space<vmem>>
      %dma_start3A_1126 = tpu.memref_slice %arg3[%add3A_1117] : memref<640000xi32, #tpu.memory_space<hbm>> -> memref<120xi32, #tpu.memory_space<hbm>>
      tpu.enqueue_dma source(%dma_start3A_1126 : memref<120xi32, #tpu.memory_space<hbm>>) target(%dma_start3A_1125 : memref<120xi32, #tpu.memory_space<vmem>>) target_semaphore(%arg18 : memref<!tpu.dma_semaphore, #tpu.memory_space<semaphore_mem>>)
      %mul3A_1127 = arith.constant 120 : i32
      %mul3A_1128 = arith.muli %add3A_1114, %mul3A_1127 : i32
      %add3A_1129 = arith.addi %mul3A_4, %mul3A_1128 : i32
      %dma_start3A_1130 = arith.constant 2 : i32
      %dma_start3A_1131 = arith.constant 0 : i32
      %dma_start3A_1132 = tpu.memref_slice %arg10[%dma_start3A_1130, %dma_start3A_1131] : memref<6x120xi32, #tpu.memory_space<vmem>> -> memref<1x120xi32, #tpu.memory_space<vmem>>
      %dma_start3A_1133 = tpu.memref_squeeze %dma_start3A_1132 : memref<1x120xi32, #tpu.memory_space<vmem>> -> memref<120xi32, #tpu.memory_space<vmem>>
      %dma_start3A_1134 = tpu.memref_slice %arg4[%add3A_1129] : memref<640000xi32, #tpu.memory_space<hbm>> -> memref<120xi32, #tpu.memory_space<hbm>>
      %dma_start3A_1135 = arith.constant 0 : i32
      %dma_start3A_1136 = tpu.memref_slice %arg10[%dma_start3A_1130, %dma_start3A_1135] : memref<6x120xi32, #tpu.memory_space<vmem>> -> memref<1x120xi32, #tpu.memory_space<vmem>>
      %dma_start3A_1137 = tpu.memref_squeeze %dma_start3A_1136 : memref<1x120xi32, #tpu.memory_space<vmem>> -> memref<120xi32, #tpu.memory_space<vmem>>
      %dma_start3A_1138 = tpu.memref_slice %arg4[%add3A_1129] : memref<640000xi32, #tpu.memory_space<hbm>> -> memref<120xi32, #tpu.memory_space<hbm>>
      tpu.enqueue_dma source(%dma_start3A_1138 : memref<120xi32, #tpu.memory_space<hbm>>) target(%dma_start3A_1137 : memref<120xi32, #tpu.memory_space<vmem>>) target_semaphore(%arg18 : memref<!tpu.dma_semaphore, #tpu.memory_space<semaphore_mem>>)
      %dma_wait3A_1139 = arith.constant 0 : i32
      %dma_wait3A_1140 = arith.constant 0 : i32
      %dma_wait3A_1141 = tpu.memref_slice %arg9[%dma_wait3A_1139, %dma_wait3A_1140] : memref<6x120xi32, #tpu.memory_space<vmem>> -> memref<1x120xi32, #tpu.memory_space<vmem>>
      %dma_wait3A_1142 = tpu.memref_squeeze %dma_wait3A_1141 : memref<1x120xi32, #tpu.memory_space<vmem>> -> memref<120xi32, #tpu.memory_space<vmem>>
      %dma_wait3A_1143 = arith.constant 0 : i32
      %dma_wait3A_1144 = tpu.memref_slice %arg3[%dma_wait3A_1143] : memref<640000xi32, #tpu.memory_space<hbm>> -> memref<120xi32, #tpu.memory_space<hbm>>
      %dma_wait3A_1145 = arith.constant 0 : i32
      %dma_wait3A_1146 = tpu.memref_slice %arg9[%dma_wait3A_1139, %dma_wait3A_1145] : memref<6x120xi32, #tpu.memory_space<vmem>> -> memref<1x120xi32, #tpu.memory_space<vmem>>
      %dma_wait3A_1147 = tpu.memref_squeeze %dma_wait3A_1146 : memref<1x120xi32, #tpu.memory_space<vmem>> -> memref<120xi32, #tpu.memory_space<vmem>>
      %dma_wait3A_1148 = arith.constant 0 : i32
      %dma_wait3A_1149 = tpu.memref_slice %arg3[%dma_wait3A_1148] : memref<640000xi32, #tpu.memory_space<hbm>> -> memref<120xi32, #tpu.memory_space<hbm>>
      tpu.wait_dma2 semaphore(%arg16 : memref<!tpu.dma_semaphore, #tpu.memory_space<semaphore_mem>>) src(%dma_wait3A_1149 : memref<120xi32, #tpu.memory_space<hbm>>) dst(%dma_wait3A_1147 : memref<120xi32, #tpu.memory_space<vmem>>)
      %dma_wait3A_1150 = arith.constant 0 : i32
      %dma_wait3A_1151 = arith.constant 0 : i32
      %dma_wait3A_1152 = tpu.memref_slice %arg10[%dma_wait3A_1150, %dma_wait3A_1151] : memref<6x120xi32, #tpu.memory_space<vmem>> -> memref<1x120xi32, #tpu.memory_space<vmem>>
      %dma_wait3A_1153 = tpu.memref_squeeze %dma_wait3A_1152 : memref<1x120xi32, #tpu.memory_space<vmem>> -> memref<120xi32, #tpu.memory_space<vmem>>
      %dma_wait3A_1154 = arith.constant 0 : i32
      %dma_wait3A_1155 = tpu.memref_slice %arg4[%dma_wait3A_1154] : memref<640000xi32, #tpu.memory_space<hbm>> -> memref<120xi32, #tpu.memory_space<hbm>>
      %dma_wait3A_1156 = arith.constant 0 : i32
      %dma_wait3A_1157 = tpu.memref_slice %arg10[%dma_wait3A_1150, %dma_wait3A_1156] : memref<6x120xi32, #tpu.memory_space<vmem>> -> memref<1x120xi32, #tpu.memory_space<vmem>>
      %dma_wait3A_1158 = tpu.memref_squeeze %dma_wait3A_1157 : memref<1x120xi32, #tpu.memory_space<vmem>> -> memref<120xi32, #tpu.memory_space<vmem>>
      %dma_wait3A_1159 = arith.constant 0 : i32
      %dma_wait3A_1160 = tpu.memref_slice %arg4[%dma_wait3A_1159] : memref<640000xi32, #tpu.memory_space<hbm>> -> memref<120xi32, #tpu.memory_space<hbm>>
      tpu.wait_dma2 semaphore(%arg16 : memref<!tpu.dma_semaphore, #tpu.memory_space<semaphore_mem>>) src(%dma_wait3A_1160 : memref<120xi32, #tpu.memory_space<hbm>>) dst(%dma_wait3A_1158 : memref<120xi32, #tpu.memory_space<vmem>>)
      %dma_start3A_1161 = arith.constant 0 : i32
      %dma_start3A_1162 = arith.constant 0 : i32
      %dma_start3A_1163 = tpu.memref_slice %arg9[%dma_start3A_1161, %dma_start3A_1162] : memref<6x120xi32, #tpu.memory_space<vmem>> -> memref<1x120xi32, #tpu.memory_space<vmem>>
      %dma_start3A_1164 = tpu.memref_squeeze %dma_start3A_1163 : memref<1x120xi32, #tpu.memory_space<vmem>> -> memref<120xi32, #tpu.memory_space<vmem>>
      %dma_start3A_1165 = arith.constant 0 : i32
      %dma_start3A_1166 = arith.constant 0 : i32
      %dma_start3A_1167 = tpu.memref_slice %arg2[%dma_start3A_1165, %dma_start3A_1166] : memref<20000x128xf32, #tpu.memory_space<hbm>> -> memref<20000x128xf32, #tpu.memory_space<hbm>>
      tpu.enqueue_indirect_dma source(%dma_start3A_1167 : memref<20000x128xf32, #tpu.memory_space<hbm>>) target(%arg11 : memref<120x128xf32, #tpu.memory_space<vmem>>) offsets(%dma_start3A_1164 : memref<120xi32, #tpu.memory_space<vmem>>) semaphore(%arg22 : memref<!tpu.dma_semaphore, #tpu.memory_space<semaphore_mem>>)
      %add3A_1168 = arith.constant 5 : i32
      %add3A_1169 = arith.addi %add3A_777, %add3A_1168 : i32
      %dma_wait3A_1170 = arith.constant 5 : i32
      %dma_wait3A_1171 = arith.constant 0 : i32
      %dma_wait3A_1172 = tpu.memref_slice %arg9[%dma_wait3A_1170, %dma_wait3A_1171] : memref<6x120xi32, #tpu.memory_space<vmem>> -> memref<1x120xi32, #tpu.memory_space<vmem>>
      %dma_wait3A_1173 = tpu.memref_squeeze %dma_wait3A_1172 : memref<1x120xi32, #tpu.memory_space<vmem>> -> memref<120xi32, #tpu.memory_space<vmem>>
      %dma_wait3A_1174 = arith.constant 0 : i32
      %dma_wait3A_1175 = arith.constant 0 : i32
      %dma_wait3A_1176 = tpu.memref_slice %arg2[%dma_wait3A_1174, %dma_wait3A_1175] : memref<20000x128xf32, #tpu.memory_space<hbm>> -> memref<20000x128xf32, #tpu.memory_space<hbm>>
      tpu.wait_indirect_dma semaphore(%arg24 : memref<!tpu.dma_semaphore, #tpu.memory_space<semaphore_mem>>) src(%dma_wait3A_1176 : memref<20000x128xf32, #tpu.memory_space<hbm>>) dst(%arg13 : memref<120x128xf32, #tpu.memory_space<vmem>>)
      %dma_start3A_1177 = arith.constant 5 : i32
      %dma_start3A_1178 = arith.constant 0 : i32
      %dma_start3A_1179 = tpu.memref_slice %arg10[%dma_start3A_1177, %dma_start3A_1178] : memref<6x120xi32, #tpu.memory_space<vmem>> -> memref<1x120xi32, #tpu.memory_space<vmem>>
      %dma_start3A_1180 = tpu.memref_squeeze %dma_start3A_1179 : memref<1x120xi32, #tpu.memory_space<vmem>> -> memref<120xi32, #tpu.memory_space<vmem>>
      %dma_start3A_1181 = arith.constant 0 : i32
      %dma_start3A_1182 = arith.constant 0 : i32
      %dma_start3A_1183 = tpu.memref_slice %arg8[%dma_start3A_1181, %dma_start3A_1182] : memref<10000x128xf32, #tpu.memory_space<vmem_shared>> -> memref<10000x128xf32, #tpu.memory_space<vmem_shared>>
      tpu.enqueue_indirect_dma source(%arg13 : memref<120x128xf32, #tpu.memory_space<vmem>>) target(%dma_start3A_1183 : memref<10000x128xf32, #tpu.memory_space<vmem_shared>>) offsets(%dma_start3A_1180 : memref<120xi32, #tpu.memory_space<vmem>>) semaphore(%arg27 : memref<!tpu.dma_semaphore, #tpu.memory_space<semaphore_mem>>) {add = true}
      %dma_wait3A_1184 = arith.constant 3 : i32
      %dma_wait3A_1185 = arith.constant 0 : i32
      %dma_wait3A_1186 = tpu.memref_slice %arg10[%dma_wait3A_1184, %dma_wait3A_1185] : memref<6x120xi32, #tpu.memory_space<vmem>> -> memref<1x120xi32, #tpu.memory_space<vmem>>
      %dma_wait3A_1187 = tpu.memref_squeeze %dma_wait3A_1186 : memref<1x120xi32, #tpu.memory_space<vmem>> -> memref<120xi32, #tpu.memory_space<vmem>>
      %dma_wait3A_1188 = arith.constant 0 : i32
      %dma_wait3A_1189 = arith.constant 0 : i32
      %dma_wait3A_1190 = tpu.memref_slice %arg8[%dma_wait3A_1188, %dma_wait3A_1189] : memref<10000x128xf32, #tpu.memory_space<vmem_shared>> -> memref<10000x128xf32, #tpu.memory_space<vmem_shared>>
      tpu.wait_indirect_dma semaphore(%arg26 : memref<!tpu.dma_semaphore, #tpu.memory_space<semaphore_mem>>) src(%arg12 : memref<120x128xf32, #tpu.memory_space<vmem>>) dst(%dma_wait3A_1190 : memref<10000x128xf32, #tpu.memory_space<vmem_shared>>)
      %add3A_1191 = arith.constant 4 : i32
      %add3A_1192 = arith.addi %add3A_1169, %add3A_1191 : i32
      %mul3A_1193 = arith.constant 120 : i32
      %mul3A_1194 = arith.muli %add3A_1192, %mul3A_1193 : i32
      %add3A_1195 = arith.addi %mul3A_4, %mul3A_1194 : i32
      %dma_start3A_1196 = arith.constant 3 : i32
      %dma_start3A_1197 = arith.constant 0 : i32
      %dma_start3A_1198 = tpu.memref_slice %arg9[%dma_start3A_1196, %dma_start3A_1197] : memref<6x120xi32, #tpu.memory_space<vmem>> -> memref<1x120xi32, #tpu.memory_space<vmem>>
      %dma_start3A_1199 = tpu.memref_squeeze %dma_start3A_1198 : memref<1x120xi32, #tpu.memory_space<vmem>> -> memref<120xi32, #tpu.memory_space<vmem>>
      %dma_start3A_1200 = tpu.memref_slice %arg3[%add3A_1195] : memref<640000xi32, #tpu.memory_space<hbm>> -> memref<120xi32, #tpu.memory_space<hbm>>
      %dma_start3A_1201 = arith.constant 0 : i32
      %dma_start3A_1202 = tpu.memref_slice %arg9[%dma_start3A_1196, %dma_start3A_1201] : memref<6x120xi32, #tpu.memory_space<vmem>> -> memref<1x120xi32, #tpu.memory_space<vmem>>
      %dma_start3A_1203 = tpu.memref_squeeze %dma_start3A_1202 : memref<1x120xi32, #tpu.memory_space<vmem>> -> memref<120xi32, #tpu.memory_space<vmem>>
      %dma_start3A_1204 = tpu.memref_slice %arg3[%add3A_1195] : memref<640000xi32, #tpu.memory_space<hbm>> -> memref<120xi32, #tpu.memory_space<hbm>>
      tpu.enqueue_dma source(%dma_start3A_1204 : memref<120xi32, #tpu.memory_space<hbm>>) target(%dma_start3A_1203 : memref<120xi32, #tpu.memory_space<vmem>>) target_semaphore(%arg19 : memref<!tpu.dma_semaphore, #tpu.memory_space<semaphore_mem>>)
      %mul3A_1205 = arith.constant 120 : i32
      %mul3A_1206 = arith.muli %add3A_1192, %mul3A_1205 : i32
      %add3A_1207 = arith.addi %mul3A_4, %mul3A_1206 : i32
      %dma_start3A_1208 = arith.constant 3 : i32
      %dma_start3A_1209 = arith.constant 0 : i32
      %dma_start3A_1210 = tpu.memref_slice %arg10[%dma_start3A_1208, %dma_start3A_1209] : memref<6x120xi32, #tpu.memory_space<vmem>> -> memref<1x120xi32, #tpu.memory_space<vmem>>
      %dma_start3A_1211 = tpu.memref_squeeze %dma_start3A_1210 : memref<1x120xi32, #tpu.memory_space<vmem>> -> memref<120xi32, #tpu.memory_space<vmem>>
      %dma_start3A_1212 = tpu.memref_slice %arg4[%add3A_1207] : memref<640000xi32, #tpu.memory_space<hbm>> -> memref<120xi32, #tpu.memory_space<hbm>>
      %dma_start3A_1213 = arith.constant 0 : i32
      %dma_start3A_1214 = tpu.memref_slice %arg10[%dma_start3A_1208, %dma_start3A_1213] : memref<6x120xi32, #tpu.memory_space<vmem>> -> memref<1x120xi32, #tpu.memory_space<vmem>>
      %dma_start3A_1215 = tpu.memref_squeeze %dma_start3A_1214 : memref<1x120xi32, #tpu.memory_space<vmem>> -> memref<120xi32, #tpu.memory_space<vmem>>
      %dma_start3A_1216 = tpu.memref_slice %arg4[%add3A_1207] : memref<640000xi32, #tpu.memory_space<hbm>> -> memref<120xi32, #tpu.memory_space<hbm>>
      tpu.enqueue_dma source(%dma_start3A_1216 : memref<120xi32, #tpu.memory_space<hbm>>) target(%dma_start3A_1215 : memref<120xi32, #tpu.memory_space<vmem>>) target_semaphore(%arg19 : memref<!tpu.dma_semaphore, #tpu.memory_space<semaphore_mem>>)
      %dma_wait3A_1217 = arith.constant 1 : i32
      %dma_wait3A_1218 = arith.constant 0 : i32
      %dma_wait3A_1219 = tpu.memref_slice %arg9[%dma_wait3A_1217, %dma_wait3A_1218] : memref<6x120xi32, #tpu.memory_space<vmem>> -> memref<1x120xi32, #tpu.memory_space<vmem>>
      %dma_wait3A_1220 = tpu.memref_squeeze %dma_wait3A_1219 : memref<1x120xi32, #tpu.memory_space<vmem>> -> memref<120xi32, #tpu.memory_space<vmem>>
      %dma_wait3A_1221 = arith.constant 0 : i32
      %dma_wait3A_1222 = tpu.memref_slice %arg3[%dma_wait3A_1221] : memref<640000xi32, #tpu.memory_space<hbm>> -> memref<120xi32, #tpu.memory_space<hbm>>
      %dma_wait3A_1223 = arith.constant 0 : i32
      %dma_wait3A_1224 = tpu.memref_slice %arg9[%dma_wait3A_1217, %dma_wait3A_1223] : memref<6x120xi32, #tpu.memory_space<vmem>> -> memref<1x120xi32, #tpu.memory_space<vmem>>
      %dma_wait3A_1225 = tpu.memref_squeeze %dma_wait3A_1224 : memref<1x120xi32, #tpu.memory_space<vmem>> -> memref<120xi32, #tpu.memory_space<vmem>>
      %dma_wait3A_1226 = arith.constant 0 : i32
      %dma_wait3A_1227 = tpu.memref_slice %arg3[%dma_wait3A_1226] : memref<640000xi32, #tpu.memory_space<hbm>> -> memref<120xi32, #tpu.memory_space<hbm>>
      tpu.wait_dma2 semaphore(%arg17 : memref<!tpu.dma_semaphore, #tpu.memory_space<semaphore_mem>>) src(%dma_wait3A_1227 : memref<120xi32, #tpu.memory_space<hbm>>) dst(%dma_wait3A_1225 : memref<120xi32, #tpu.memory_space<vmem>>)
      %dma_wait3A_1228 = arith.constant 1 : i32
      %dma_wait3A_1229 = arith.constant 0 : i32
      %dma_wait3A_1230 = tpu.memref_slice %arg10[%dma_wait3A_1228, %dma_wait3A_1229] : memref<6x120xi32, #tpu.memory_space<vmem>> -> memref<1x120xi32, #tpu.memory_space<vmem>>
      %dma_wait3A_1231 = tpu.memref_squeeze %dma_wait3A_1230 : memref<1x120xi32, #tpu.memory_space<vmem>> -> memref<120xi32, #tpu.memory_space<vmem>>
      %dma_wait3A_1232 = arith.constant 0 : i32
      %dma_wait3A_1233 = tpu.memref_slice %arg4[%dma_wait3A_1232] : memref<640000xi32, #tpu.memory_space<hbm>> -> memref<120xi32, #tpu.memory_space<hbm>>
      %dma_wait3A_1234 = arith.constant 0 : i32
      %dma_wait3A_1235 = tpu.memref_slice %arg10[%dma_wait3A_1228, %dma_wait3A_1234] : memref<6x120xi32, #tpu.memory_space<vmem>> -> memref<1x120xi32, #tpu.memory_space<vmem>>
      %dma_wait3A_1236 = tpu.memref_squeeze %dma_wait3A_1235 : memref<1x120xi32, #tpu.memory_space<vmem>> -> memref<120xi32, #tpu.memory_space<vmem>>
      %dma_wait3A_1237 = arith.constant 0 : i32
      %dma_wait3A_1238 = tpu.memref_slice %arg4[%dma_wait3A_1237] : memref<640000xi32, #tpu.memory_space<hbm>> -> memref<120xi32, #tpu.memory_space<hbm>>
      tpu.wait_dma2 semaphore(%arg17 : memref<!tpu.dma_semaphore, #tpu.memory_space<semaphore_mem>>) src(%dma_wait3A_1238 : memref<120xi32, #tpu.memory_space<hbm>>) dst(%dma_wait3A_1236 : memref<120xi32, #tpu.memory_space<vmem>>)
      %dma_start3A_1239 = arith.constant 1 : i32
      %dma_start3A_1240 = arith.constant 0 : i32
      %dma_start3A_1241 = tpu.memref_slice %arg9[%dma_start3A_1239, %dma_start3A_1240] : memref<6x120xi32, #tpu.memory_space<vmem>> -> memref<1x120xi32, #tpu.memory_space<vmem>>
      %dma_start3A_1242 = tpu.memref_squeeze %dma_start3A_1241 : memref<1x120xi32, #tpu.memory_space<vmem>> -> memref<120xi32, #tpu.memory_space<vmem>>
      %dma_start3A_1243 = arith.constant 0 : i32
      %dma_start3A_1244 = arith.constant 0 : i32
      %dma_start3A_1245 = tpu.memref_slice %arg2[%dma_start3A_1243, %dma_start3A_1244] : memref<20000x128xf32, #tpu.memory_space<hbm>> -> memref<20000x128xf32, #tpu.memory_space<hbm>>
      tpu.enqueue_indirect_dma source(%dma_start3A_1245 : memref<20000x128xf32, #tpu.memory_space<hbm>>) target(%arg12 : memref<120x128xf32, #tpu.memory_space<vmem>>) offsets(%dma_start3A_1242 : memref<120xi32, #tpu.memory_space<vmem>>) semaphore(%arg23 : memref<!tpu.dma_semaphore, #tpu.memory_space<semaphore_mem>>)
    }
    %scan3A_592 = arith.constant 26 : i32
    %dma_wait3A_593 = arith.constant 0 : i32
    %dma_wait3A_594 = arith.constant 0 : i32
    %dma_wait3A_595 = tpu.memref_slice %arg9[%dma_wait3A_593, %dma_wait3A_594] : memref<6x120xi32, #tpu.memory_space<vmem>> -> memref<1x120xi32, #tpu.memory_space<vmem>>
    %dma_wait3A_596 = tpu.memref_squeeze %dma_wait3A_595 : memref<1x120xi32, #tpu.memory_space<vmem>> -> memref<120xi32, #tpu.memory_space<vmem>>
    %dma_wait3A_597 = arith.constant 0 : i32
    %dma_wait3A_598 = arith.constant 0 : i32
    %dma_wait3A_599 = tpu.memref_slice %arg2[%dma_wait3A_597, %dma_wait3A_598] : memref<20000x128xf32, #tpu.memory_space<hbm>> -> memref<20000x128xf32, #tpu.memory_space<hbm>>
    tpu.wait_indirect_dma semaphore(%arg22 : memref<!tpu.dma_semaphore, #tpu.memory_space<semaphore_mem>>) src(%dma_wait3A_599 : memref<20000x128xf32, #tpu.memory_space<hbm>>) dst(%arg11 : memref<120x128xf32, #tpu.memory_space<vmem>>)
    %dma_start3A_600 = arith.constant 0 : i32
    %dma_start3A_601 = arith.constant 0 : i32
    %dma_start3A_602 = tpu.memref_slice %arg10[%dma_start3A_600, %dma_start3A_601] : memref<6x120xi32, #tpu.memory_space<vmem>> -> memref<1x120xi32, #tpu.memory_space<vmem>>
    %dma_start3A_603 = tpu.memref_squeeze %dma_start3A_602 : memref<1x120xi32, #tpu.memory_space<vmem>> -> memref<120xi32, #tpu.memory_space<vmem>>
    %dma_start3A_604 = arith.constant 0 : i32
    %dma_start3A_605 = arith.constant 0 : i32
    %dma_start3A_606 = tpu.memref_slice %arg8[%dma_start3A_604, %dma_start3A_605] : memref<10000x128xf32, #tpu.memory_space<vmem_shared>> -> memref<10000x128xf32, #tpu.memory_space<vmem_shared>>
    tpu.enqueue_indirect_dma source(%arg11 : memref<120x128xf32, #tpu.memory_space<vmem>>) target(%dma_start3A_606 : memref<10000x128xf32, #tpu.memory_space<vmem_shared>>) offsets(%dma_start3A_603 : memref<120xi32, #tpu.memory_space<vmem>>) semaphore(%arg25 : memref<!tpu.dma_semaphore, #tpu.memory_space<semaphore_mem>>) {add = true}
    %dma_wait3A_607 = arith.constant 4 : i32
    %dma_wait3A_608 = arith.constant 0 : i32
    %dma_wait3A_609 = tpu.memref_slice %arg10[%dma_wait3A_607, %dma_wait3A_608] : memref<6x120xi32, #tpu.memory_space<vmem>> -> memref<1x120xi32, #tpu.memory_space<vmem>>
    %dma_wait3A_610 = tpu.memref_squeeze %dma_wait3A_609 : memref<1x120xi32, #tpu.memory_space<vmem>> -> memref<120xi32, #tpu.memory_space<vmem>>
    %dma_wait3A_611 = arith.constant 0 : i32
    %dma_wait3A_612 = arith.constant 0 : i32
    %dma_wait3A_613 = tpu.memref_slice %arg8[%dma_wait3A_611, %dma_wait3A_612] : memref<10000x128xf32, #tpu.memory_space<vmem_shared>> -> memref<10000x128xf32, #tpu.memory_space<vmem_shared>>
    tpu.wait_indirect_dma semaphore(%arg27 : memref<!tpu.dma_semaphore, #tpu.memory_space<semaphore_mem>>) src(%arg13 : memref<120x128xf32, #tpu.memory_space<vmem>>) dst(%dma_wait3A_613 : memref<10000x128xf32, #tpu.memory_space<vmem_shared>>)
    %dma_wait3A_614 = arith.constant 2 : i32
    %dma_wait3A_615 = arith.constant 0 : i32
    %dma_wait3A_616 = tpu.memref_slice %arg9[%dma_wait3A_614, %dma_wait3A_615] : memref<6x120xi32, #tpu.memory_space<vmem>> -> memref<1x120xi32, #tpu.memory_space<vmem>>
    %dma_wait3A_617 = tpu.memref_squeeze %dma_wait3A_616 : memref<1x120xi32, #tpu.memory_space<vmem>> -> memref<120xi32, #tpu.memory_space<vmem>>
    %dma_wait3A_618 = arith.constant 0 : i32
    %dma_wait3A_619 = tpu.memref_slice %arg3[%dma_wait3A_618] : memref<640000xi32, #tpu.memory_space<hbm>> -> memref<120xi32, #tpu.memory_space<hbm>>
    %dma_wait3A_620 = arith.constant 0 : i32
    %dma_wait3A_621 = tpu.memref_slice %arg9[%dma_wait3A_614, %dma_wait3A_620] : memref<6x120xi32, #tpu.memory_space<vmem>> -> memref<1x120xi32, #tpu.memory_space<vmem>>
    %dma_wait3A_622 = tpu.memref_squeeze %dma_wait3A_621 : memref<1x120xi32, #tpu.memory_space<vmem>> -> memref<120xi32, #tpu.memory_space<vmem>>
    %dma_wait3A_623 = arith.constant 0 : i32
    %dma_wait3A_624 = tpu.memref_slice %arg3[%dma_wait3A_623] : memref<640000xi32, #tpu.memory_space<hbm>> -> memref<120xi32, #tpu.memory_space<hbm>>
    tpu.wait_dma2 semaphore(%arg18 : memref<!tpu.dma_semaphore, #tpu.memory_space<semaphore_mem>>) src(%dma_wait3A_624 : memref<120xi32, #tpu.memory_space<hbm>>) dst(%dma_wait3A_622 : memref<120xi32, #tpu.memory_space<vmem>>)
    %dma_wait3A_625 = arith.constant 2 : i32
    %dma_wait3A_626 = arith.constant 0 : i32
    %dma_wait3A_627 = tpu.memref_slice %arg10[%dma_wait3A_625, %dma_wait3A_626] : memref<6x120xi32, #tpu.memory_space<vmem>> -> memref<1x120xi32, #tpu.memory_space<vmem>>
    %dma_wait3A_628 = tpu.memref_squeeze %dma_wait3A_627 : memref<1x120xi32, #tpu.memory_space<vmem>> -> memref<120xi32, #tpu.memory_space<vmem>>
    %dma_wait3A_629 = arith.constant 0 : i32
    %dma_wait3A_630 = tpu.memref_slice %arg4[%dma_wait3A_629] : memref<640000xi32, #tpu.memory_space<hbm>> -> memref<120xi32, #tpu.memory_space<hbm>>
    %dma_wait3A_631 = arith.constant 0 : i32
    %dma_wait3A_632 = tpu.memref_slice %arg10[%dma_wait3A_625, %dma_wait3A_631] : memref<6x120xi32, #tpu.memory_space<vmem>> -> memref<1x120xi32, #tpu.memory_space<vmem>>
    %dma_wait3A_633 = tpu.memref_squeeze %dma_wait3A_632 : memref<1x120xi32, #tpu.memory_space<vmem>> -> memref<120xi32, #tpu.memory_space<vmem>>
    %dma_wait3A_634 = arith.constant 0 : i32
    %dma_wait3A_635 = tpu.memref_slice %arg4[%dma_wait3A_634] : memref<640000xi32, #tpu.memory_space<hbm>> -> memref<120xi32, #tpu.memory_space<hbm>>
    tpu.wait_dma2 semaphore(%arg18 : memref<!tpu.dma_semaphore, #tpu.memory_space<semaphore_mem>>) src(%dma_wait3A_635 : memref<120xi32, #tpu.memory_space<hbm>>) dst(%dma_wait3A_633 : memref<120xi32, #tpu.memory_space<vmem>>)
    %dma_start3A_636 = arith.constant 2 : i32
    %dma_start3A_637 = arith.constant 0 : i32
    %dma_start3A_638 = tpu.memref_slice %arg9[%dma_start3A_636, %dma_start3A_637] : memref<6x120xi32, #tpu.memory_space<vmem>> -> memref<1x120xi32, #tpu.memory_space<vmem>>
    %dma_start3A_639 = tpu.memref_squeeze %dma_start3A_638 : memref<1x120xi32, #tpu.memory_space<vmem>> -> memref<120xi32, #tpu.memory_space<vmem>>
    %dma_start3A_640 = arith.constant 0 : i32
    %dma_start3A_641 = arith.constant 0 : i32
    %dma_start3A_642 = tpu.memref_slice %arg2[%dma_start3A_640, %dma_start3A_641] : memref<20000x128xf32, #tpu.memory_space<hbm>> -> memref<20000x128xf32, #tpu.memory_space<hbm>>
    tpu.enqueue_indirect_dma source(%dma_start3A_642 : memref<20000x128xf32, #tpu.memory_space<hbm>>) target(%arg13 : memref<120x128xf32, #tpu.memory_space<vmem>>) offsets(%dma_start3A_639 : memref<120xi32, #tpu.memory_space<vmem>>) semaphore(%arg24 : memref<!tpu.dma_semaphore, #tpu.memory_space<semaphore_mem>>)
    %dma_wait3A_643 = arith.constant 1 : i32
    %dma_wait3A_644 = arith.constant 0 : i32
    %dma_wait3A_645 = tpu.memref_slice %arg9[%dma_wait3A_643, %dma_wait3A_644] : memref<6x120xi32, #tpu.memory_space<vmem>> -> memref<1x120xi32, #tpu.memory_space<vmem>>
    %dma_wait3A_646 = tpu.memref_squeeze %dma_wait3A_645 : memref<1x120xi32, #tpu.memory_space<vmem>> -> memref<120xi32, #tpu.memory_space<vmem>>
    %dma_wait3A_647 = arith.constant 0 : i32
    %dma_wait3A_648 = arith.constant 0 : i32
    %dma_wait3A_649 = tpu.memref_slice %arg2[%dma_wait3A_647, %dma_wait3A_648] : memref<20000x128xf32, #tpu.memory_space<hbm>> -> memref<20000x128xf32, #tpu.memory_space<hbm>>
    tpu.wait_indirect_dma semaphore(%arg23 : memref<!tpu.dma_semaphore, #tpu.memory_space<semaphore_mem>>) src(%dma_wait3A_649 : memref<20000x128xf32, #tpu.memory_space<hbm>>) dst(%arg12 : memref<120x128xf32, #tpu.memory_space<vmem>>)
    %dma_start3A_650 = arith.constant 1 : i32
    %dma_start3A_651 = arith.constant 0 : i32
    %dma_start3A_652 = tpu.memref_slice %arg10[%dma_start3A_650, %dma_start3A_651] : memref<6x120xi32, #tpu.memory_space<vmem>> -> memref<1x120xi32, #tpu.memory_space<vmem>>
    %dma_start3A_653 = tpu.memref_squeeze %dma_start3A_652 : memref<1x120xi32, #tpu.memory_space<vmem>> -> memref<120xi32, #tpu.memory_space<vmem>>
    %dma_start3A_654 = arith.constant 0 : i32
    %dma_start3A_655 = arith.constant 0 : i32
    %dma_start3A_656 = tpu.memref_slice %arg8[%dma_start3A_654, %dma_start3A_655] : memref<10000x128xf32, #tpu.memory_space<vmem_shared>> -> memref<10000x128xf32, #tpu.memory_space<vmem_shared>>
    tpu.enqueue_indirect_dma source(%arg12 : memref<120x128xf32, #tpu.memory_space<vmem>>) target(%dma_start3A_656 : memref<10000x128xf32, #tpu.memory_space<vmem_shared>>) offsets(%dma_start3A_653 : memref<120xi32, #tpu.memory_space<vmem>>) semaphore(%arg26 : memref<!tpu.dma_semaphore, #tpu.memory_space<semaphore_mem>>) {add = true}
    %dma_wait3A_657 = arith.constant 5 : i32
    %dma_wait3A_658 = arith.constant 0 : i32
    %dma_wait3A_659 = tpu.memref_slice %arg10[%dma_wait3A_657, %dma_wait3A_658] : memref<6x120xi32, #tpu.memory_space<vmem>> -> memref<1x120xi32, #tpu.memory_space<vmem>>
    %dma_wait3A_660 = tpu.memref_squeeze %dma_wait3A_659 : memref<1x120xi32, #tpu.memory_space<vmem>> -> memref<120xi32, #tpu.memory_space<vmem>>
    %dma_wait3A_661 = arith.constant 0 : i32
    %dma_wait3A_662 = arith.constant 0 : i32
    %dma_wait3A_663 = tpu.memref_slice %arg8[%dma_wait3A_661, %dma_wait3A_662] : memref<10000x128xf32, #tpu.memory_space<vmem_shared>> -> memref<10000x128xf32, #tpu.memory_space<vmem_shared>>
    tpu.wait_indirect_dma semaphore(%arg25 : memref<!tpu.dma_semaphore, #tpu.memory_space<semaphore_mem>>) src(%arg11 : memref<120x128xf32, #tpu.memory_space<vmem>>) dst(%dma_wait3A_663 : memref<10000x128xf32, #tpu.memory_space<vmem_shared>>)
    %dma_wait3A_664 = arith.constant 3 : i32
    %dma_wait3A_665 = arith.constant 0 : i32
    %dma_wait3A_666 = tpu.memref_slice %arg9[%dma_wait3A_664, %dma_wait3A_665] : memref<6x120xi32, #tpu.memory_space<vmem>> -> memref<1x120xi32, #tpu.memory_space<vmem>>
    %dma_wait3A_667 = tpu.memref_squeeze %dma_wait3A_666 : memref<1x120xi32, #tpu.memory_space<vmem>> -> memref<120xi32, #tpu.memory_space<vmem>>
    %dma_wait3A_668 = arith.constant 0 : i32
    %dma_wait3A_669 = tpu.memref_slice %arg3[%dma_wait3A_668] : memref<640000xi32, #tpu.memory_space<hbm>> -> memref<120xi32, #tpu.memory_space<hbm>>
    %dma_wait3A_670 = arith.constant 0 : i32
    %dma_wait3A_671 = tpu.memref_slice %arg9[%dma_wait3A_664, %dma_wait3A_670] : memref<6x120xi32, #tpu.memory_space<vmem>> -> memref<1x120xi32, #tpu.memory_space<vmem>>
    %dma_wait3A_672 = tpu.memref_squeeze %dma_wait3A_671 : memref<1x120xi32, #tpu.memory_space<vmem>> -> memref<120xi32, #tpu.memory_space<vmem>>
    %dma_wait3A_673 = arith.constant 0 : i32
    %dma_wait3A_674 = tpu.memref_slice %arg3[%dma_wait3A_673] : memref<640000xi32, #tpu.memory_space<hbm>> -> memref<120xi32, #tpu.memory_space<hbm>>
    tpu.wait_dma2 semaphore(%arg19 : memref<!tpu.dma_semaphore, #tpu.memory_space<semaphore_mem>>) src(%dma_wait3A_674 : memref<120xi32, #tpu.memory_space<hbm>>) dst(%dma_wait3A_672 : memref<120xi32, #tpu.memory_space<vmem>>)
    %dma_wait3A_675 = arith.constant 3 : i32
    %dma_wait3A_676 = arith.constant 0 : i32
    %dma_wait3A_677 = tpu.memref_slice %arg10[%dma_wait3A_675, %dma_wait3A_676] : memref<6x120xi32, #tpu.memory_space<vmem>> -> memref<1x120xi32, #tpu.memory_space<vmem>>
    %dma_wait3A_678 = tpu.memref_squeeze %dma_wait3A_677 : memref<1x120xi32, #tpu.memory_space<vmem>> -> memref<120xi32, #tpu.memory_space<vmem>>
    %dma_wait3A_679 = arith.constant 0 : i32
    %dma_wait3A_680 = tpu.memref_slice %arg4[%dma_wait3A_679] : memref<640000xi32, #tpu.memory_space<hbm>> -> memref<120xi32, #tpu.memory_space<hbm>>
    %dma_wait3A_681 = arith.constant 0 : i32
    %dma_wait3A_682 = tpu.memref_slice %arg10[%dma_wait3A_675, %dma_wait3A_681] : memref<6x120xi32, #tpu.memory_space<vmem>> -> memref<1x120xi32, #tpu.memory_space<vmem>>
    %dma_wait3A_683 = tpu.memref_squeeze %dma_wait3A_682 : memref<1x120xi32, #tpu.memory_space<vmem>> -> memref<120xi32, #tpu.memory_space<vmem>>
    %dma_wait3A_684 = arith.constant 0 : i32
    %dma_wait3A_685 = tpu.memref_slice %arg4[%dma_wait3A_684] : memref<640000xi32, #tpu.memory_space<hbm>> -> memref<120xi32, #tpu.memory_space<hbm>>
    tpu.wait_dma2 semaphore(%arg19 : memref<!tpu.dma_semaphore, #tpu.memory_space<semaphore_mem>>) src(%dma_wait3A_685 : memref<120xi32, #tpu.memory_space<hbm>>) dst(%dma_wait3A_683 : memref<120xi32, #tpu.memory_space<vmem>>)
    %dma_start3A_686 = arith.constant 3 : i32
    %dma_start3A_687 = arith.constant 0 : i32
    %dma_start3A_688 = tpu.memref_slice %arg9[%dma_start3A_686, %dma_start3A_687] : memref<6x120xi32, #tpu.memory_space<vmem>> -> memref<1x120xi32, #tpu.memory_space<vmem>>
    %dma_start3A_689 = tpu.memref_squeeze %dma_start3A_688 : memref<1x120xi32, #tpu.memory_space<vmem>> -> memref<120xi32, #tpu.memory_space<vmem>>
    %dma_start3A_690 = arith.constant 0 : i32
    %dma_start3A_691 = arith.constant 0 : i32
    %dma_start3A_692 = tpu.memref_slice %arg2[%dma_start3A_690, %dma_start3A_691] : memref<20000x128xf32, #tpu.memory_space<hbm>> -> memref<20000x128xf32, #tpu.memory_space<hbm>>
    tpu.enqueue_indirect_dma source(%dma_start3A_692 : memref<20000x128xf32, #tpu.memory_space<hbm>>) target(%arg11 : memref<120x128xf32, #tpu.memory_space<vmem>>) offsets(%dma_start3A_689 : memref<120xi32, #tpu.memory_space<vmem>>) semaphore(%arg22 : memref<!tpu.dma_semaphore, #tpu.memory_space<semaphore_mem>>)
    %dma_wait3A_693 = arith.constant 2 : i32
    %dma_wait3A_694 = arith.constant 0 : i32
    %dma_wait3A_695 = tpu.memref_slice %arg9[%dma_wait3A_693, %dma_wait3A_694] : memref<6x120xi32, #tpu.memory_space<vmem>> -> memref<1x120xi32, #tpu.memory_space<vmem>>
    %dma_wait3A_696 = tpu.memref_squeeze %dma_wait3A_695 : memref<1x120xi32, #tpu.memory_space<vmem>> -> memref<120xi32, #tpu.memory_space<vmem>>
    %dma_wait3A_697 = arith.constant 0 : i32
    %dma_wait3A_698 = arith.constant 0 : i32
    %dma_wait3A_699 = tpu.memref_slice %arg2[%dma_wait3A_697, %dma_wait3A_698] : memref<20000x128xf32, #tpu.memory_space<hbm>> -> memref<20000x128xf32, #tpu.memory_space<hbm>>
    tpu.wait_indirect_dma semaphore(%arg24 : memref<!tpu.dma_semaphore, #tpu.memory_space<semaphore_mem>>) src(%dma_wait3A_699 : memref<20000x128xf32, #tpu.memory_space<hbm>>) dst(%arg13 : memref<120x128xf32, #tpu.memory_space<vmem>>)
    %dma_start3A_700 = arith.constant 2 : i32
    %dma_start3A_701 = arith.constant 0 : i32
    %dma_start3A_702 = tpu.memref_slice %arg10[%dma_start3A_700, %dma_start3A_701] : memref<6x120xi32, #tpu.memory_space<vmem>> -> memref<1x120xi32, #tpu.memory_space<vmem>>
    %dma_start3A_703 = tpu.memref_squeeze %dma_start3A_702 : memref<1x120xi32, #tpu.memory_space<vmem>> -> memref<120xi32, #tpu.memory_space<vmem>>
    %dma_start3A_704 = arith.constant 0 : i32
    %dma_start3A_705 = arith.constant 0 : i32
    %dma_start3A_706 = tpu.memref_slice %arg8[%dma_start3A_704, %dma_start3A_705] : memref<10000x128xf32, #tpu.memory_space<vmem_shared>> -> memref<10000x128xf32, #tpu.memory_space<vmem_shared>>
    tpu.enqueue_indirect_dma source(%arg13 : memref<120x128xf32, #tpu.memory_space<vmem>>) target(%dma_start3A_706 : memref<10000x128xf32, #tpu.memory_space<vmem_shared>>) offsets(%dma_start3A_703 : memref<120xi32, #tpu.memory_space<vmem>>) semaphore(%arg27 : memref<!tpu.dma_semaphore, #tpu.memory_space<semaphore_mem>>) {add = true}
    %dma_wait3A_707 = arith.constant 0 : i32
    %dma_wait3A_708 = arith.constant 0 : i32
    %dma_wait3A_709 = tpu.memref_slice %arg10[%dma_wait3A_707, %dma_wait3A_708] : memref<6x120xi32, #tpu.memory_space<vmem>> -> memref<1x120xi32, #tpu.memory_space<vmem>>
    %dma_wait3A_710 = tpu.memref_squeeze %dma_wait3A_709 : memref<1x120xi32, #tpu.memory_space<vmem>> -> memref<120xi32, #tpu.memory_space<vmem>>
    %dma_wait3A_711 = arith.constant 0 : i32
    %dma_wait3A_712 = arith.constant 0 : i32
    %dma_wait3A_713 = tpu.memref_slice %arg8[%dma_wait3A_711, %dma_wait3A_712] : memref<10000x128xf32, #tpu.memory_space<vmem_shared>> -> memref<10000x128xf32, #tpu.memory_space<vmem_shared>>
    tpu.wait_indirect_dma semaphore(%arg26 : memref<!tpu.dma_semaphore, #tpu.memory_space<semaphore_mem>>) src(%arg12 : memref<120x128xf32, #tpu.memory_space<vmem>>) dst(%dma_wait3A_713 : memref<10000x128xf32, #tpu.memory_space<vmem_shared>>)
    %dma_wait3A_714 = arith.constant 3 : i32
    %dma_wait3A_715 = arith.constant 0 : i32
    %dma_wait3A_716 = tpu.memref_slice %arg9[%dma_wait3A_714, %dma_wait3A_715] : memref<6x120xi32, #tpu.memory_space<vmem>> -> memref<1x120xi32, #tpu.memory_space<vmem>>
    %dma_wait3A_717 = tpu.memref_squeeze %dma_wait3A_716 : memref<1x120xi32, #tpu.memory_space<vmem>> -> memref<120xi32, #tpu.memory_space<vmem>>
    %dma_wait3A_718 = arith.constant 0 : i32
    %dma_wait3A_719 = arith.constant 0 : i32
    %dma_wait3A_720 = tpu.memref_slice %arg2[%dma_wait3A_718, %dma_wait3A_719] : memref<20000x128xf32, #tpu.memory_space<hbm>> -> memref<20000x128xf32, #tpu.memory_space<hbm>>
    tpu.wait_indirect_dma semaphore(%arg22 : memref<!tpu.dma_semaphore, #tpu.memory_space<semaphore_mem>>) src(%dma_wait3A_720 : memref<20000x128xf32, #tpu.memory_space<hbm>>) dst(%arg11 : memref<120x128xf32, #tpu.memory_space<vmem>>)
    %dma_start3A_721 = arith.constant 3 : i32
    %dma_start3A_722 = arith.constant 0 : i32
    %dma_start3A_723 = tpu.memref_slice %arg10[%dma_start3A_721, %dma_start3A_722] : memref<6x120xi32, #tpu.memory_space<vmem>> -> memref<1x120xi32, #tpu.memory_space<vmem>>
    %dma_start3A_724 = tpu.memref_squeeze %dma_start3A_723 : memref<1x120xi32, #tpu.memory_space<vmem>> -> memref<120xi32, #tpu.memory_space<vmem>>
    %dma_start3A_725 = arith.constant 0 : i32
    %dma_start3A_726 = arith.constant 0 : i32
    %dma_start3A_727 = tpu.memref_slice %arg8[%dma_start3A_725, %dma_start3A_726] : memref<10000x128xf32, #tpu.memory_space<vmem_shared>> -> memref<10000x128xf32, #tpu.memory_space<vmem_shared>>
    tpu.enqueue_indirect_dma source(%arg11 : memref<120x128xf32, #tpu.memory_space<vmem>>) target(%dma_start3A_727 : memref<10000x128xf32, #tpu.memory_space<vmem_shared>>) offsets(%dma_start3A_724 : memref<120xi32, #tpu.memory_space<vmem>>) semaphore(%arg25 : memref<!tpu.dma_semaphore, #tpu.memory_space<semaphore_mem>>) {add = true}
    %dma_wait3A_728 = arith.constant 1 : i32
    %dma_wait3A_729 = arith.constant 0 : i32
    %dma_wait3A_730 = tpu.memref_slice %arg10[%dma_wait3A_728, %dma_wait3A_729] : memref<6x120xi32, #tpu.memory_space<vmem>> -> memref<1x120xi32, #tpu.memory_space<vmem>>
    %dma_wait3A_731 = tpu.memref_squeeze %dma_wait3A_730 : memref<1x120xi32, #tpu.memory_space<vmem>> -> memref<120xi32, #tpu.memory_space<vmem>>
    %dma_wait3A_732 = arith.constant 0 : i32
    %dma_wait3A_733 = arith.constant 0 : i32
    %dma_wait3A_734 = tpu.memref_slice %arg8[%dma_wait3A_732, %dma_wait3A_733] : memref<10000x128xf32, #tpu.memory_space<vmem_shared>> -> memref<10000x128xf32, #tpu.memory_space<vmem_shared>>
    tpu.wait_indirect_dma semaphore(%arg27 : memref<!tpu.dma_semaphore, #tpu.memory_space<semaphore_mem>>) src(%arg13 : memref<120x128xf32, #tpu.memory_space<vmem>>) dst(%dma_wait3A_734 : memref<10000x128xf32, #tpu.memory_space<vmem_shared>>)
    %dma_wait3A_735 = arith.constant 3 : i32
    %dma_wait3A_736 = arith.constant 0 : i32
    %dma_wait3A_737 = tpu.memref_slice %arg10[%dma_wait3A_735, %dma_wait3A_736] : memref<6x120xi32, #tpu.memory_space<vmem>> -> memref<1x120xi32, #tpu.memory_space<vmem>>
    %dma_wait3A_738 = tpu.memref_squeeze %dma_wait3A_737 : memref<1x120xi32, #tpu.memory_space<vmem>> -> memref<120xi32, #tpu.memory_space<vmem>>
    %dma_wait3A_739 = arith.constant 0 : i32
    %dma_wait3A_740 = arith.constant 0 : i32
    %dma_wait3A_741 = tpu.memref_slice %arg8[%dma_wait3A_739, %dma_wait3A_740] : memref<10000x128xf32, #tpu.memory_space<vmem_shared>> -> memref<10000x128xf32, #tpu.memory_space<vmem_shared>>
    tpu.wait_indirect_dma semaphore(%arg25 : memref<!tpu.dma_semaphore, #tpu.memory_space<semaphore_mem>>) src(%arg11 : memref<120x128xf32, #tpu.memory_space<vmem>>) dst(%dma_wait3A_741 : memref<10000x128xf32, #tpu.memory_space<vmem_shared>>)
    %dma_wait3A_742 = arith.constant 0 : i32
    %dma_wait3A_743 = tpu.memref_slice %arg3[%dma_wait3A_742] : memref<640000xi32, #tpu.memory_space<hbm>> -> memref<80xi32, #tpu.memory_space<hbm>>
    %dma_wait3A_744 = arith.constant 0 : i32
    %dma_wait3A_745 = tpu.memref_slice %arg3[%dma_wait3A_744] : memref<640000xi32, #tpu.memory_space<hbm>> -> memref<80xi32, #tpu.memory_space<hbm>>
    tpu.wait_dma2 semaphore(%arg28 : memref<!tpu.dma_semaphore, #tpu.memory_space<semaphore_mem>>) src(%dma_wait3A_745 : memref<80xi32, #tpu.memory_space<hbm>>) dst(%arg14 : memref<80xi32, #tpu.memory_space<vmem>>)
    %dma_wait3A_746 = arith.constant 0 : i32
    %dma_wait3A_747 = tpu.memref_slice %arg4[%dma_wait3A_746] : memref<640000xi32, #tpu.memory_space<hbm>> -> memref<80xi32, #tpu.memory_space<hbm>>
    %dma_wait3A_748 = arith.constant 0 : i32
    %dma_wait3A_749 = tpu.memref_slice %arg4[%dma_wait3A_748] : memref<640000xi32, #tpu.memory_space<hbm>> -> memref<80xi32, #tpu.memory_space<hbm>>
    tpu.wait_dma2 semaphore(%arg28 : memref<!tpu.dma_semaphore, #tpu.memory_space<semaphore_mem>>) src(%dma_wait3A_749 : memref<80xi32, #tpu.memory_space<hbm>>) dst(%arg15 : memref<80xi32, #tpu.memory_space<vmem>>)
    %dma_start3A_750 = arith.constant 0 : i32
    %dma_start3A_751 = arith.constant 0 : i32
    %dma_start3A_752 = tpu.memref_slice %arg13[%dma_start3A_750, %dma_start3A_751] : memref<120x128xf32, #tpu.memory_space<vmem>> -> memref<80x128xf32, #tpu.memory_space<vmem>>
    %dma_start3A_753 = arith.constant 0 : i32
    %dma_start3A_754 = arith.constant 0 : i32
    %dma_start3A_755 = tpu.memref_slice %arg2[%dma_start3A_753, %dma_start3A_754] : memref<20000x128xf32, #tpu.memory_space<hbm>> -> memref<20000x128xf32, #tpu.memory_space<hbm>>
    tpu.enqueue_indirect_dma source(%dma_start3A_755 : memref<20000x128xf32, #tpu.memory_space<hbm>>) target(%dma_start3A_752 : memref<80x128xf32, #tpu.memory_space<vmem>>) offsets(%arg14 : memref<80xi32, #tpu.memory_space<vmem>>) semaphore(%arg28 : memref<!tpu.dma_semaphore, #tpu.memory_space<semaphore_mem>>)
    %dma_wait3A_756 = arith.constant 0 : i32
    %dma_wait3A_757 = arith.constant 0 : i32
    %dma_wait3A_758 = tpu.memref_slice %arg13[%dma_wait3A_756, %dma_wait3A_757] : memref<120x128xf32, #tpu.memory_space<vmem>> -> memref<80x128xf32, #tpu.memory_space<vmem>>
    %dma_wait3A_759 = arith.constant 0 : i32
    %dma_wait3A_760 = arith.constant 0 : i32
    %dma_wait3A_761 = tpu.memref_slice %arg2[%dma_wait3A_759, %dma_wait3A_760] : memref<20000x128xf32, #tpu.memory_space<hbm>> -> memref<20000x128xf32, #tpu.memory_space<hbm>>
    tpu.wait_indirect_dma semaphore(%arg28 : memref<!tpu.dma_semaphore, #tpu.memory_space<semaphore_mem>>) src(%dma_wait3A_761 : memref<20000x128xf32, #tpu.memory_space<hbm>>) dst(%dma_wait3A_758 : memref<80x128xf32, #tpu.memory_space<vmem>>)
    "tpu.region"() ({
      %run_scoped3A = tpu.sem_alloc : memref<!tpu.dma_semaphore, #tpu.memory_space<semaphore_mem>>
      %dma_start3A_773 = arith.constant 0 : i32
      %dma_start3A_774 = arith.constant 0 : i32
      %dma_start3A_775 = tpu.memref_slice %arg13[%dma_start3A_773, %dma_start3A_774] : memref<120x128xf32, #tpu.memory_space<vmem>> -> memref<80x128xf32, #tpu.memory_space<vmem>>
      %dma_start3A_776 = arith.constant 0 : i32
      %dma_start3A_777 = arith.constant 0 : i32
      %dma_start3A_778 = tpu.memref_slice %arg8[%dma_start3A_776, %dma_start3A_777] : memref<10000x128xf32, #tpu.memory_space<vmem_shared>> -> memref<10000x128xf32, #tpu.memory_space<vmem_shared>>
      tpu.enqueue_indirect_dma source(%dma_start3A_775 : memref<80x128xf32, #tpu.memory_space<vmem>>) target(%dma_start3A_778 : memref<10000x128xf32, #tpu.memory_space<vmem_shared>>) offsets(%arg15 : memref<80xi32, #tpu.memory_space<vmem>>) semaphore(%run_scoped3A : memref<!tpu.dma_semaphore, #tpu.memory_space<semaphore_mem>>) {add = true}
      %dma_wait3A_779 = arith.constant 0 : i32
      %dma_wait3A_780 = arith.constant 0 : i32
      %dma_wait3A_781 = tpu.memref_slice %arg13[%dma_wait3A_779, %dma_wait3A_780] : memref<120x128xf32, #tpu.memory_space<vmem>> -> memref<80x128xf32, #tpu.memory_space<vmem>>
      %dma_wait3A_782 = arith.constant 0 : i32
      %dma_wait3A_783 = arith.constant 0 : i32
      %dma_wait3A_784 = tpu.memref_slice %arg8[%dma_wait3A_782, %dma_wait3A_783] : memref<10000x128xf32, #tpu.memory_space<vmem_shared>> -> memref<10000x128xf32, #tpu.memory_space<vmem_shared>>
      tpu.wait_indirect_dma semaphore(%run_scoped3A : memref<!tpu.dma_semaphore, #tpu.memory_space<semaphore_mem>>) src(%dma_wait3A_781 : memref<80x128xf32, #tpu.memory_space<vmem>>) dst(%dma_wait3A_784 : memref<10000x128xf32, #tpu.memory_space<vmem_shared>>)
      tpu.yield
    }) : () -> ()
    %barrier3A_762 = arith.constant 0 : index
    tpu.barrier barrier_id(%barrier3A_762)
    %eq3A_763 = arith.constant 0 : i32
    %eq3A_764 = arith.cmpi eq, %arg0, %eq3A_763 : i32
    %convert_element_type3A_765 = arith.extui %eq3A_764 : i1 to i32
    %cond3A_766 = arith.constant 0 : i32
    %cond3A_767 = arith.cmpi ne, %convert_element_type3A_765, %cond3A_766 : i32
    scf.if %cond3A_767 {
      "tpu.region"() ({
        %run_scoped3A = tpu.sem_alloc : memref<!tpu.dma_semaphore, #tpu.memory_space<semaphore_mem>>
        %dma_start3A_778 = arith.constant 0 : i32
        %dma_start3A_779 = tpu.memref_slice %arg6[%mul3A_2, %dma_start3A_778] : memref<10000x128xf32, #tpu.memory_space<hbm>> -> memref<624x128xf32, #tpu.memory_space<hbm>>
        %dma_start3A_780 = arith.constant 0 : i32
        %dma_start3A_781 = tpu.memref_slice %arg8[%mul3A_2, %dma_start3A_780] : memref<10000x128xf32, #tpu.memory_space<vmem_shared>> -> memref<624x128xf32, #tpu.memory_space<vmem_shared>>
        tpu.enqueue_dma source(%dma_start3A_781 : memref<624x128xf32, #tpu.memory_space<vmem_shared>>) target(%dma_start3A_779 : memref<624x128xf32, #tpu.memory_space<hbm>>) target_semaphore(%run_scoped3A : memref<!tpu.dma_semaphore, #tpu.memory_space<semaphore_mem>>)
        %dma_wait3A_782 = arith.constant 0 : i32
        %dma_wait3A_783 = tpu.memref_slice %arg6[%mul3A_2, %dma_wait3A_782] : memref<10000x128xf32, #tpu.memory_space<hbm>> -> memref<624x128xf32, #tpu.memory_space<hbm>>
        %dma_wait3A_784 = arith.constant 0 : i32
        %dma_wait3A_785 = tpu.memref_slice %arg8[%mul3A_2, %dma_wait3A_784] : memref<10000x128xf32, #tpu.memory_space<vmem_shared>> -> memref<624x128xf32, #tpu.memory_space<vmem_shared>>
        tpu.wait_dma2 semaphore(%run_scoped3A : memref<!tpu.dma_semaphore, #tpu.memory_space<semaphore_mem>>) src(%dma_wait3A_785 : memref<624x128xf32, #tpu.memory_space<vmem_shared>>) dst(%dma_wait3A_783 : memref<624x128xf32, #tpu.memory_space<hbm>>)
        tpu.yield
      }) : () -> ()
      %eq3A_773 = arith.constant 15 : i32
      %eq3A_774 = arith.cmpi eq, %arg1, %eq3A_773 : i32
      %convert_element_type3A_775 = arith.extui %eq3A_774 : i1 to i32
      %cond3A_776 = arith.constant 0 : i32
      %cond3A_777 = arith.cmpi ne, %convert_element_type3A_775, %cond3A_776 : i32
      scf.if %cond3A_777 {
        "tpu.region"() ({
          %run_scoped3A = tpu.sem_alloc : memref<!tpu.dma_semaphore, #tpu.memory_space<semaphore_mem>>
          %dma_start3A_778 = arith.constant 9984 : i32
          %dma_start3A_779 = arith.constant 0 : i32
          %dma_start3A_780 = tpu.memref_slice %arg6[%dma_start3A_778, %dma_start3A_779] : memref<10000x128xf32, #tpu.memory_space<hbm>> -> memref<16x128xf32, #tpu.memory_space<hbm>>
          %dma_start3A_781 = arith.constant 9984 : i32
          %dma_start3A_782 = arith.constant 0 : i32
          %dma_start3A_783 = tpu.memref_slice %arg8[%dma_start3A_781, %dma_start3A_782] : memref<10000x128xf32, #tpu.memory_space<vmem_shared>> -> memref<16x128xf32, #tpu.memory_space<vmem_shared>>
          tpu.enqueue_dma source(%dma_start3A_783 : memref<16x128xf32, #tpu.memory_space<vmem_shared>>) target(%dma_start3A_780 : memref<16x128xf32, #tpu.memory_space<hbm>>) target_semaphore(%run_scoped3A : memref<!tpu.dma_semaphore, #tpu.memory_space<semaphore_mem>>)
          %dma_wait3A_784 = arith.constant 9984 : i32
          %dma_wait3A_785 = arith.constant 0 : i32
          %dma_wait3A_786 = tpu.memref_slice %arg6[%dma_wait3A_784, %dma_wait3A_785] : memref<10000x128xf32, #tpu.memory_space<hbm>> -> memref<16x128xf32, #tpu.memory_space<hbm>>
          %dma_wait3A_787 = arith.constant 9984 : i32
          %dma_wait3A_788 = arith.constant 0 : i32
          %dma_wait3A_789 = tpu.memref_slice %arg8[%dma_wait3A_787, %dma_wait3A_788] : memref<10000x128xf32, #tpu.memory_space<vmem_shared>> -> memref<16x128xf32, #tpu.memory_space<vmem_shared>>
          tpu.wait_dma2 semaphore(%run_scoped3A : memref<!tpu.dma_semaphore, #tpu.memory_space<semaphore_mem>>) src(%dma_wait3A_789 : memref<16x128xf32, #tpu.memory_space<vmem_shared>>) dst(%dma_wait3A_786 : memref<16x128xf32, #tpu.memory_space<hbm>>)
          tpu.yield
        }) : () -> ()
      } else {
      }
    } else {
    }
    %eq3A_768 = arith.constant 1 : i32
    %eq3A_769 = arith.cmpi eq, %arg0, %eq3A_768 : i32
    %convert_element_type3A_770 = arith.extui %eq3A_769 : i1 to i32
    %cond3A_771 = arith.constant 0 : i32
    %cond3A_772 = arith.cmpi ne, %convert_element_type3A_770, %cond3A_771 : i32
    scf.if %cond3A_772 {
      "tpu.region"() ({
        %run_scoped3A = tpu.sem_alloc : memref<!tpu.dma_semaphore, #tpu.memory_space<semaphore_mem>>
        %dma_start3A_778 = arith.constant 0 : i32
        %dma_start3A_779 = tpu.memref_slice %arg7[%mul3A_2, %dma_start3A_778] : memref<10000x128xf32, #tpu.memory_space<hbm>> -> memref<624x128xf32, #tpu.memory_space<hbm>>
        %dma_start3A_780 = arith.constant 0 : i32
        %dma_start3A_781 = tpu.memref_slice %arg8[%mul3A_2, %dma_start3A_780] : memref<10000x128xf32, #tpu.memory_space<vmem_shared>> -> memref<624x128xf32, #tpu.memory_space<vmem_shared>>
        tpu.enqueue_dma source(%dma_start3A_781 : memref<624x128xf32, #tpu.memory_space<vmem_shared>>) target(%dma_start3A_779 : memref<624x128xf32, #tpu.memory_space<hbm>>) target_semaphore(%run_scoped3A : memref<!tpu.dma_semaphore, #tpu.memory_space<semaphore_mem>>)
        %dma_wait3A_782 = arith.constant 0 : i32
        %dma_wait3A_783 = tpu.memref_slice %arg7[%mul3A_2, %dma_wait3A_782] : memref<10000x128xf32, #tpu.memory_space<hbm>> -> memref<624x128xf32, #tpu.memory_space<hbm>>
        %dma_wait3A_784 = arith.constant 0 : i32
        %dma_wait3A_785 = tpu.memref_slice %arg8[%mul3A_2, %dma_wait3A_784] : memref<10000x128xf32, #tpu.memory_space<vmem_shared>> -> memref<624x128xf32, #tpu.memory_space<vmem_shared>>
        tpu.wait_dma2 semaphore(%run_scoped3A : memref<!tpu.dma_semaphore, #tpu.memory_space<semaphore_mem>>) src(%dma_wait3A_785 : memref<624x128xf32, #tpu.memory_space<vmem_shared>>) dst(%dma_wait3A_783 : memref<624x128xf32, #tpu.memory_space<hbm>>)
        tpu.yield
      }) : () -> ()
      %eq3A_773 = arith.constant 15 : i32
      %eq3A_774 = arith.cmpi eq, %arg1, %eq3A_773 : i32
      %convert_element_type3A_775 = arith.extui %eq3A_774 : i1 to i32
      %cond3A_776 = arith.constant 0 : i32
      %cond3A_777 = arith.cmpi ne, %convert_element_type3A_775, %cond3A_776 : i32
      scf.if %cond3A_777 {
        "tpu.region"() ({
          %run_scoped3A = tpu.sem_alloc : memref<!tpu.dma_semaphore, #tpu.memory_space<semaphore_mem>>
          %dma_start3A_778 = arith.constant 9984 : i32
          %dma_start3A_779 = arith.constant 0 : i32
          %dma_start3A_780 = tpu.memref_slice %arg7[%dma_start3A_778, %dma_start3A_779] : memref<10000x128xf32, #tpu.memory_space<hbm>> -> memref<16x128xf32, #tpu.memory_space<hbm>>
          %dma_start3A_781 = arith.constant 9984 : i32
          %dma_start3A_782 = arith.constant 0 : i32
          %dma_start3A_783 = tpu.memref_slice %arg8[%dma_start3A_781, %dma_start3A_782] : memref<10000x128xf32, #tpu.memory_space<vmem_shared>> -> memref<16x128xf32, #tpu.memory_space<vmem_shared>>
          tpu.enqueue_dma source(%dma_start3A_783 : memref<16x128xf32, #tpu.memory_space<vmem_shared>>) target(%dma_start3A_780 : memref<16x128xf32, #tpu.memory_space<hbm>>) target_semaphore(%run_scoped3A : memref<!tpu.dma_semaphore, #tpu.memory_space<semaphore_mem>>)
          %dma_wait3A_784 = arith.constant 9984 : i32
          %dma_wait3A_785 = arith.constant 0 : i32
          %dma_wait3A_786 = tpu.memref_slice %arg7[%dma_wait3A_784, %dma_wait3A_785] : memref<10000x128xf32, #tpu.memory_space<hbm>> -> memref<16x128xf32, #tpu.memory_space<hbm>>
          %dma_wait3A_787 = arith.constant 9984 : i32
          %dma_wait3A_788 = arith.constant 0 : i32
          %dma_wait3A_789 = tpu.memref_slice %arg8[%dma_wait3A_787, %dma_wait3A_788] : memref<10000x128xf32, #tpu.memory_space<vmem_shared>> -> memref<16x128xf32, #tpu.memory_space<vmem_shared>>
          tpu.wait_dma2 semaphore(%run_scoped3A : memref<!tpu.dma_semaphore, #tpu.memory_space<semaphore_mem>>) src(%dma_wait3A_789 : memref<16x128xf32, #tpu.memory_space<vmem_shared>>) dst(%dma_wait3A_786 : memref<16x128xf32, #tpu.memory_space<hbm>>)
          tpu.yield
        }) : () -> ()
      } else {
      }
    } else {
    }
    return
  }
}

module attributes {stable_mosaic.version = 14 : i64} {
  func.func @_mm_body(%arg0: i32, %arg1: memref<2000x128xf32, #tpu.memory_space<vmem>>, %arg2: memref<1x128x128xf32, #tpu.memory_space<vmem>>, %arg3: memref<2000x128xf32, #tpu.memory_space<vmem>>) attributes {dimension_semantics = [#tpu.dimension_semantics<arbitrary>], iteration_bounds = array<i64: 10>, scalar_prefetch = 0 : i64, scratch_operands = 0 : i64, tpu.core_type = #tpu.core_type<tc>, window_params = [{transform_indices = @transform_0, window_bounds = array<i64: 2000, 128>}, {transform_indices = @transform_1, window_bounds = array<i64: 1, 128, 128>}, {transform_indices = @transform_2, window_bounds = array<i64: 2000, 128>}]} {
    %get3A = arith.constant 0 : index
    %get3A_0 = arith.constant 0 : index
    %get3A_1 = vector.load %arg1[%get3A, %get3A_0] : memref<2000x128xf32, #tpu.memory_space<vmem>>, vector<2000x128xf32>
    %get3A_2 = arith.constant 0 : index
    %get3A_3 = arith.constant 0 : index
    %get3A_4 = arith.constant 0 : index
    %get3A_5 = vector.load %arg2[%get3A_2, %get3A_3, %get3A_4] : memref<1x128x128xf32, #tpu.memory_space<vmem>>, vector<1x128x128xf32>
    %get3A_6 = vector.shape_cast %get3A_5 : vector<1x128x128xf32> to vector<128x128xf32>
    %dot_general3A = arith.constant dense<0.000000e+00> : vector<2000x128xf32>
    %dot_general3A_7 = tpu.matmul %get3A_1, %get3A_6, %dot_general3A {dimension_numbers = #tpu.dot_dimension_numbers<[1], [0], [0], [1], [0, 0, 1, 1], [], []>, transpose_lhs_hint = false} : vector<2000x128xf32>, vector<128x128xf32>, vector<2000x128xf32> -> vector<2000x128xf32>
    %swap3A = arith.constant 0 : index
    %swap3A_8 = arith.constant 0 : index
    %swap3A_9 = vector.load %arg3[%swap3A, %swap3A_8] : memref<2000x128xf32, #tpu.memory_space<vmem>>, vector<2000x128xf32>
    tpu.vector_store %arg3[%swap3A, %swap3A_8], %dot_general3A_7 {strides = array<i32>} : memref<2000x128xf32, #tpu.memory_space<vmem>>, vector<2000x128xf32>,
    return
  }
  func.func @transform_0(%arg0: i32) -> (i32, i32) {
    %jit3A = arith.constant 5 : i32
    %eq3A = arith.constant 0 : i32
    %eq3A_0 = arith.cmpi eq, %jit3A, %eq3A : i32
    %jit3A_1 = arith.constant 1 : i32
    %select_n3A = arith.select %eq3A_0, %jit3A_1, %jit3A : i32
    %rem3A = arith.remsi %arg0, %select_n3A : i32
    %ne3A = arith.constant 0 : i32
    %ne3A_2 = arith.cmpi ne, %rem3A, %ne3A : i32
    %lt3A = arith.constant 0 : i32
    %lt3A_3 = arith.cmpi slt, %rem3A, %lt3A : i32
    %lt3A_4 = arith.constant 0 : i32
    %lt3A_5 = arith.cmpi slt, %select_n3A, %lt3A_4 : i32
    %ne3A_6 = arith.xori %lt3A_3, %lt3A_5 : i1
    %and3A = arith.andi %ne3A_6, %ne3A_2 : i1
    %add3A = arith.addi %rem3A, %select_n3A : i32
    %select_n3A_7 = arith.select %and3A, %add3A, %rem3A : i32
    %c0_i32 = arith.constant 0 : i32
    %c0_i32_8 = arith.constant 0 : i32
    return %select_n3A_7, %c0_i32 : i32, i32
  }
  func.func @transform_1(%arg0: i32) -> (i32, i32, i32) {
    %jit3A = arith.constant 5 : i32
    %div3A = arith.divsi %arg0, %jit3A : i32
    %sign3A = arith.constant 0 : i32
    %sign3A_0 = arith.cmpi sgt, %arg0, %sign3A : i32
    %sign3A_1 = arith.extui %sign3A_0 : i1 to i32
    %sign3A_2 = arith.constant 0 : i32
    %sign3A_3 = arith.cmpi slt, %arg0, %sign3A_2 : i32
    %sign3A_4 = arith.extui %sign3A_3 : i1 to i32
    %sign3A_5 = arith.subi %sign3A_1, %sign3A_4 : i32
    %sign3A_6 = arith.constant 0 : i32
    %sign3A_7 = arith.cmpi sgt, %jit3A, %sign3A_6 : i32
    %sign3A_8 = arith.extui %sign3A_7 : i1 to i32
    %sign3A_9 = arith.constant 0 : i32
    %sign3A_10 = arith.cmpi slt, %jit3A, %sign3A_9 : i32
    %sign3A_11 = arith.extui %sign3A_10 : i1 to i32
    %sign3A_12 = arith.subi %sign3A_8, %sign3A_11 : i32
    %ne3A = arith.cmpi ne, %sign3A_5, %sign3A_12 : i32
    %rem3A = arith.remsi %arg0, %jit3A : i32
    %ne3A_13 = arith.constant 0 : i32
    %ne3A_14 = arith.cmpi ne, %rem3A, %ne3A_13 : i32
    %and3A = arith.andi %ne3A, %ne3A_14 : i1
    %sub3A = arith.constant 1 : i32
    %sub3A_15 = arith.subi %div3A, %sub3A : i32
    %select_n3A = arith.select %and3A, %sub3A_15, %div3A : i32
    %c0_i32 = arith.constant 0 : i32
    %c0_i32_16 = arith.constant 0 : i32
    %c0_i32_17 = arith.constant 0 : i32
    return %select_n3A, %c0_i32, %c0_i32_16 : i32, i32, i32
  }
  func.func @transform_2(%arg0: i32) -> (i32, i32) {
    %c0_i32 = arith.constant 0 : i32
    %c0_i32_0 = arith.constant 0 : i32
    return %arg0, %c0_i32 : i32, i32
  }
}

module attributes {stable_mosaic.version = 14 : i64} {
  func.func @_combine_body(%arg0: i32, %arg1: memref<2000x128xf32, #tpu.memory_space<vmem>>, %arg2: memref<2000x128xf32, #tpu.memory_space<vmem>>, %arg3: memref<1x128xf32, #tpu.memory_space<vmem>>, %arg4: memref<2000x128xf32, #tpu.memory_space<vmem>>) attributes {dimension_semantics = [#tpu.dimension_semantics<arbitrary>], iteration_bounds = array<i64: 5>, scalar_prefetch = 0 : i64, scratch_operands = 0 : i64, tpu.core_type = #tpu.core_type<tc>, window_params = [{transform_indices = @transform_0, window_bounds = array<i64: 2000, 128>}, {transform_indices = @transform_1, window_bounds = array<i64: 2000, 128>}, {pipeline_mode = #tpu.pipeline_mode<synchronous>, transform_indices = @transform_2, window_bounds = array<i64: 1, 128>}, {transform_indices = @transform_3, window_bounds = array<i64: 2000, 128>}]} {
    %get3A = arith.constant 0 : index
    %get3A_0 = arith.constant 0 : index
    %get3A_1 = vector.load %arg1[%get3A, %get3A_0] : memref<2000x128xf32, #tpu.memory_space<vmem>>, vector<2000x128xf32>
    %get3A_2 = arith.constant 0 : index
    %get3A_3 = arith.constant 0 : index
    %get3A_4 = vector.load %arg2[%get3A_2, %get3A_3] : memref<2000x128xf32, #tpu.memory_space<vmem>>, vector<2000x128xf32>
    %add3A = arith.addf %get3A_1, %get3A_4 : vector<2000x128xf32>
    %get3A_5 = arith.constant 0 : index
    %get3A_6 = arith.constant 0 : index
    %get3A_7 = vector.load %arg3[%get3A_5, %get3A_6] : memref<1x128xf32, #tpu.memory_space<vmem>>, vector<1x128xf32>
    %add3A_8 = vector.broadcast %get3A_7 : vector<1x128xf32> to vector<2000x128xf32>
    %add3A_9 = arith.addf %add3A, %add3A_8 : vector<2000x128xf32>
    %max3A = arith.constant 0.000000e+00 : f32
    %max3A_10 = vector.broadcast %max3A : f32 to vector<2000x128xf32>
    %max3A_11 = arith.maximumf %add3A_9, %max3A_10 : vector<2000x128xf32>
    %swap3A = arith.constant 0 : index
    %swap3A_12 = arith.constant 0 : index
    %swap3A_13 = vector.load %arg4[%swap3A, %swap3A_12] : memref<2000x128xf32, #tpu.memory_space<vmem>>, vector<2000x128xf32>
    tpu.vector_store %arg4[%swap3A, %swap3A_12], %max3A_11 {strides = array<i32>} : memref<2000x128xf32, #tpu.memory_space<vmem>>, vector<2000x128xf32>,
    return
  }
  func.func @transform_0(%arg0: i32) -> (i32, i32) {
    %c0_i32 = arith.constant 0 : i32
    %c0_i32_0 = arith.constant 0 : i32
    return %arg0, %c0_i32 : i32, i32
  }
  func.func @transform_1(%arg0: i32) -> (i32, i32) {
    %c0_i32 = arith.constant 0 : i32
    %c0_i32_0 = arith.constant 0 : i32
    return %arg0, %c0_i32 : i32, i32
  }
  func.func @transform_2(%arg0: i32) -> (i32, i32) {
    %c0_i32 = arith.constant 0 : i32
    %c0_i32_0 = arith.constant 0 : i32
    %c0_i32_1 = arith.constant 0 : i32
    return %c0_i32, %c0_i32_0 : i32, i32
  }
  func.func @transform_3(%arg0: i32) -> (i32, i32) {
    %c0_i32 = arith.constant 0 : i32
    %c0_i32_0 = arith.constant 0 : i32
    return %arg0, %c0_i32 : i32, i32
  }
}

</mosaic_0001>

<sc_bundles>
// kernel: kernel.5.cloned.1.call-start
scs
__scs_entry_jumppad:
0x0: {  	(pc) =	sbr.rel $0x88, $3  }
0x1: {  	(tag) =	ssettag $0x0;
	lr =	simm.s32 $0x1  }
0x2: {  	[smem:$0x3F9B] =	sst lr;
	_ =	strace $0xD0000000  }
0x3: {  	_ = 	snop  }
0x4: {  	_ = 	snop  }
0x5: {  	_ = 	snop  }
0x6: {  	_ = 	snop  }
0x7: {  	_ = 	snop  }
__scs_overlays_trampoline_lowered:
0x8: {  	[smem:$0x3FAA] =	sst s0  }
0x9: {  	[smem:$0x3FAB] =	sst s1  }
0xa: {  	[smem:$0x3FAC] =	sst s2  }
0xb: {  	[smem:$0x3FAD] =	sst s3  }
0xc: {  	[smem:$0x3FAE] =	sst s4  }
0xd: {  	[smem:$0x3FAF] =	sst s5  }
0xe: {  	[smem:$0x3FB0] =	sst s6  }
0xf: {  	[smem:$0x3FB1] =	sst s7  }
0x10: {  	[smem:$0x3FB2] =	sst s8  }
0x11: {  	[smem:$0x3FB3] =	sst s9;
	s0 =	simm.s32 @!p0 $0x0  }
0x12: {  	s1 =	sld [smem:$0x3F99];
	s0 =	simm.s32 @p0 $0x1  }
0x13: {  	[smem:$0x3FB4] =	sst s0;
	s0 =	simm.s32 @!p1 $0x0  }
0x14: {  	s2 =	sld [smem:$0x3F98];
	s0 =	simm.s32 @p1 $0x1  }
0x15: {  	[smem:$0x3FB5] =	sst s0;
	s0 =	simm.s32 @!p2 $0x0  }
0x16: {  	s3 =	sld [smem:$0x3FDB];
	s0 =	simm.s32 @p2 $0x1  }
0x17: {  	s4 =	simm.s32 $0x1BF5;
	[smem:$0x3FB7] =	sst s0  }
0x18: {  	s0 =	sld [smem:$0x3F9A];
	_ =	swait.ge [sflag:s4], $0x0  }
0x19: {  	s7 =	sld [smem:$0x3F9B]  }
0x1a: {  	s8 =	sadd.s32 $0xFFFFE003, lr  }
0x1b: {  	s9 =	sadd.s32 $0xFFFFFEF7, lr;
	s5 =	simm.s32 $0xFFFFFFFF;
	p2 =	slt.u32 s8, $0xFFFFF086  }
0x1c: {  	p1 =	slt.u32 s9, $0xF7A;
	s5 =	simm.s32 @!p2 $0x0  }
0x1d: {  	s5 =	simm.s32 @p1 $0x1;
	p0 =	seq.s32 s7, s2  }
0x1e: {  	s7 =	smul.u32 @!p0 $0xF7A, s2;
	p2 =	seq.s32 @!p0 s5, $0x0  }
0x1f: {  	s9 =	smul.u32 $0xF7A, s1;
	s8 =	simm.s32 @!p0 $0x1BF5;
	p2 =	por !p2, p0  }
0x20: {  	[sflag:s8] =	ssyncset.s32 @!p0 $0xFFFFF086;
	s6 =	sadd.s32 @!p0 s3, s7;
	s7 =	simm.s32 @!p0 $0x108  }
0x21: {  	s3 =	sadd.s32 s3, s9;
	s6 =	sadd.s32 @!p0 $0x88, s6;
	s7 =	simm.s32 @p2 $0x1082  }
0x22: {  	[simem:s7], [sflag:s8] =	dma.local @!p0 [hbm:s6], $0xF7A  }
0x23: {  	s9 =	sor.u32 $0xD0000000, s2;
	s6 =	simm.s32 $0x108;
	_ =	swait.ge @!p0 [sflag:s8], $0x0  }
0x24: {  	s3 =	sadd.s32 $0x88, s3;
	s6 =	simm.s32 @!p1 $0x1082;
	[sflag:s4] =	ssyncset.s32 $0xFFFFF086  }
0x25: {  	[simem:s6], [sflag:s4] =	dma.local [hbm:s3], $0xF7A  }
0x26: {  	[smem:$0x3F9B] =	sst s1;
	(tag) =	ssettag s2;
	_ =	strace s9  }
0x27: {  	s1 =	sld [smem:$0x3FAB]  }
0x28: {  	s2 =	sld [smem:$0x3FAC]  }
0x29: {  	s4 =	sld [smem:$0x3FAE]  }
0x2a: {  	p0 =	seq.s32 s5, $0x0;
	s5 =	sld [smem:$0x3FAF]  }
0x2b: {  	s6 =	sld [smem:$0x3FB0]  }
0x2c: {  	s7 =	sld [smem:$0x3FB1]  }
0x2d: {  	s3 =	simm.s32 $0x108;
	s8 =	sld [smem:$0x3FB2]  }
0x2e: {  	s3 =	simm.s32 @!p0 $0x1082;
	s9 =	sld [smem:$0x3FB3]  }
0x2f: {  	lr =	sadd.s32 s0, s3;
	s0 =	sld [smem:$0x3FAA]  }
0x30: {  	s3 =	sld [smem:$0x3FAD]  }
0x31: {  	[smem:$0x3FB6] =	sst s10  }
0x32: {  	s10 =	sld [smem:$0x3FB4];
	_ =	sdelay $0x3  }
0x33: {  	p0 =	seq.s32 s10, $0x1;
	s10 =	sld [smem:$0x3FB6];
	_ =	sdelay $0x3  }
0x34: {  	[smem:$0x3FB6] =	sst s10  }
0x35: {  	s10 =	sld [smem:$0x3FB5];
	_ =	sdelay $0x3  }
0x36: {  	p1 =	seq.s32 s10, $0x1;
	s10 =	sld [smem:$0x3FB6];
	_ =	sdelay $0x3  }
0x37: {  	[smem:$0x3FB6] =	sst s10  }
0x38: {  	s10 =	sld [smem:$0x3FB7]  }
0x39: {  	_ = 	snop;
	(pc) =	sbr.ind lr, $3  }
0x3a: {  	_ = 	snop  }
0x3b: {  	_ = 	snop  }
0x3c: {  	p2 =	seq.s32 s10, $0x1;
	s10 =	sld [smem:$0x3FB6]  }
0x3d: {  	_ =	shalt  }
0x3e: {  	_ =	shalt  }
0x3f: {  	_ =	shalt  }
0x40: {  	_ =	shalt  }
0x41: {  	_ =	shalt  }
0x42: {  	_ =	shalt  }
0x43: {  	_ =	shalt  }
0x44: {  	_ =	shalt  }
0x45: {  	_ =	shalt  }
0x46: {  	_ =	shalt  }
0x47: {  	_ =	shalt  }
0x48: {  	_ =	shalt  }
0x49: {  	_ =	shalt  }
0x4a: {  	_ =	shalt  }
0x4b: {  	_ =	shalt  }
0x4c: {  	_ =	shalt  }
0x4d: {  	_ =	shalt  }
0x4e: {  	_ =	shalt  }
0x4f: {  	_ =	shalt  }
0x50: {  	_ =	shalt  }
0x51: {  	_ =	shalt  }
0x52: {  	_ =	shalt  }
0x53: {  	_ =	shalt  }
0x54: {  	_ =	shalt  }
0x55: {  	_ =	shalt  }
0x56: {  	_ =	shalt  }
0x57: {  	_ =	shalt  }
0x58: {  	_ =	shalt  }
0x59: {  	_ =	shalt  }
0x5a: {  	_ =	shalt  }
0x5b: {  	_ =	shalt  }
0x5c: {  	_ =	shalt  }
0x5d: {  	_ =	shalt  }
0x5e: {  	_ =	shalt  }
0x5f: {  	_ =	shalt  }
0x60: {  	_ =	shalt  }
0x61: {  	_ =	shalt  }
0x62: {  	_ =	shalt  }
0x63: {  	_ =	shalt  }
0x64: {  	_ =	shalt  }
0x65: {  	_ =	shalt  }
0x66: {  	_ =	shalt  }
0x67: {  	_ =	shalt  }
0x68: {  	_ =	shalt  }
0x69: {  	_ =	shalt  }
0x6a: {  	_ =	shalt  }
0x6b: {  	_ =	shalt  }
0x6c: {  	_ =	shalt  }
0x6d: {  	_ =	shalt  }
0x6e: {  	_ =	shalt  }
0x6f: {  	_ =	shalt  }
0x70: {  	_ =	shalt  }
0x71: {  	_ =	shalt  }
0x72: {  	_ =	shalt  }
0x73: {  	_ =	shalt  }
0x74: {  	_ =	shalt  }
0x75: {  	_ =	shalt  }
0x76: {  	_ =	shalt  }
0x77: {  	_ =	shalt  }
0x78: {  	_ =	shalt  }
0x79: {  	_ =	shalt  }
0x7a: {  	_ =	shalt  }
0x7b: {  	_ =	shalt  }
0x7c: {  	_ =	shalt  }
0x7d: {  	_ =	shalt  }
0x7e: {  	_ =	shalt  }
0x7f: {  	_ =	shalt  }
0x80: {  	_ =	shalt  }
0x81: {  	_ =	shalt  }
0x82: {  	_ =	shalt  }
0x83: {  	_ =	shalt  }
0x84: {  	_ =	shalt  }
0x85: {  	_ =	shalt  }
0x86: {  	_ =	shalt  }
0x87: {  	_ =	shalt  }
.Lfunc_end0:
.L_simem_size_0:
called_computation_lowered:
.L_overlay_start_0:
0x88: {  	s2 =	sld [smem:$0x3FD9]  }
0x89: {  	s3 =	sld [smem:$0x3FFE];
	_ =	sdelay $0x1  }
0x8a: {  	s1 =	srdreg.scid  }
0x8b: {  	s0 =	sand.u32 $0x1, s1  }
0x8c: {  	s17 =	sshll.u32 s0, $0xA;
	s2 =	sadd.s32 s3, s2  }
0x8d: {  	s2 =	sadd.s32 s2, s17  }
0x8e: {  	[smem:$0x3FC2] =	sst s2  }
0x8f: {  	_ = 	snop  }
0x90: {  	s2 =	sld [smem:$0x3FD0];
	(tm) =	ssettm $0x1  }
0x91: {  	s18 =	sld [smem:$0x3FFB];
	_ =	sdelay $0x3  }
0x92: {  	_ =	strace s18  }
0x93: {  	s3 =	sld [smem:$0x3FFC];
	_ =	sdelay $0x3  }
0x94: {  	_ =	strace s3  }
0x95: {  	s3 =	sld [smem:$0x3FFD];
	_ =	sdelay $0x3  }
0x96: {  	_ =	strace s3  }
0x97: {  	_ =	strace $0x8FFFFFFF  }
0x98: {  	s19 =	sld [smem:$0x3FDB];
	_ =	sdelay $0x1  }
0x99: {  	s4 =	simm.s32 $_scs_section_size  }
0x9a: {  	s5 =	simm.s32 $_size__tile_overlayer_lowered;
	s6 =	simm.s32 $_tile_overlayer_lowered  }
0x9b: {  	s22 =	simm.s32 $0x1BFF;
	s21 =	sshll.u32 s6, $0x1;
	s3 =	sadd.s32 s4, s19  }
0x9c: {  	s7 =	simm.s32 $0x0;
	s20 =	sshll.u32 s5, $0x1;
	s5 =	sadd.s32 s21, s3  }
0x9d: {  	[timem:s7], [sflag:s22] =	dma.local [hbm:s5], s20  }
0x9e: {  	_ =	swait.ge [sflag:s22], s20  }
0x9f: {  	s4 =	ssub.s32 $0x0, s20;
	[sflag:s22] =	ssyncset.done $0x0  }
0xa0: {  	[sflag:s22] =	ssyncadd.s32 s4;
	_ =	sdelay $0x1  }
0xa1: {  	s23 =	simm.s32 $0x1B8B  }
0xa2: {  	_ =	swait.ge [sflag:s23], $0x1  }
0xa3: {  	[sflag:s23] =	ssyncset.done $0x0  }
0xa4: {  	s25 =	simm.s32 $0x1B8E;
	s24 =	sld [smem:$0x3FFE];
	[sflag:s23] =	ssyncadd.s32 $0xFFFFFFFF  }
0xa5: {  	s26 =	simm.s32 $execute0_lowered;
	[smem:$0x3FD2] =	sst s25  }
0xa6: {  	s5 =	sshll.u32 s26, $0x1;
	_ =	strace $0x80000046;
	[dreg:$0x1] =	wrdreg $0xFFFFFFFF  }
0xa7: {  	s28 =	simm.s32 $_size_execute0_lowered;
	s3 =	sadd.s32 s3, s5;
	[dreg:$0x0] =	wrdreg $0x0  }
0xa8: {  	s5 =	sshll.u32 s28, $0x1;
	[dreg:$0x2] =	wrdreg s3  }
0xa9: {  	[dreg:$0x3] =	wrdreg s5  }
0xaa: {  	[dreg:$0x4] =	wrdreg $0xC0  }
0xab: {  	_ =	task [dreg:s7], $0x5FFFF  }
0xac: {  	[dreg:$0x1] =	wrdreg $0xFFFFFFFF  }
0xad: {  	[dreg:$0x0] =	wrdreg $0x60  }
0xae: {  	[dreg:$0x2] =	wrdreg s24  }
0xaf: {  	[dreg:$0x3] =	wrdreg s2  }
0xb0: {  	[dreg:$0x4] =	wrdreg $0x0  }
0xb1: {  	[dreg:$0x5] =	wrdreg $0x9  }
0xb2: {  	_ =	task.clear_ibuf [dreg:s7], $0x6FFFF;
	_ =	strace $0x90000046  }
0xb3: {  	s29 =	simm.s32 $0x9;
	_ =	strace $0x80000048  }
0xb4: {  	_ =	swait.ge [sflag:s29], $0x1  }
0xb5: {  	[sflag:s29] =	ssyncadd.s32 $0xFFFFFFFF  }
0xb6: {  	_ =	strace $0x90000048  }
0xb7: {  	_ =	sfence  }
0xb8: {  	s30 =	sld [smem:$0x0];
	_ =	sdelay $0x2  }
0xb9: {  	s31 =	sshll.u32 s1, $0xD;
	s1 =	sshrl.u32 s1, $0x2  }
0xba: {  	s3 =	sand.u32 $0x4000, s31;
	s1 =	sadd.s32 s1, s30  }
0xbb: {  	s0 =	sor.u32 s3, s0;
	s1 =	sshll.u32 s1, $0x11  }
0xbc: {  	s0 =	sor.u32 s1, s0  }
0xbd: {  	s0 =	sadd.s32 $0x8F2B, s0  }
0xbe: {  	[sflag:s0] =	ssyncadd.remote.s32 $0x1  }
0xbf: {  	_ =	sfence.sel $0xFFFF  }
0xc0: {  	[dreg:$0x0] =	wrdreg $0xFFFFFFFF;
	(pc) =	sbr.abs _section_cstart, $3  }
0xc1: {  	[dreg:$0x1] =	wrdreg $0xFFFFFFFF  }
0xc2: {  	_ =	task.clear_ibuf [dreg:s7], $0x2FFFF;
	_ =	strace $0x9FFFFFFF  }
0xc3: {  	(tm) =	ssettm $0x7FFFFFFF  }
tec
execute0_lowered:
.L_overlay_start_1:
0x0: {  	(tag) =	ssettag $0x1  }
0x1: {  	s1 =	rddreg [dreg:$0x0];
	s2 =	srdreg.scid  }
0x2: {  	s0 =	rddreg [dreg:$0x1];
	s14 =	stileid.u32;
	s3 =	simm.s32 $0x0  }
0x3: {  	s29 =	simm.s32 $0x14080;
	s30 =	simm.s32 $0xE;
	s31 =	simm.s32 $0x9  }
0x4: {  	s28 =	simm.s32 $0xC;
	s4 =	sand.u32 $0x1, s2;
	s2 =	rddreg [dreg:$0x2]  }
0x5: {  	[smem:$0x7FF] =	sst s3;
	s6 =	sadd.s32 $0x4EA00, s1;
	s5 =	sshll.u32 s4, $0x4  }
0x6: {  	s13 =	smul.u32 $0x4DD0, s14;
	p1 =	sne.s32 s14, $0xF;
	s5 =	sor.u32 s14, s5  }
0x7: {  	p2 =	seq.s32 s14, $0xF;
	s9 =	ssub.s32 $0x2, s4;
	s7 =	smul.u32 $0x50, s5  }
0x8: {  	_ =	strace $0x80000047;
	s10 =	sshrl.u32 s9, $0x1;
	s8 =	smul.u32 $0x4DD0, s5  }
0x9: {  	s19 =	smul.u32 $0x4DD00, s4;
	p0 =	seq.s32 s4, $0x1;
	s5 =	ssub.s32 s9, s10  }
0xa: {  	s11 =	sshrl.u32 s7, $0x3;
	s7 =	sadd.s32 $0x62400, s1;
	s18 =	sadd.s32 $0x78, s8  }
0xb: {  	s22 =	sadd.s32 $0x168, s8;
	s16 =	sadd.s32 $0x13740, s11;
	s10 =	sshrl.u32 s18, $0x3  }
0xc: {  	s11 =	sadd.s32 s13, s19;
	s17 =	sadd.s32 s6, s16;
	s9 =	sadd.s32 s7, s16  }
0xd: {  	s12 =	sadd.s32 s6, s10;
	s10 =	sadd.s32 s7, s10;
	[dreg:$0x10] =	wrdreg s17  }
0xe: {  	s13 =	sadd.s32 $0x708, s11;
	s15 =	sadd.s32 $0x690, s11;
	[dreg:$0x11] =	wrdreg s9  }
0xf: {  	s18 =	sadd.s32 $0x618, s11;
	[dreg:$0x13] =	wrdreg s10;
	s10 =	sshrl.u32 s22, $0x3  }
0x10: {  	s9 =	sshrl.u32 s8, $0x3;
	[dreg:$0x12] =	wrdreg s12;
	s23 =	sadd.s32 s6, s10  }
0x11: {  	s26 =	sshrl.u32 s13, $0x3;
	s10 =	sadd.s32 s7, s10;
	[dreg:$0x16] =	wrdreg s23  }
0x12: {  	s16 =	sshrl.u32 s15, $0x3;
	s13 =	sadd.s32 s26, s7;
	[dreg:$0x17] =	wrdreg s10  }
0x13: {  	s22 =	sadd.s32 $0x5A0, s11;
	s17 =	sadd.s32 s16, s7;
	[dreg:$0x4] =	wrdreg s13  }
0x14: {  	s20 =	sadd.s32 $0x1E, s9;
	s19 =	sadd.s32 s16, s6;
	[dreg:$0x6] =	wrdreg s17  }
0x15: {  	s24 =	sadd.s32 $0x3C, s9;
	s21 =	sadd.s32 s6, s20;
	[dreg:$0x7] =	wrdreg s19  }
0x16: {  	s16 =	sadd.s32 $0x258, s8;
	s12 =	sadd.s32 s7, s20;
	[dreg:$0x14] =	wrdreg s21  }
0x17: {  	s25 =	sadd.s32 s6, s24;
	s10 =	sadd.s32 s26, s6;
	[dreg:$0x15] =	wrdreg s12  }
0x18: {  	s20 =	sshrl.u32 s18, $0x3;
	s26 =	sadd.s32 $0x528, s11;
	[dreg:$0x18] =	wrdreg s25  }
0x19: {  	s13 =	sshrl.u32 s16, $0x3;
	s12 =	sadd.s32 s7, s24;
	[dreg:$0x5] =	wrdreg s10  }
0x1a: {  	s18 =	sadd.s32 $0x4B0, s11;
	s21 =	sadd.s32 s20, s7;
	[dreg:$0x19] =	wrdreg s12  }
0x1b: {  	s23 =	sadd.s32 s20, s6;
	s24 =	sshrl.u32 s22, $0x3;
	[dreg:$0x8] =	wrdreg s21  }
0x1c: {  	s15 =	sshrl.u32 s26, $0x3;
	s19 =	sadd.s32 s6, s13;
	[dreg:$0x9] =	wrdreg s23  }
0x1d: {  	s10 =	sshrl.u32 s18, $0x3;
	s25 =	sadd.s32 s24, s7;
	[dreg:$0x1a] =	wrdreg s19  }
0x1e: {  	s12 =	sadd.s32 s24, s6;
	s17 =	sadd.s32 s15, s7;
	[dreg:$0xa] =	wrdreg s25  }
0x1f: {  	s20 =	sadd.s32 s15, s6;
	s21 =	sadd.s32 s7, s13;
	[dreg:$0xb] =	wrdreg s12  }
0x20: {  	s22 =	sadd.s32 s10, s7;
	s23 =	sadd.s32 $0x5A, s9;
	[dreg:$0xc] =	wrdreg s17  }
0x21: {  	s24 =	sadd.s32 $0x348, s8;
	s13 =	sadd.s32 s7, s9;
	[dreg:$0x1b] =	wrdreg s21  }
0x22: {  	s8 =	sadd.s32 $0x438, s8;
	s16 =	sadd.s32 s10, s6;
	[dreg:$0xd] =	wrdreg s20  }
0x23: {  	s19 =	smul.u32 $0x2700, s14;
	s10 =	simm.s32 $0x13900;
	[dreg:$0xe] =	wrdreg s22  }
0x24: {  	s25 =	sadd.s32 s6, s23;
	s11 =	sadd.s32 s7, s23;
	[smem:$0x7F0] =	sst s13  }
0x25: {  	s26 =	sshrl.u32 s24, $0x3;
	s8 =	sshrl.u32 s8, $0x3;
	[dreg:$0xf] =	wrdreg s16  }
0x26: {  	s17 =	smul.u32 $0x4E000, s14;
	s20 =	sadd.s32 $0x75E00, s1;
	[dreg:$0x1c] =	wrdreg s25  }
0x27: {  	s24 =	smax.u32 s5, $0x1;
	s13 =	simm.s32 $0x1;
	[dreg:$0x1d] =	wrdreg s11  }
0x28: {  	s14 =	simm.s32 $0x78;
	s16 =	simm.s32 $0x2;
	[smem:$0x7F8] =	sst s20  }
0x29: {  	s12 =	sadd.s32 s6, s26;
	s11 =	sadd.s32 s7, s26;
	[smem:$0x7FC] =	sst s24  }
0x2a: {  	s26 =	sadd.s32 $0x800, s1;
	s1 =	sadd.s32 $0x9D000, s1;
	[dreg:$0x1e] =	wrdreg s12  }
0x2b: {  	s21 =	sadd.s32 s0, s19;
	s0 =	sadd.s32 $0x27000, s0;
	[dreg:$0x1f] =	wrdreg s11  }
0x2c: {  	s22 =	sadd.s32 s20, s19;
	s25 =	sadd.s32 $0x138000, s2;
	[smem:$0x7F6] =	sst s21  }
0x2d: {  	s24 =	simm.s32 $0x8;
	s20 =	simm.s32 $0x0;
	[smem:$0x7F7] =	sst s0  }
0x2e: {  	s12 =	sadd.s32 s6, s9;
	s9 =	sadd.s32 $0x78, s9;
	[smem:$0x7F9] =	sst s22  }
0x2f: {  	s18 =	sshrl.u32 s17, $0x2;
	[smem:$0x7FA] =	sst s1;
	s23 =	sadd.s32 s1, s19  }
0x30: {  	[smem:$0x7FD] =	sst s25;
	s11 =	simm.s32 $0x13D00;
	s21 =	simm.s32 $0x13E00  }
0x31: {  	s17 =	simm.s32 $0x17C80;
	s19 =	simm.s32 $0x7;
	s22 =	simm.s32 $0x3  }
0x32: {  	s25 =	simm.s32 $0xA;
	s0 =	simm.s32 $0xB;
	[smem:$0x7EF] =	sst s12  }
0x33: {  	s1 =	simm.s32 $0x5;
	s15 =	sadd.s32 s6, s9;
	[smem:$0x7FB] =	sst s23  }
0x34: {  	s9 =	sadd.s32 s7, s9;
	s6 =	sadd.s32 s6, s8;
	[smem:$0x7F1] =	sst s15  }
.Ltmp0:
0x35: {  	s7 =	sadd.s32 s7, s8;
	[smem:$0x7F2] =	sst s9;
	(pc) =	sbr.rel .LBB2_1-.Ltmp0, $4  }
0x36: {  	s4 =	sadd.s32 s18, s2;
	s8 =	simm.s32 $0x1F500;
	[smem:$0x7F3] =	sst s6  }
0x37: {  	s12 =	simm.s32 $0x13D80;
	s23 =	simm.s32 $0x1B880;
	[smem:$0x7F4] =	sst s7  }
0x38: {  	s18 =	simm.s32 $0x6;
	[smem:$0x7F5] =	sst s4;
	s7 =	simm.s32 $0x1F480  }
0x39: {  	s6 =	simm.s32 $0x13880;
	s9 =	simm.s32 $0x13C80;
	s4 =	simm.s32 $0x4  }
.LBB2_6:
0x3a: {  	s6 =	sld [smem:$0x7FD];
	_ =	sdelay $0x2  }
0x3b: {  	s5 =	sadd.s32 $0x27000, s5;
	s6 =	sshrl.u32 s6, $0x3  }
0x3c: {  	[hbm:s5], [sflag:s10] =	dma.local [spmem:s6], $0x100  }
0x3d: {  	_ =	swait.ge [sflag:s30], $0x100  }
0x3e: {  	[sflag:s30] =	ssyncset.done $0x0  }
0x3f: {  	[sflag:s30] =	ssyncadd.s32 $0xFFFFFF00  }
.LBB2_7:
0x40: {  	s5 =	sld [smem:$0x7FC];
	_ =	sdelay $0x1  }
0x41: {  	s20 =	sadd.s32 $0x1, s20  }
0x42: {  	p3 =	sne.s32 s20, s5  }
.Ltmp1:
0x43: {  	_ = 	snop;
	(pc) =	sbr.rel @!p3 .LBB2_8-.Ltmp1, $2  }
0x44: {  	_ =	sdelay $0x2  }
0x45: {  	s6 =	simm.s32 $0x13880;
	s10 =	simm.s32 $0x13900  }
.LBB2_1:
0x46: {  	[smem:$0x7EC] =	sst s20  }
0x47: {  	s5 =	rddreg [dreg:$0x10]  }
0x48: {  	s15 =	sld [smem:$0x7EF]  }
0x49: {  	[tilespmem:s7], [sflag:$0xD] =	stream.linear.gather [hbm4b:s5+s3], $0x50, $0x38;
	[tilespmem:$0x1F580] =	vst v63  }
0x4a: {  	s7 =	rddreg [dreg:$0x11]  }
0x4b: {  	[tilespmem:s8], [sflag:$0xD] =	stream.linear.gather [hbm4b:s7+s3], $0x50, $0x38;
	[tilespmem:$0x1F580] =	vst v63  }
0x4c: {  	s20 =	sld [smem:$0x7F0]  }
0x4d: {  	[tilespmem:s6], [sflag:$0x1] =	stream.linear.gather [hbm4b:s15+s3], $0x78, $0x38;
	[tilespmem:$0x1F580] =	vst v63  }
0x4e: {  	_ = 	snop  }
0x4f: {  	[tilespmem:s9], [sflag:$0x1] =	stream.linear.gather [hbm4b:s20+s3], $0x78, $0x38;
	[tilespmem:$0x1F580] =	vst v63  }
0x50: {  	s7 =	rddreg [dreg:$0x12]  }
0x51: {  	[tilespmem:s10], [sflag:$0x2] =	stream.linear.gather [hbm4b:s7+s3], $0x78, $0x38;
	[tilespmem:$0x1F580] =	vst v63  }
0x52: {  	s8 =	rddreg [dreg:$0x13]  }
0x53: {  	[tilespmem:s11], [sflag:$0x2] =	stream.linear.gather [hbm4b:s8+s3], $0x78, $0x38;
	[tilespmem:$0x1F580] =	vst v63  }
0x54: {  	s9 =	rddreg [dreg:$0x14];
	s20 =	simm.s32 $0x13980  }
0x55: {  	[tilespmem:s20], [sflag:$0x3] =	stream.linear.gather [hbm4b:s9+s3], $0x78, $0x38;
	[tilespmem:$0x1F580] =	vst v63  }
0x56: {  	s15 =	rddreg [dreg:$0x15]  }
0x57: {  	[tilespmem:s12], [sflag:$0x3] =	stream.linear.gather [hbm4b:s15+s3], $0x78, $0x38;
	[tilespmem:$0x1F580] =	vst v63  }
0x58: {  	s11 =	simm.s32 $0x13A00;
	s8 =	rddreg [dreg:$0x16]  }
0x59: {  	[tilespmem:s11], [sflag:$0x4] =	stream.linear.gather [hbm4b:s8+s3], $0x78, $0x38;
	[tilespmem:$0x1F580] =	vst v63  }
0x5a: {  	s9 =	rddreg [dreg:$0x17]  }
0x5b: {  	[tilespmem:s21], [sflag:$0x4] =	stream.linear.gather [hbm4b:s9+s3], $0x78, $0x38;
	[tilespmem:$0x1F580] =	vst v63  }
0x5c: {  	_ =	swait.ge [sflag:s13], $0x78  }
0x5d: {  	[sflag:s13] =	ssyncset.done $0x0  }
0x5e: {  	[sflag:s13] =	ssyncadd.s32 $0xFFFFFF88  }
0x5f: {  	_ =	swait.ge [sflag:s13], $0x78  }
0x60: {  	[sflag:s13] =	ssyncset.done $0x0  }
0x61: {  	[sflag:s13] =	ssyncadd.s32 $0xFFFFFF88  }
0x62: {  	[tilespmem:s29], [sflag:$0x7] =	stream.indirect.gather [hbm4b:s26+s14], $0x80, s6, s14, $0xb8;
	[tilespmem:$0x1F580] =	vst v63  }
0x63: {  	_ =	swait.ge [sflag:s16], $0x78  }
0x64: {  	[sflag:s16] =	ssyncset.done $0x0  }
0x65: {  	[sflag:s16] =	ssyncadd.s32 $0xFFFFFF88  }
0x66: {  	_ =	swait.ge [sflag:s16], $0x78  }
0x67: {  	[sflag:s16] =	ssyncset.done $0x0;
	s12 =	sld [smem:$0x7F5]  }
0x68: {  	s11 =	stileid.u32;
	s21 =	sld [smem:$0x7F6];
	[sflag:s16] =	ssyncadd.s32 $0xFFFFFF88  }
0x69: {  	[tilespmem:s17], [sflag:$0x8] =	stream.indirect.gather [hbm4b:s26+s14], $0x80, s10, s14, $0xb8;
	[tilespmem:$0x1F580] =	vst v63  }
0x6a: {  	s5 =	sshll.u32 s11, $0x6;
	s15 =	sshrl.u32 s12, $0x3  }
0x6b: {  	s7 =	sor.u32 $0x1C0E, s5;
	[smem:$0x7ED] =	sst s15  }
0x6c: {  	[spmem:s15], [sflag:s7] =	dma.local [hbm:s21], $0x2700  }
0x6d: {  	_ =	swait.ge [sflag:s30], $0x2700  }
0x6e: {  	s5 =	sld [smem:$0x7FD]  }
0x6f: {  	s6 =	sld [smem:$0x7F7]  }
0x70: {  	[sflag:s30] =	ssyncset.done $0x0  }
0x71: {  	[smem:$0x7EE] =	sst s7;
	[sflag:s30] =	ssyncadd.s32 $0xFFFFD900;
	s5 =	sshrl.u32 @!p1 s5, $0x3  }
0x72: {  	[spmem:s5], [sflag:s7] =	dma.local @!p1 [hbm:s6], $0x100  }
0x73: {  	s5 =	simm.s32 @!p1 $0xE  }
0x74: {  	_ =	swait.ge @!p1 [sflag:s5], $0x100  }
0x75: {  	[sflag:s5] =	ssyncset.done @!p1 $0x0  }
0x76: {  	[sflag:s5] =	ssyncadd.s32 @!p1 $0xFFFFFF00  }
0x77: {  	[bflag:$0x0] =	sbarrier.arrive $0xFFFF  }
0x78: {  	_ =	swait.ge [sflag:s19], $0x3C00  }
0x79: {  	[sflag:s19] =	ssyncset.done $0x0  }
0x7a: {  	s12 =	simm.s32 $0x13C80;
	[sflag:s19] =	ssyncadd.s32 $0xFFFFC400  }
0x7b: {  	[spmem:s2] =	stream.indirect.scatter.add.f32 [tilespmem:s29], [sflag:$0xA], $0x80, s12, s14, $0xb8;
	[tilespmem:$0x1F580] =	vst v63  }
0x7c: {  	s11 =	simm.s32 $0x13A80;
	s30 =	rddreg [dreg:$0x18]  }
0x7d: {  	[tilespmem:s11], [sflag:$0x5] =	stream.linear.gather [hbm4b:s30+s3], $0x78, $0x38;
	[tilespmem:$0x1F580] =	vst v63  }
0x7e: {  	s21 =	simm.s32 $0x13E80;
	s6 =	rddreg [dreg:$0x19]  }
0x7f: {  	[tilespmem:s21], [sflag:$0x5] =	stream.linear.gather [hbm4b:s6+s3], $0x78, $0x38;
	[tilespmem:$0x1F580] =	vst v63  }
0x80: {  	_ =	swait.ge [sflag:s22], $0x78  }
0x81: {  	[sflag:s22] =	ssyncset.done $0x0  }
0x82: {  	[sflag:s22] =	ssyncadd.s32 $0xFFFFFF88  }
0x83: {  	_ =	swait.ge [sflag:s22], $0x78  }
0x84: {  	[sflag:s22] =	ssyncset.done $0x0  }
0x85: {  	[sflag:s22] =	ssyncadd.s32 $0xFFFFFF88  }
0x86: {  	[tilespmem:s23], [sflag:$0x9] =	stream.indirect.gather [hbm4b:s26+s14], $0x80, s20, s14, $0xb8;
	[tilespmem:$0x1F580] =	vst v63  }
0x87: {  	_ =	swait.ge [sflag:s24], $0x3C00  }
0x88: {  	[sflag:s24] =	ssyncset.done $0x0  }
0x89: {  	s15 =	simm.s32 $0x13D00;
	[sflag:s24] =	ssyncadd.s32 $0xFFFFC400  }
0x8a: {  	[spmem:s2] =	stream.indirect.scatter.add.f32 [tilespmem:s17], [sflag:$0xB], $0x80, s15, s14, $0xb8;
	[tilespmem:$0x1F580] =	vst v63  }
0x8b: {  	_ =	swait.ge [sflag:s25], $0x3C00  }
0x8c: {  	[sflag:s25] =	ssyncset.done $0x0  }
0x8d: {  	s30 =	simm.s32 $0x13B00;
	s7 =	rddreg [dreg:$0x1a];
	[sflag:s25] =	ssyncadd.s32 $0xFFFFC400  }
0x8e: {  	[tilespmem:s30], [sflag:$0x6] =	stream.linear.gather [hbm4b:s7+s3], $0x78, $0x38;
	[tilespmem:$0x1F580] =	vst v63  }
0x8f: {  	s10 =	simm.s32 $0x13F00;
	s9 =	rddreg [dreg:$0x1b]  }
0x90: {  	[tilespmem:s10], [sflag:$0x6] =	stream.linear.gather [hbm4b:s9+s3], $0x78, $0x38;
	[tilespmem:$0x1F580] =	vst v63  }
0x91: {  	_ =	swait.ge [sflag:s4], $0x78  }
0x92: {  	[sflag:s4] =	ssyncset.done $0x0  }
0x93: {  	[sflag:s4] =	ssyncadd.s32 $0xFFFFFF88  }
0x94: {  	_ =	swait.ge [sflag:s4], $0x78  }
0x95: {  	[sflag:s4] =	ssyncset.done $0x0  }
0x96: {  	s9 =	simm.s32 $0x13A00;
	[sflag:s4] =	ssyncadd.s32 $0xFFFFFF88  }
0x97: {  	[tilespmem:s29], [sflag:$0x7] =	stream.indirect.gather [hbm4b:s26+s14], $0x80, s9, s14, $0xb8;
	[tilespmem:$0x1F580] =	vst v63  }
0x98: {  	_ =	swait.ge [sflag:s31], $0x3C00  }
0x99: {  	[sflag:s31] =	ssyncset.done $0x0  }
0x9a: {  	s8 =	simm.s32 $0x13D80;
	[sflag:s31] =	ssyncadd.s32 $0xFFFFC400  }
0x9b: {  	[spmem:s2] =	stream.indirect.scatter.add.f32 [tilespmem:s23], [sflag:$0xC], $0x80, s8, s14, $0xb8;
	[tilespmem:$0x1F580] =	vst v63  }
0x9c: {  	_ =	swait.ge [sflag:s0], $0x3C00  }
0x9d: {  	[sflag:s0] =	ssyncset.done $0x0  }
0x9e: {  	s8 =	simm.s32 $0x13880;
	s6 =	rddreg [dreg:$0x1c];
	[sflag:s0] =	ssyncadd.s32 $0xFFFFC400  }
0x9f: {  	[tilespmem:s8], [sflag:$0x1] =	stream.linear.gather [hbm4b:s6+s3], $0x78, $0x38;
	[tilespmem:$0x1F580] =	vst v63  }
0xa0: {  	s7 =	rddreg [dreg:$0x1d]  }
0xa1: {  	[tilespmem:s12], [sflag:$0x1] =	stream.linear.gather [hbm4b:s7+s3], $0x78, $0x38;
	[tilespmem:$0x1F580] =	vst v63  }
0xa2: {  	_ =	swait.ge [sflag:s1], $0x78  }
0xa3: {  	[sflag:s1] =	ssyncset.done $0x0  }
0xa4: {  	[sflag:s1] =	ssyncadd.s32 $0xFFFFFF88  }
0xa5: {  	_ =	swait.ge [sflag:s1], $0x78  }
0xa6: {  	[sflag:s1] =	ssyncset.done $0x0  }
0xa7: {  	[sflag:s1] =	ssyncadd.s32 $0xFFFFFF88  }
0xa8: {  	[tilespmem:s17], [sflag:$0x8] =	stream.indirect.gather [hbm4b:s26+s14], $0x80, s11, s14, $0xb8;
	[tilespmem:$0x1F580] =	vst v63  }
0xa9: {  	_ =	swait.ge [sflag:s19], $0x3C00  }
0xaa: {  	[sflag:s19] =	ssyncset.done $0x0  }
0xab: {  	s6 =	simm.s32 $0x13E00;
	[sflag:s19] =	ssyncadd.s32 $0xFFFFC400  }
0xac: {  	[spmem:s2] =	stream.indirect.scatter.add.f32 [tilespmem:s29], [sflag:$0xA], $0x80, s6, s14, $0xb8;
	[tilespmem:$0x1F580] =	vst v63  }
0xad: {  	_ =	swait.ge [sflag:s28], $0x3C00  }
0xae: {  	[sflag:s28] =	ssyncset.done $0x0  }
0xaf: {  	s7 =	simm.s32 $0x13900;
	s5 =	rddreg [dreg:$0x1e];
	[sflag:s28] =	ssyncadd.s32 $0xFFFFC400  }
0xb0: {  	[tilespmem:s7], [sflag:$0x2] =	stream.linear.gather [hbm4b:s5+s3], $0x78, $0x38;
	[tilespmem:$0x1F580] =	vst v63  }
0xb1: {  	s5 =	rddreg [dreg:$0x1f]  }
0xb2: {  	[tilespmem:s15], [sflag:$0x2] =	stream.linear.gather [hbm4b:s5+s3], $0x78, $0x38;
	[tilespmem:$0x1F580] =	vst v63  }
0xb3: {  	_ =	swait.ge [sflag:s18], $0x78  }
0xb4: {  	[sflag:s18] =	ssyncset.done $0x0  }
0xb5: {  	[sflag:s18] =	ssyncadd.s32 $0xFFFFFF88  }
0xb6: {  	_ =	swait.ge [sflag:s18], $0x78  }
0xb7: {  	[sflag:s18] =	ssyncset.done $0x0  }
0xb8: {  	[sflag:s18] =	ssyncadd.s32 $0xFFFFFF88  }
0xb9: {  	[tilespmem:s23], [sflag:$0x9] =	stream.indirect.gather [hbm4b:s26+s14], $0x80, s30, s14, $0xb8;
	[tilespmem:$0x1F580] =	vst v63  }
0xba: {  	_ =	swait.ge [sflag:s24], $0x3C00  }
0xbb: {  	[sflag:s24] =	ssyncset.done $0x0  }
0xbc: {  	[sflag:s24] =	ssyncadd.s32 $0xFFFFC400  }
0xbd: {  	[spmem:s2] =	stream.indirect.scatter.add.f32 [tilespmem:s17], [sflag:$0xB], $0x80, s21, s14, $0xb8;
	[tilespmem:$0x1F580] =	vst v63  }
0xbe: {  	_ =	swait.ge [sflag:s25], $0x3C00  }
0xbf: {  	s5 =	sld [smem:$0x7F1]  }
0xc0: {  	[sflag:s25] =	ssyncset.done $0x0  }
0xc1: {  	[sflag:s25] =	ssyncadd.s32 $0xFFFFC400  }
0xc2: {  	[tilespmem:s20], [sflag:$0x3] =	stream.linear.gather [hbm4b:s5+s3], $0x78, $0x38;
	[tilespmem:$0x1F580] =	vst v63  }
0xc3: {  	s5 =	sld [smem:$0x7F2];
	_ =	sdelay $0x1  }
0xc4: {  	s10 =	simm.s32 $0x13D80  }
0xc5: {  	[tilespmem:s10], [sflag:$0x3] =	stream.linear.gather [hbm4b:s5+s3], $0x78, $0x38;
	[tilespmem:$0x1F580] =	vst v63  }
0xc6: {  	_ =	swait.ge [sflag:s13], $0x78  }
0xc7: {  	[sflag:s13] =	ssyncset.done $0x0  }
0xc8: {  	[sflag:s13] =	ssyncadd.s32 $0xFFFFFF88  }
0xc9: {  	_ =	swait.ge [sflag:s13], $0x78  }
0xca: {  	[sflag:s13] =	ssyncset.done $0x0  }
0xcb: {  	[sflag:s13] =	ssyncadd.s32 $0xFFFFFF88  }
0xcc: {  	[tilespmem:s29], [sflag:$0x7] =	stream.indirect.gather [hbm4b:s26+s14], $0x80, s8, s14, $0xb8;
	[tilespmem:$0x1F580] =	vst v63  }
0xcd: {  	_ =	swait.ge [sflag:s31], $0x3C00  }
0xce: {  	[sflag:s31] =	ssyncset.done $0x0  }
0xcf: {  	s8 =	simm.s32 $0x13F00;
	[sflag:s31] =	ssyncadd.s32 $0xFFFFC400  }
0xd0: {  	[spmem:s2] =	stream.indirect.scatter.add.f32 [tilespmem:s23], [sflag:$0xC], $0x80, s8, s14, $0xb8;
	[tilespmem:$0x1F580] =	vst v63  }
0xd1: {  	_ =	swait.ge [sflag:s0], $0x3C00  }
0xd2: {  	s5 =	sld [smem:$0x7F3]  }
0xd3: {  	[sflag:s0] =	ssyncset.done $0x0  }
0xd4: {  	[sflag:s0] =	ssyncadd.s32 $0xFFFFC400  }
0xd5: {  	[tilespmem:s9], [sflag:$0x4] =	stream.linear.gather [hbm4b:s5+s3], $0x78, $0x38;
	[tilespmem:$0x1F580] =	vst v63  }
0xd6: {  	s5 =	sld [smem:$0x7F4];
	_ =	sdelay $0x2  }
0xd7: {  	[tilespmem:s6], [sflag:$0x4] =	stream.linear.gather [hbm4b:s5+s3], $0x78, $0x38;
	[tilespmem:$0x1F580] =	vst v63  }
0xd8: {  	_ =	swait.ge [sflag:s16], $0x78  }
0xd9: {  	[sflag:s16] =	ssyncset.done $0x0  }
0xda: {  	[sflag:s16] =	ssyncadd.s32 $0xFFFFFF88  }
0xdb: {  	_ =	swait.ge [sflag:s16], $0x78  }
0xdc: {  	[sflag:s16] =	ssyncset.done $0x0  }
0xdd: {  	[sflag:s16] =	ssyncadd.s32 $0xFFFFFF88  }
0xde: {  	[tilespmem:s17], [sflag:$0x8] =	stream.indirect.gather [hbm4b:s26+s14], $0x80, s7, s14, $0xb8;
	[tilespmem:$0x1F580] =	vst v63  }
0xdf: {  	_ =	swait.ge [sflag:s19], $0x3C00  }
0xe0: {  	[sflag:s19] =	ssyncset.done $0x0  }
0xe1: {  	[sflag:s19] =	ssyncadd.s32 $0xFFFFC400  }
0xe2: {  	[spmem:s2] =	stream.indirect.scatter.add.f32 [tilespmem:s29], [sflag:$0xA], $0x80, s12, s14, $0xb8;
	[tilespmem:$0x1F580] =	vst v63  }
0xe3: {  	_ =	swait.ge [sflag:s28], $0x3C00  }
0xe4: {  	s6 =	rddreg [dreg:$0xf];
	[sflag:s28] =	ssyncset.done $0x0  }
0xe5: {  	s7 =	rddreg [dreg:$0xe];
	[sflag:s28] =	ssyncadd.s32 $0xFFFFC400;
	s5 =	sadd.s32 $0x0, s6  }
0xe6: {  	[tilespmem:s11], [sflag:$0x5] =	stream.linear.gather [hbm4b:s5+s3], $0x78, $0x38;
	[tilespmem:$0x1F580] =	vst v63  }
0xe7: {  	s7 =	sadd.s32 $0x0, s7  }
0xe8: {  	[tilespmem:s21], [sflag:$0x5] =	stream.linear.gather [hbm4b:s7+s3], $0x78, $0x38;
	[tilespmem:$0x1F580] =	vst v63  }
0xe9: {  	_ =	swait.ge [sflag:s22], $0x78  }
0xea: {  	[sflag:s22] =	ssyncset.done $0x0  }
0xeb: {  	[sflag:s22] =	ssyncadd.s32 $0xFFFFFF88  }
0xec: {  	_ =	swait.ge [sflag:s22], $0x78  }
0xed: {  	[sflag:s22] =	ssyncset.done $0x0  }
0xee: {  	[sflag:s22] =	ssyncadd.s32 $0xFFFFFF88  }
0xef: {  	[tilespmem:s23], [sflag:$0x9] =	stream.indirect.gather [hbm4b:s26+s14], $0x80, s20, s14, $0xb8;
	[tilespmem:$0x1F580] =	vst v63  }
0xf0: {  	_ =	swait.ge [sflag:s24], $0x3C00  }
0xf1: {  	[sflag:s24] =	ssyncset.done $0x0  }
0xf2: {  	[sflag:s24] =	ssyncadd.s32 $0xFFFFC400  }
0xf3: {  	[spmem:s2] =	stream.indirect.scatter.add.f32 [tilespmem:s17], [sflag:$0xB], $0x80, s15, s14, $0xb8;
	[tilespmem:$0x1F580] =	vst v63  }
0xf4: {  	_ =	swait.ge [sflag:s25], $0x3C00  }
0xf5: {  	s6 =	rddreg [dreg:$0xd];
	[sflag:s25] =	ssyncset.done $0x0  }
0xf6: {  	s7 =	rddreg [dreg:$0xc];
	[sflag:s25] =	ssyncadd.s32 $0xFFFFC400;
	s5 =	sadd.s32 $0x0, s6  }
0xf7: {  	[tilespmem:s30], [sflag:$0x6] =	stream.linear.gather [hbm4b:s5+s3], $0x78, $0x38;
	[tilespmem:$0x1F580] =	vst v63  }
0xf8: {  	s8 =	simm.s32 $0x13F00;
	s6 =	sadd.s32 $0x0, s7  }
0xf9: {  	[tilespmem:s8], [sflag:$0x6] =	stream.linear.gather [hbm4b:s6+s3], $0x78, $0x38;
	[tilespmem:$0x1F580] =	vst v63  }
0xfa: {  	_ =	swait.ge [sflag:s4], $0x78  }
0xfb: {  	[sflag:s4] =	ssyncset.done $0x0  }
0xfc: {  	[sflag:s4] =	ssyncadd.s32 $0xFFFFFF88  }
0xfd: {  	_ =	swait.ge [sflag:s4], $0x78  }
0xfe: {  	[sflag:s4] =	ssyncset.done $0x0  }
0xff: {  	s9 =	simm.s32 $0x13A00;
	[sflag:s4] =	ssyncadd.s32 $0xFFFFFF88  }
0x100: {  	[tilespmem:s29], [sflag:$0x7] =	stream.indirect.gather [hbm4b:s26+s14], $0x80, s9, s14, $0xb8;
	[tilespmem:$0x1F580] =	vst v63  }
0x101: {  	_ =	swait.ge [sflag:s31], $0x3C00  }
0x102: {  	[sflag:s31] =	ssyncset.done $0x0  }
0x103: {  	s10 =	simm.s32 $0x13D80;
	[sflag:s31] =	ssyncadd.s32 $0xFFFFC400  }
0x104: {  	[spmem:s2] =	stream.indirect.scatter.add.f32 [tilespmem:s23], [sflag:$0xC], $0x80, s10, s14, $0xb8;
	[tilespmem:$0x1F580] =	vst v63  }
0x105: {  	_ =	swait.ge [sflag:s0], $0x3C00  }
0x106: {  	s8 =	simm.s32 $0x13880;
	s7 =	rddreg [dreg:$0xb];
	[sflag:s0] =	ssyncset.done $0x0  }
0x107: {  	s6 =	rddreg [dreg:$0xa];
	[sflag:s0] =	ssyncadd.s32 $0xFFFFC400;
	s5 =	sadd.s32 $0x0, s7  }
0x108: {  	[tilespmem:s8], [sflag:$0x1] =	stream.linear.gather [hbm4b:s5+s3], $0x78, $0x38;
	[tilespmem:$0x1F580] =	vst v63  }
0x109: {  	s6 =	sadd.s32 $0x0, s6  }
0x10a: {  	[tilespmem:s12], [sflag:$0x1] =	stream.linear.gather [hbm4b:s6+s3], $0x78, $0x38;
	[tilespmem:$0x1F580] =	vst v63  }
0x10b: {  	_ =	swait.ge [sflag:s1], $0x78  }
0x10c: {  	[sflag:s1] =	ssyncset.done $0x0  }
0x10d: {  	[sflag:s1] =	ssyncadd.s32 $0xFFFFFF88  }
0x10e: {  	_ =	swait.ge [sflag:s1], $0x78  }
0x10f: {  	[sflag:s1] =	ssyncset.done $0x0  }
0x110: {  	[sflag:s1] =	ssyncadd.s32 $0xFFFFFF88  }
0x111: {  	[tilespmem:s17], [sflag:$0x8] =	stream.indirect.gather [hbm4b:s26+s14], $0x80, s11, s14, $0xb8;
	[tilespmem:$0x1F580] =	vst v63  }
0x112: {  	_ =	swait.ge [sflag:s19], $0x3C00  }
0x113: {  	[sflag:s19] =	ssyncset.done $0x0  }
0x114: {  	s8 =	simm.s32 $0x13E00;
	[sflag:s19] =	ssyncadd.s32 $0xFFFFC400  }
0x115: {  	[spmem:s2] =	stream.indirect.scatter.add.f32 [tilespmem:s29], [sflag:$0xA], $0x80, s8, s14, $0xb8;
	[tilespmem:$0x1F580] =	vst v63  }
0x116: {  	_ =	swait.ge [sflag:s28], $0x3C00  }
0x117: {  	s12 =	simm.s32 $0x13900;
	s11 =	rddreg [dreg:$0x9];
	[sflag:s28] =	ssyncset.done $0x0  }
0x118: {  	s6 =	rddreg [dreg:$0x8];
	[sflag:s28] =	ssyncadd.s32 $0xFFFFC400;
	s5 =	sadd.s32 $0x0, s11  }
0x119: {  	[tilespmem:s12], [sflag:$0x2] =	stream.linear.gather [hbm4b:s5+s3], $0x78, $0x38;
	[tilespmem:$0x1F580] =	vst v63  }
0x11a: {  	s12 =	sadd.s32 $0x0, s6  }
0x11b: {  	[tilespmem:s15], [sflag:$0x2] =	stream.linear.gather [hbm4b:s12+s3], $0x78, $0x38;
	[tilespmem:$0x1F580] =	vst v63  }
0x11c: {  	_ =	swait.ge [sflag:s18], $0x78  }
0x11d: {  	[sflag:s18] =	ssyncset.done $0x0  }
0x11e: {  	[sflag:s18] =	ssyncadd.s32 $0xFFFFFF88  }
0x11f: {  	_ =	swait.ge [sflag:s18], $0x78  }
0x120: {  	[sflag:s18] =	ssyncset.done $0x0  }
0x121: {  	[sflag:s18] =	ssyncadd.s32 $0xFFFFFF88  }
0x122: {  	[tilespmem:s23], [sflag:$0x9] =	stream.indirect.gather [hbm4b:s26+s14], $0x80, s30, s14, $0xb8;
	[tilespmem:$0x1F580] =	vst v63  }
0x123: {  	_ =	swait.ge [sflag:s24], $0x3C00  }
0x124: {  	[sflag:s24] =	ssyncset.done $0x0  }
0x125: {  	[sflag:s24] =	ssyncadd.s32 $0xFFFFC400  }
0x126: {  	[spmem:s2] =	stream.indirect.scatter.add.f32 [tilespmem:s17], [sflag:$0xB], $0x80, s21, s14, $0xb8;
	[tilespmem:$0x1F580] =	vst v63  }
0x127: {  	_ =	swait.ge [sflag:s25], $0x3C00  }
0x128: {  	s6 =	rddreg [dreg:$0x7];
	[sflag:s25] =	ssyncset.done $0x0  }
0x129: {  	s11 =	rddreg [dreg:$0x6];
	[sflag:s25] =	ssyncadd.s32 $0xFFFFC400;
	s5 =	sadd.s32 $0x0, s6  }
0x12a: {  	[tilespmem:s20], [sflag:$0x3] =	stream.linear.gather [hbm4b:s5+s3], $0x78, $0x38;
	[tilespmem:$0x1F580] =	vst v63  }
0x12b: {  	s10 =	simm.s32 $0x13D80;
	s12 =	sadd.s32 $0x0, s11  }
0x12c: {  	[tilespmem:s10], [sflag:$0x3] =	stream.linear.gather [hbm4b:s12+s3], $0x78, $0x38;
	[tilespmem:$0x1F580] =	vst v63  }
0x12d: {  	_ =	swait.ge [sflag:s13], $0x78  }
0x12e: {  	[sflag:s13] =	ssyncset.done $0x0  }
0x12f: {  	[sflag:s13] =	ssyncadd.s32 $0xFFFFFF88  }
0x130: {  	_ =	swait.ge [sflag:s13], $0x78  }
0x131: {  	[sflag:s13] =	ssyncset.done $0x0  }
0x132: {  	s7 =	simm.s32 $0x13880;
	[sflag:s13] =	ssyncadd.s32 $0xFFFFFF88  }
0x133: {  	[tilespmem:s29], [sflag:$0x7] =	stream.indirect.gather [hbm4b:s26+s14], $0x80, s7, s14, $0xb8;
	[tilespmem:$0x1F580] =	vst v63  }
0x134: {  	_ =	swait.ge [sflag:s31], $0x3C00  }
0x135: {  	[sflag:s31] =	ssyncset.done $0x0  }
0x136: {  	s15 =	simm.s32 $0x13F00;
	[sflag:s31] =	ssyncadd.s32 $0xFFFFC400  }
0x137: {  	[spmem:s2] =	stream.indirect.scatter.add.f32 [tilespmem:s23], [sflag:$0xC], $0x80, s15, s14, $0xb8;
	[tilespmem:$0x1F580] =	vst v63  }
0x138: {  	_ =	swait.ge [sflag:s0], $0x3C00  }
0x139: {  	s9 =	simm.s32 $0x13A00;
	s20 =	rddreg [dreg:$0x5];
	[sflag:s0] =	ssyncset.done $0x0  }
0x13a: {  	s21 =	rddreg [dreg:$0x4];
	[sflag:s0] =	ssyncadd.s32 $0xFFFFC400;
	s5 =	sadd.s32 $0x0, s20  }
0x13b: {  	[tilespmem:s9], [sflag:$0x4] =	stream.linear.gather [hbm4b:s5+s3], $0x78, $0x38;
	[tilespmem:$0x1F580] =	vst v63  }
0x13c: {  	s8 =	simm.s32 $0x13E00;
	s30 =	sadd.s32 $0x0, s21  }
0x13d: {  	[tilespmem:s8], [sflag:$0x4] =	stream.linear.gather [hbm4b:s30+s3], $0x78, $0x38;
	[tilespmem:$0x1F580] =	vst v63  }
0x13e: {  	_ =	swait.ge [sflag:s16], $0x78  }
0x13f: {  	[sflag:s16] =	ssyncset.done $0x0  }
0x140: {  	[sflag:s16] =	ssyncadd.s32 $0xFFFFFF88  }
0x141: {  	_ =	swait.ge [sflag:s16], $0x78  }
0x142: {  	[sflag:s16] =	ssyncset.done $0x0  }
0x143: {  	s5 =	simm.s32 $0x5A;
	[sflag:s16] =	ssyncadd.s32 $0xFFFFFF88  }
.LBB2_2:
0x144: {  	s20 =	simm.s32 $0x13900  }
0x145: {  	[tilespmem:s17], [sflag:$0x8] =	stream.indirect.gather [hbm4b:s26+s14], $0x80, s20, s14, $0xb8;
	[tilespmem:$0x1F580] =	vst v63  }
0x146: {  	_ =	swait.ge [sflag:s19], $0x3C00  }
0x147: {  	[sflag:s19] =	ssyncset.done $0x0  }
0x148: {  	s9 =	simm.s32 $0x13C80;
	[sflag:s19] =	ssyncadd.s32 $0xFFFFC400  }
0x149: {  	[spmem:s2] =	stream.indirect.scatter.add.f32 [tilespmem:s29], [sflag:$0xA], $0x80, s9, s14, $0xb8;
	[tilespmem:$0x1F580] =	vst v63  }
0x14a: {  	s6 =	smov.u32 s5;
	_ =	swait.ge [sflag:s28], $0x3C00  }
0x14b: {  	s30 =	simm.s32 $0x13A80;
	s7 =	rddreg [dreg:$0xf];
	[sflag:s28] =	ssyncset.done $0x0  }
0x14c: {  	s8 =	rddreg [dreg:$0xe];
	[sflag:s28] =	ssyncadd.s32 $0xFFFFC400;
	s7 =	sadd.s32 s6, s7  }
0x14d: {  	[tilespmem:s30], [sflag:$0x5] =	stream.linear.gather [hbm4b:s7+s3], $0x78, $0x38;
	[tilespmem:$0x1F580] =	vst v63  }
0x14e: {  	s16 =	simm.s32 $0x13E80;
	s11 =	sadd.s32 s6, s8  }
0x14f: {  	[tilespmem:s16], [sflag:$0x5] =	stream.linear.gather [hbm4b:s11+s3], $0x78, $0x38;
	[tilespmem:$0x1F580] =	vst v63  }
0x150: {  	_ =	swait.ge [sflag:s22], $0x78  }
0x151: {  	[sflag:s22] =	ssyncset.done $0x0  }
0x152: {  	[sflag:s22] =	ssyncadd.s32 $0xFFFFFF88  }
0x153: {  	_ =	swait.ge [sflag:s22], $0x78  }
0x154: {  	[sflag:s22] =	ssyncset.done $0x0  }
0x155: {  	s10 =	simm.s32 $0x13980;
	[sflag:s22] =	ssyncadd.s32 $0xFFFFFF88  }
0x156: {  	[tilespmem:s23], [sflag:$0x9] =	stream.indirect.gather [hbm4b:s26+s14], $0x80, s10, s14, $0xb8;
	[tilespmem:$0x1F580] =	vst v63  }
0x157: {  	_ =	swait.ge [sflag:s24], $0x3C00  }
0x158: {  	[sflag:s24] =	ssyncset.done $0x0  }
0x159: {  	s11 =	simm.s32 $0x13D00;
	[sflag:s24] =	ssyncadd.s32 $0xFFFFC400  }
0x15a: {  	[spmem:s2] =	stream.indirect.scatter.add.f32 [tilespmem:s17], [sflag:$0xB], $0x80, s11, s14, $0xb8;
	[tilespmem:$0x1F580] =	vst v63  }
0x15b: {  	_ =	swait.ge [sflag:s25], $0x3C00  }
0x15c: {  	s19 =	simm.s32 $0x13B00;
	s12 =	rddreg [dreg:$0xd];
	[sflag:s25] =	ssyncset.done $0x0  }
0x15d: {  	s13 =	rddreg [dreg:$0xc];
	[sflag:s25] =	ssyncadd.s32 $0xFFFFC400;
	s7 =	sadd.s32 s6, s12  }
0x15e: {  	[tilespmem:s19], [sflag:$0x6] =	stream.linear.gather [hbm4b:s7+s3], $0x78, $0x38;
	[tilespmem:$0x1F580] =	vst v63  }
0x15f: {  	s24 =	simm.s32 $0x13F00;
	s15 =	sadd.s32 s6, s13  }
0x160: {  	[tilespmem:s24], [sflag:$0x6] =	stream.linear.gather [hbm4b:s15+s3], $0x78, $0x38;
	[tilespmem:$0x1F580] =	vst v63  }
0x161: {  	_ =	swait.ge [sflag:s4], $0x78  }
0x162: {  	[sflag:s4] =	ssyncset.done $0x0  }
0x163: {  	[sflag:s4] =	ssyncadd.s32 $0xFFFFFF88  }
0x164: {  	_ =	swait.ge [sflag:s4], $0x78  }
0x165: {  	[sflag:s4] =	ssyncset.done $0x0  }
0x166: {  	s12 =	simm.s32 $0x13A00;
	[sflag:s4] =	ssyncadd.s32 $0xFFFFFF88  }
0x167: {  	[tilespmem:s29], [sflag:$0x7] =	stream.indirect.gather [hbm4b:s26+s14], $0x80, s12, s14, $0xb8;
	[tilespmem:$0x1F580] =	vst v63  }
0x168: {  	_ =	swait.ge [sflag:s31], $0x3C00  }
0x169: {  	[sflag:s31] =	ssyncset.done $0x0  }
0x16a: {  	s29 =	simm.s32 $0x13D80;
	[sflag:s31] =	ssyncadd.s32 $0xFFFFC400  }
0x16b: {  	[spmem:s2] =	stream.indirect.scatter.add.f32 [tilespmem:s23], [sflag:$0xC], $0x80, s29, s14, $0xb8;
	[tilespmem:$0x1F580] =	vst v63  }
0x16c: {  	_ =	swait.ge [sflag:s0], $0x3C00  }
0x16d: {  	s17 =	rddreg [dreg:$0xb]  }
0x16e: {  	[sflag:s0] =	ssyncset.done $0x0;
	s21 =	rddreg [dreg:$0xa]  }
0x16f: {  	[sflag:s0] =	ssyncadd.s32 $0xFFFFC400;
	s7 =	sadd.s32 s6, s17;
	s17 =	simm.s32 $0x13880  }
0x170: {  	[tilespmem:s17], [sflag:$0x1] =	stream.linear.gather [hbm4b:s7+s3], $0x78, $0x38;
	[tilespmem:$0x1F580] =	vst v63  }
0x171: {  	s8 =	sadd.s32 s6, s21  }
0x172: {  	[tilespmem:s9], [sflag:$0x1] =	stream.linear.gather [hbm4b:s8+s3], $0x78, $0x38;
	[tilespmem:$0x1F580] =	vst v63  }
0x173: {  	_ =	swait.ge [sflag:s1], $0x78  }
0x174: {  	[sflag:s1] =	ssyncset.done $0x0  }
0x175: {  	[sflag:s1] =	ssyncadd.s32 $0xFFFFFF88  }
0x176: {  	_ =	swait.ge [sflag:s1], $0x78  }
0x177: {  	[sflag:s1] =	ssyncset.done $0x0  }
0x178: {  	s22 =	simm.s32 $0x7;
	s23 =	simm.s32 $0x17C80;
	[sflag:s1] =	ssyncadd.s32 $0xFFFFFF88  }
0x179: {  	[tilespmem:s23], [sflag:$0x8] =	stream.indirect.gather [hbm4b:s26+s14], $0x80, s30, s14, $0xb8;
	[tilespmem:$0x1F580] =	vst v63  }
0x17a: {  	_ =	swait.ge [sflag:s22], $0x3C00  }
0x17b: {  	[sflag:s22] =	ssyncset.done $0x0  }
0x17c: {  	s15 =	simm.s32 $0x14080;
	s9 =	simm.s32 $0x13E00;
	[sflag:s22] =	ssyncadd.s32 $0xFFFFC400  }
0x17d: {  	[spmem:s2] =	stream.indirect.scatter.add.f32 [tilespmem:s15], [sflag:$0xA], $0x80, s9, s14, $0xb8;
	[tilespmem:$0x1F580] =	vst v63  }
0x17e: {  	_ =	swait.ge [sflag:s28], $0x3C00  }
0x17f: {  	s15 =	rddreg [dreg:$0x9];
	[sflag:s28] =	ssyncset.done $0x0  }
0x180: {  	s8 =	rddreg [dreg:$0x8];
	[sflag:s28] =	ssyncadd.s32 $0xFFFFC400;
	s7 =	sadd.s32 s6, s15  }
0x181: {  	[tilespmem:s20], [sflag:$0x2] =	stream.linear.gather [hbm4b:s7+s3], $0x78, $0x38;
	[tilespmem:$0x1F580] =	vst v63  }
0x182: {  	s8 =	sadd.s32 s6, s8  }
0x183: {  	[tilespmem:s11], [sflag:$0x2] =	stream.linear.gather [hbm4b:s8+s3], $0x78, $0x38;
	[tilespmem:$0x1F580] =	vst v63  }
0x184: {  	_ =	swait.ge [sflag:s18], $0x78  }
0x185: {  	[sflag:s18] =	ssyncset.done $0x0  }
0x186: {  	[sflag:s18] =	ssyncadd.s32 $0xFFFFFF88  }
0x187: {  	_ =	swait.ge [sflag:s18], $0x78  }
0x188: {  	[sflag:s18] =	ssyncset.done $0x0  }
0x189: {  	s25 =	simm.s32 $0x8;
	s13 =	simm.s32 $0x1B880;
	[sflag:s18] =	ssyncadd.s32 $0xFFFFFF88  }
0x18a: {  	[tilespmem:s13], [sflag:$0x9] =	stream.indirect.gather [hbm4b:s26+s14], $0x80, s19, s14, $0xb8;
	[tilespmem:$0x1F580] =	vst v63  }
0x18b: {  	_ =	swait.ge [sflag:s25], $0x3C00  }
0x18c: {  	[sflag:s25] =	ssyncset.done $0x0  }
0x18d: {  	[sflag:s25] =	ssyncadd.s32 $0xFFFFC400;
	s25 =	simm.s32 $0xA  }
0x18e: {  	[spmem:s2] =	stream.indirect.scatter.add.f32 [tilespmem:s23], [sflag:$0xB], $0x80, s16, s14, $0xb8;
	[tilespmem:$0x1F580] =	vst v63  }
0x18f: {  	_ =	swait.ge [sflag:s25], $0x3C00  }
0x190: {  	s11 =	rddreg [dreg:$0x7];
	[sflag:s25] =	ssyncset.done $0x0  }
0x191: {  	s20 =	rddreg [dreg:$0x6];
	[sflag:s25] =	ssyncadd.s32 $0xFFFFC400;
	s7 =	sadd.s32 s6, s11  }
0x192: {  	[tilespmem:s10], [sflag:$0x3] =	stream.linear.gather [hbm4b:s7+s3], $0x78, $0x38;
	[tilespmem:$0x1F580] =	vst v63  }
0x193: {  	s13 =	simm.s32 $0x1;
	s8 =	sadd.s32 s6, s20  }
0x194: {  	[tilespmem:s29], [sflag:$0x3] =	stream.linear.gather [hbm4b:s8+s3], $0x78, $0x38;
	[tilespmem:$0x1F580] =	vst v63  }
0x195: {  	_ =	swait.ge [sflag:s13], $0x78  }
0x196: {  	[sflag:s13] =	ssyncset.done $0x0  }
0x197: {  	[sflag:s13] =	ssyncadd.s32 $0xFFFFFF88  }
0x198: {  	_ =	swait.ge [sflag:s13], $0x78  }
0x199: {  	[sflag:s13] =	ssyncset.done $0x0  }
0x19a: {  	s29 =	simm.s32 $0x14080;
	[sflag:s13] =	ssyncadd.s32 $0xFFFFFF88  }
0x19b: {  	[tilespmem:s29], [sflag:$0x7] =	stream.indirect.gather [hbm4b:s26+s14], $0x80, s17, s14, $0xb8;
	[tilespmem:$0x1F580] =	vst v63  }
0x19c: {  	_ =	swait.ge [sflag:s31], $0x3C00  }
0x19d: {  	[sflag:s31] =	ssyncset.done $0x0  }
0x19e: {  	s23 =	simm.s32 $0x1B880;
	[sflag:s31] =	ssyncadd.s32 $0xFFFFC400  }
0x19f: {  	[spmem:s2] =	stream.indirect.scatter.add.f32 [tilespmem:s23], [sflag:$0xC], $0x80, s24, s14, $0xb8;
	[tilespmem:$0x1F580] =	vst v63  }
0x1a0: {  	_ =	swait.ge [sflag:s0], $0x3C00  }
0x1a1: {  	p3 =	sne.s32 s5, $0x8CA;
	s10 =	rddreg [dreg:$0x5];
	[sflag:s0] =	ssyncset.done $0x0  }
0x1a2: {  	s8 =	rddreg [dreg:$0x4];
	[sflag:s0] =	ssyncadd.s32 $0xFFFFC400;
	s7 =	sadd.s32 s6, s10  }
0x1a3: {  	[tilespmem:s12], [sflag:$0x4] =	stream.linear.gather [hbm4b:s7+s3], $0x78, $0x38;
	[tilespmem:$0x1F580] =	vst v63  }
0x1a4: {  	s5 =	sadd.s32 $0x5A, s5;
	s16 =	simm.s32 $0x2;
	s6 =	sadd.s32 s6, s8  }
0x1a5: {  	[tilespmem:s9], [sflag:$0x4] =	stream.linear.gather [hbm4b:s6+s3], $0x78, $0x38;
	[tilespmem:$0x1F580] =	vst v63  }
0x1a6: {  	s21 =	simm.s32 $0x13C80;
	s30 =	simm.s32 $0x13D00;
	_ =	swait.ge [sflag:s16], $0x78  }
.Ltmp2:
0x1a7: {  	s22 =	simm.s32 $0x3;
	[sflag:s16] =	ssyncset.done $0x0;
	(pc) =	sbr.rel @p3 .LBB2_2-.Ltmp2, $4  }
0x1a8: {  	s15 =	simm.s32 $0x13900;
	s19 =	simm.s32 $0x7;
	[sflag:s16] =	ssyncadd.s32 $0xFFFFFF88  }
0x1a9: {  	s11 =	simm.s32 $0x13980;
	s20 =	simm.s32 $0x13D80;
	_ =	swait.ge [sflag:s16], $0x78  }
0x1aa: {  	s17 =	simm.s32 $0x17C80;
	s24 =	simm.s32 $0x8;
	[sflag:s16] =	ssyncset.done $0x0  }
0x1ab: {  	s10 =	simm.s32 $0x13A00;
	s7 =	simm.s32 $0x13E00;
	[sflag:s16] =	ssyncadd.s32 $0xFFFFFF88  }
0x1ac: {  	[tilespmem:s17], [sflag:$0x8] =	stream.indirect.gather [hbm4b:s26+s14], $0x80, s15, s14, $0xb8;
	[tilespmem:$0x1F580] =	vst v63  }
0x1ad: {  	_ =	swait.ge [sflag:s19], $0x3C00  }
0x1ae: {  	[sflag:s19] =	ssyncset.done $0x0  }
0x1af: {  	[sflag:s19] =	ssyncadd.s32 $0xFFFFC400  }
0x1b0: {  	[spmem:s2] =	stream.indirect.scatter.add.f32 [tilespmem:s29], [sflag:$0xA], $0x80, s21, s14, $0xb8;
	[tilespmem:$0x1F580] =	vst v63  }
0x1b1: {  	_ =	swait.ge [sflag:s28], $0x3C00  }
0x1b2: {  	[sflag:s28] =	ssyncset.done $0x0  }
0x1b3: {  	[sflag:s28] =	ssyncadd.s32 $0xFFFFC400  }
0x1b4: {  	_ =	swait.ge [sflag:s22], $0x78  }
0x1b5: {  	[sflag:s22] =	ssyncset.done $0x0  }
0x1b6: {  	[sflag:s22] =	ssyncadd.s32 $0xFFFFFF88  }
0x1b7: {  	_ =	swait.ge [sflag:s22], $0x78  }
0x1b8: {  	[sflag:s22] =	ssyncset.done $0x0  }
0x1b9: {  	[sflag:s22] =	ssyncadd.s32 $0xFFFFFF88  }
0x1ba: {  	[tilespmem:s23], [sflag:$0x9] =	stream.indirect.gather [hbm4b:s26+s14], $0x80, s11, s14, $0xb8;
	[tilespmem:$0x1F580] =	vst v63  }
0x1bb: {  	_ =	swait.ge [sflag:s24], $0x3C00  }
0x1bc: {  	[sflag:s24] =	ssyncset.done $0x0  }
0x1bd: {  	[sflag:s24] =	ssyncadd.s32 $0xFFFFC400  }
0x1be: {  	[spmem:s2] =	stream.indirect.scatter.add.f32 [tilespmem:s17], [sflag:$0xB], $0x80, s30, s14, $0xb8;
	[tilespmem:$0x1F580] =	vst v63  }
0x1bf: {  	_ =	swait.ge [sflag:s25], $0x3C00  }
0x1c0: {  	[sflag:s25] =	ssyncset.done $0x0  }
0x1c1: {  	[sflag:s25] =	ssyncadd.s32 $0xFFFFC400  }
0x1c2: {  	_ =	swait.ge [sflag:s4], $0x78  }
0x1c3: {  	[sflag:s4] =	ssyncset.done $0x0  }
0x1c4: {  	[sflag:s4] =	ssyncadd.s32 $0xFFFFFF88  }
0x1c5: {  	_ =	swait.ge [sflag:s4], $0x78  }
0x1c6: {  	[sflag:s4] =	ssyncset.done $0x0  }
0x1c7: {  	[sflag:s4] =	ssyncadd.s32 $0xFFFFFF88  }
0x1c8: {  	[tilespmem:s29], [sflag:$0x7] =	stream.indirect.gather [hbm4b:s26+s14], $0x80, s10, s14, $0xb8;
	[tilespmem:$0x1F580] =	vst v63  }
0x1c9: {  	_ =	swait.ge [sflag:s31], $0x3C00  }
0x1ca: {  	[sflag:s31] =	ssyncset.done $0x0  }
0x1cb: {  	[sflag:s31] =	ssyncadd.s32 $0xFFFFC400  }
0x1cc: {  	[spmem:s2] =	stream.indirect.scatter.add.f32 [tilespmem:s23], [sflag:$0xC], $0x80, s20, s14, $0xb8;
	[tilespmem:$0x1F580] =	vst v63  }
0x1cd: {  	_ =	swait.ge [sflag:s0], $0x3C00  }
0x1ce: {  	[sflag:s0] =	ssyncset.done $0x0  }
0x1cf: {  	[sflag:s0] =	ssyncadd.s32 $0xFFFFC400  }
0x1d0: {  	_ =	swait.ge [sflag:s19], $0x3C00  }
0x1d1: {  	[sflag:s19] =	ssyncset.done $0x0  }
0x1d2: {  	[sflag:s19] =	ssyncadd.s32 $0xFFFFC400  }
0x1d3: {  	[spmem:s2] =	stream.indirect.scatter.add.f32 [tilespmem:s29], [sflag:$0xA], $0x80, s7, s14, $0xb8;
	[tilespmem:$0x1F580] =	vst v63  }
0x1d4: {  	_ =	swait.ge [sflag:s28], $0x3C00  }
0x1d5: {  	[sflag:s28] =	ssyncset.done $0x0  }
0x1d6: {  	[sflag:s28] =	ssyncadd.s32 $0xFFFFC400  }
0x1d7: {  	_ =	swait.ge [sflag:s25], $0x3C00  }
0x1d8: {  	[sflag:s25] =	ssyncset.done $0x0  }
0x1d9: {  	s5 =	simm.s32 $0xD;
	[sflag:s25] =	ssyncadd.s32 $0xFFFFC400  }
0x1da: {  	_ =	swait.ge [sflag:s5], $0x50  }
0x1db: {  	[sflag:s5] =	ssyncset.done $0x0  }
0x1dc: {  	[sflag:s5] =	ssyncadd.s32 $0xFFFFFFB0  }
0x1dd: {  	_ =	swait.ge [sflag:s5], $0x50  }
0x1de: {  	[sflag:s5] =	ssyncset.done $0x0  }
0x1df: {  	s6 =	simm.s32 $0x50;
	s7 =	simm.s32 $0x1F480;
	[sflag:s5] =	ssyncadd.s32 $0xFFFFFFB0  }
0x1e0: {  	[tilespmem:s23], [sflag:$0xD] =	stream.indirect.gather [hbm4b:s26+s6], $0x80, s7, s6, $0xb8;
	[tilespmem:$0x1F580] =	vst v63  }
0x1e1: {  	_ =	swait.ge [sflag:s5], $0x2800  }
0x1e2: {  	[sflag:s5] =	ssyncset.done $0x0  }
0x1e3: {  	s8 =	simm.s32 $0x1F500;
	s30 =	simm.s32 $0xE;
	[sflag:s5] =	ssyncadd.s32 $0xFFFFD800  }
0x1e4: {  	[spmem:s2] =	stream.indirect.scatter.add.f32 [tilespmem:s23], [sflag:$0xE], $0x80, s8, s6, $0xb8;
	[tilespmem:$0x1F580] =	vst v63  }
.Ltmp3:
0x1e5: {  	_ =	swait.ge [sflag:s30], $0x2800;
	(pc) =	sbr.rel @!p0 .LBB2_4-.Ltmp3, $4  }
0x1e6: {  	[sflag:s30] =	ssyncset.done $0x0  }
0x1e7: {  	[sflag:s30] =	ssyncadd.s32 $0xFFFFD800  }
0x1e8: {  	s9 =	simm.s32 $0x13C80;
	[bflag:$0x0] =	sbarrier.arrive $0xFFFF  }
0x1e9: {  	s12 =	simm.s32 $0x13D80;
	s21 =	simm.s32 $0x13E00;
	s11 =	simm.s32 $0x13D00  }
0x1ea: {  	s5 =	sld [smem:$0x7FB]  }
0x1eb: {  	s10 =	sld [smem:$0x7EE]  }
0x1ec: {  	s6 =	sld [smem:$0x7ED];
	_ =	sdelay $0x2  }
0x1ed: {  	[hbm:s5], [sflag:s10] =	dma.local [spmem:s6], $0x2700  }
.Ltmp4:
0x1ee: {  	_ = 	snop;
	(pc) =	sbr.rel @p1 .LBB2_7-.Ltmp4, $4  }
.Ltmp5:
0x1ef: {  	_ = 	snop;
	(pc) =	sbr.rel @!p1 .LBB2_6-.Ltmp5, $4  }
0x1f0: {  	_ =	swait.ge [sflag:s30], $0x2700  }
0x1f1: {  	[sflag:s30] =	ssyncset.done $0x0;
	s5 =	sld [smem:$0x7FA]  }
0x1f2: {  	s20 =	sld [smem:$0x7EC];
	[sflag:s30] =	ssyncadd.s32 $0xFFFFD900  }
0x1f3: {  	_ = 	snop  }
.LBB2_4:
0x1f4: {  	s5 =	sld [smem:$0x7F9]  }
0x1f5: {  	s10 =	sld [smem:$0x7EE]  }
0x1f6: {  	s6 =	sld [smem:$0x7ED];
	_ =	sdelay $0x2  }
0x1f7: {  	[hbm:s5], [sflag:s10] =	dma.local [spmem:s6], $0x2700  }
.Ltmp6:
0x1f8: {  	_ = 	snop;
	(pc) =	sbr.rel @p2 .LBB2_6-.Ltmp6, $4  }
.Ltmp7:
0x1f9: {  	_ = 	snop;
	(pc) =	sbr.rel @!p2 .LBB2_7-.Ltmp7, $4  }
0x1fa: {  	_ =	swait.ge [sflag:s30], $0x2700  }
0x1fb: {  	[sflag:s30] =	ssyncset.done $0x0;
	s5 =	sld [smem:$0x7F8]  }
0x1fc: {  	s20 =	sld [smem:$0x7EC];
	[sflag:s30] =	ssyncadd.s32 $0xFFFFD900  }
0x1fd: {  	_ = 	snop  }
.LBB2_8:
0x1fe: {  	_ =	sfence.sel $0x180000  }
0x1ff: {  	[bflag:$0x0] =	sbarrier.arrive $0xFFFF  }
0x200: {  	_ =	strace $0x90000047  }
0x201: {  	s0 =	stileid.u32;
	[bflag:$0x2] =	sbarrier.arrive $0xFFFF  }
0x202: {  	p0 =	sne.s32 s0, $0x0;
	s0 =	rddreg [dreg:$0x3]  }
0x203: {  	s0 =	sadd.s32 @!p0 $0x100000, s0  }
0x204: {  	[sflag:s0] =	ssyncadd.tile.s32 @!p0 $0x1;
	_ =	shalt  }
.Lfunc_end2:
_tile_overlayer_lowered:
.L_overlay_start_2:
0x205: {  	(tag) =	ssettag $0x2  }
0x206: {  	s0 =	rddreg [dreg:$0x0];
	s2 =	stileid.u32  }
0x207: {  	s1 =	rddreg [dreg:$0x1];
	p0 =	sne.s32 s2, $0x0  }
0x208: {  	s3 =	rddreg [dreg:$0x2];
	[bflag:$0x3] =	sbarrier.arrive $0xFFFF;
	s2 =	simm.s32 @!p0 $0x1C0E  }
0x209: {  	[timem:s3], [sflag:s2] =	dma.local @!p0 [hbm:s0], s1  }
0x20a: {  	s0 =	simm.s32 @!p0 $0xE  }
0x20b: {  	_ =	swait.ge @!p0 [sflag:s0], s1  }
0x20c: {  	s1 =	ssub.s32 @!p0 $0x0, s1;
	[sflag:s0] =	ssyncset.done @!p0 $0x0  }
0x20d: {  	[sflag:s0] =	ssyncadd.s32 @!p0 s1  }
0x20e: {  	[bflag:$0x3] =	sbarrier.arrive $0xFFFF  }
0x20f: {  	_ =	shalt  }

</sc_bundles>
